<compile_context>
chip_gen: v7x
topology: tpu7x:2x2x1
jax: 0.10.2.dev20260603
libtpu: 0.0.44.dev20260713+nightly
codegen_flags: <defaults>
</compile_context>

<pallas_src>
import functools

import jax
import jax.numpy as jnp
from jax import lax
from jax.experimental import pallas as pl
from jax.experimental.pallas import tpu as pltpu
from jax.experimental.pallas import tpu_sc as plsc

NC = 2
NS = 16
NW = NC * NS
CH = 128
K = 6


def _sc_mesh():
    return plsc.VectorSubcoreMesh(core_axis_name="c", subcore_axis_name="s")


def _make_deg_kernel(npad, ncls, nchw, ntail):
    @functools.partial(
        pl.kernel,
        out_type=jax.ShapeDtypeStruct((NC, npad, ncls), jnp.float32),
        mesh=_sc_mesh(),
        compiler_params=pltpu.CompilerParams(use_tc_tiling_on_sc=False),
        scratch_types=[
            pltpu.VMEM((nchw, CH), jnp.int32),
            pltpu.VMEM((1, CH), jnp.int32),
            pltpu.VMEM((CH, ncls), jnp.float32),
            pltpu.VMEM_SHARED((npad, ncls), jnp.float32),
            pltpu.SemaphoreType.DMA,
        ],
    )
    def deg_kernel(edge_hbm, ones_hbm, zeros_hbm, out_hbm,
                   idx_v, tidx_v, ones_v, acc_sh, sem):
        c = lax.axis_index("c")
        s = lax.axis_index("s")
        wid = c * NS + s
        pltpu.sync_copy(edge_hbm.at[1].at[pl.ds(wid * nchw, nchw)], idx_v)
        pltpu.sync_copy(ones_hbm, ones_v)

        @pl.when(s == 0)
        def _():
            pltpu.sync_copy(zeros_hbm, acc_sh)

        @pl.when(wid < ntail)
        def _():
            pltpu.sync_copy(edge_hbm.at[1].at[pl.ds(NW * nchw + wid, 1)],
                            tidx_v)

        plsc.subcore_barrier()

        def body(g, carry):
            for b in range(K):
                pltpu.async_copy(ones_v, acc_sh.at[idx_v.at[g + b]], sem,
                                 add=True)
            for b in range(K):
                pltpu.make_async_copy(ones_v, acc_sh.at[idx_v.at[g + b]],
                                      sem).wait()
            return carry

        lax.fori_loop(0, nchw // K, lambda g, cr: body(g * K, cr), 0,
                      unroll=False)

        @pl.when(wid < ntail)
        def _():
            pltpu.sync_copy(ones_v, acc_sh.at[tidx_v.at[0]], add=True)

        plsc.subcore_barrier()

        @pl.when(s == 0)
        def _():
            pltpu.sync_copy(acc_sh, out_hbm.at[c])

    return deg_kernel


def _make_agg_kernel(npad, ncls, nchw, ntail):
    @functools.partial(
        pl.kernel,
        out_type=jax.ShapeDtypeStruct((NC, npad, ncls), jnp.float32),
        mesh=_sc_mesh(),
        compiler_params=pltpu.CompilerParams(use_tc_tiling_on_sc=False),
        scratch_types=[
            pltpu.VMEM((nchw, CH), jnp.int32),
            pltpu.VMEM((nchw, CH), jnp.int32),
            pltpu.VMEM((1, CH), jnp.int32),
            pltpu.VMEM((1, CH), jnp.int32),
            pltpu.VMEM((2, K, CH, ncls), jnp.float32),
            pltpu.VMEM((CH, ncls), jnp.float32),
            pltpu.VMEM_SHARED((npad, ncls), jnp.float32),
            pltpu.VMEM_SHARED((npad, ncls), jnp.float32),
            pltpu.SemaphoreType.DMA,
            pltpu.SemaphoreType.DMA,
        ],
    )
    def agg_kernel(edge_hbm, z_hbm, zeros_hbm,
                   out_hbm, src_v, dst_v, ts_v, td_v, rows_v, trows_v,
                   acc_sh, z_sh, gsem, ssem):
        c = lax.axis_index("c")
        s = lax.axis_index("s")
        wid = c * NS + s
        pltpu.sync_copy(edge_hbm.at[0].at[pl.ds(wid * nchw, nchw)], src_v)
        pltpu.sync_copy(edge_hbm.at[1].at[pl.ds(wid * nchw, nchw)], dst_v)

        @pl.when(s == 0)
        def _():
            pltpu.sync_copy(zeros_hbm, acc_sh)

        @pl.when(s == 1)
        def _():
            pltpu.sync_copy(z_hbm, z_sh)

        @pl.when(wid < ntail)
        def _():
            pltpu.sync_copy(edge_hbm.at[0].at[pl.ds(NW * nchw + wid, 1)],
                            ts_v)
            pltpu.sync_copy(edge_hbm.at[1].at[pl.ds(NW * nchw + wid, 1)],
                            td_v)

        plsc.subcore_barrier()

        ng = nchw // K

        def fire_gathers(g, p):
            for b in range(K):
                pltpu.async_copy(z_sh.at[src_v.at[g * K + b]],
                                 rows_v.at[p].at[b], gsem)

        def drain_gathers(g, p):
            for b in range(K):
                pltpu.make_async_copy(z_sh.at[src_v.at[g * K + b]],
                                      rows_v.at[p].at[b], gsem).wait()

        def fire_scatters(g, p):
            for b in range(K):
                pltpu.async_copy(rows_v.at[p].at[b],
                                 acc_sh.at[dst_v.at[g * K + b]],
                                 ssem, add=True)

        def drain_scatters(g, p):
            for b in range(K):
                pltpu.make_async_copy(rows_v.at[p].at[b],
                                      acc_sh.at[dst_v.at[g * K + b]],
                                      ssem).wait()

        fire_gathers(0, 0)

        def body(g, carry):
            p = lax.rem(g, 2)
            drain_gathers(g, p)

            @pl.when(g < ng - 1)
            def _():
                @pl.when(g >= 1)
                def _():
                    drain_scatters(g - 1, 1 - p)

                fire_gathers(g + 1, 1 - p)

            fire_scatters(g, p)
            return carry

        lax.fori_loop(0, ng, body, 0, unroll=False)
        drain_scatters(ng - 2, (ng - 2) % 2)
        drain_scatters(ng - 1, (ng - 1) % 2)

        @pl.when(wid < ntail)
        def _():
            pltpu.async_copy(z_sh.at[ts_v.at[0]], trows_v, gsem).wait()
            pltpu.sync_copy(trows_v, acc_sh.at[td_v.at[0]], add=True)

        plsc.subcore_barrier()

        @pl.when(s == 0)
        def _():
            pltpu.sync_copy(acc_sh, out_hbm.at[c])

    return agg_kernel


def _xw_body(h2_ref, w2_ref, xw_ref):
    xw_ref[...] = jnp.dot(h2_ref[...], w2_ref[...],
                          preferred_element_type=jnp.float32)


def _z_body(xw_ref, deg_ref, z_ref, de_ref):
    deg_exp = deg_ref[0] + deg_ref[1] + 1.0
    dis_exp = lax.rsqrt(deg_exp)
    z_ref[...] = dis_exp * xw_ref[...]
    de_ref[...] = dis_exp


def _loss_body(agg_ref, z_ref, de_ref, y_ref, b_ref, r_ref, out_ref):
    nr, nl = z_ref.shape
    out = de_ref[...] * (agg_ref[0] + agg_ref[1] + z_ref[...]) + b_ref[...]
    valid = lax.broadcasted_iota(jnp.int32, (nr, nl), 0) < 625
    validf = valid.astype(jnp.float32)
    gmax = jnp.max(jnp.where(valid, out, -jnp.inf))
    ex = jnp.exp(out - gmax) * validf
    sums16 = lax.dot_general(ex, r_ref[...], (((1,), (1,)), ((), ())),
                             preferred_element_type=jnp.float32)
    valid16 = lax.broadcasted_iota(jnp.int32, sums16.shape, 0) < 625
    lse_sum = jnp.sum(jnp.log(sums16 + (1.0 - valid16.astype(jnp.float32))))
    y_exp = jnp.dot(y_ref[...].astype(jnp.float32), r_ref[...],
                    preferred_element_type=jnp.float32)
    cls_f = (lax.broadcasted_iota(jnp.int32, (nr, nl), 1) % 8
             ).astype(jnp.float32)
    picked = jnp.sum(jnp.where(cls_f == y_exp, out, 0.0) * validf)
    n = 10000.0
    loss = (n * gmax + lse_sum - picked) / n
    out_ref[...] = jnp.full((1, 1), loss, jnp.float32)


def kernel(hiddens, edge_index, y, W, b):
    n, hid = hiddens.shape
    ncls = W.shape[1]
    e = edge_index.shape[1]
    npad = 10240
    nchw = 78
    emain = NW * nchw * CH
    ntail = (e - emain) // CH
    assert emain + ntail * CH == e and ncls == 8 and n == 10000

    edge3 = edge_index.reshape(2, e // CH, CH)
    ones_ch8 = jnp.ones((CH, ncls), jnp.float32)
    zeros_n8 = jnp.zeros((npad, ncls), jnp.float32)

    R = (jnp.eye(16, dtype=jnp.float32)[:, :, None]
         * jnp.ones((ncls,), jnp.float32)).reshape(16, 128)
    y16 = jnp.pad(y, (0, npad - n)).reshape(npad // 16, 16)
    b128 = jnp.tile(b, 16).reshape(1, 128)
    W2 = (jnp.eye(16, dtype=jnp.float32)[:, None, :, None]
          * W[None, :, None, :]).reshape(16 * hid, 128)
    h2 = jnp.pad(hiddens.reshape(n // 16, 16 * hid), ((0, 15), (0, 0)))

    deg2 = _make_deg_kernel(npad, ncls, nchw, ntail)(edge3, ones_ch8,
                                                     zeros_n8)

    xw = pl.pallas_call(
        _xw_body,
        out_shape=jax.ShapeDtypeStruct((npad // 16, 128), jnp.float32),
    )(h2, W2)

    z, dis_exp = pl.pallas_call(
        _z_body,
        out_shape=[
            jax.ShapeDtypeStruct((npad // 16, 128), jnp.float32),
            jax.ShapeDtypeStruct((npad // 16, 128), jnp.float32),
        ],
    )(xw, deg2.reshape(NC, npad // 16, 128))

    agg2 = _make_agg_kernel(npad, ncls, nchw, ntail)(
        edge3, z.reshape(npad, ncls), zeros_n8)

    loss = pl.pallas_call(
        _loss_body,
        out_shape=jax.ShapeDtypeStruct((1, 1), jnp.float32),
    )(agg2.reshape(NC, npad // 16, 128), z, dis_exp, y16, b128, R)

    return loss.reshape(())

# --- scband reference (transcript-rebuilt; emitter-appended) ---
"""Pipeline reference for scband-gcndomain-adaptation-46471546143560 (READ-ONLY COPY).

The authoritative reference and input builder live on the scoring server;
editing this copy changes nothing except your own understanding.
"""

import jax, jax.numpy as jnp
import numpy as np

N = 10000
E = 320000
HID = 128
NCLS = 8


@jax.custom_vjp
def rev_grad(x):
    return x

def _rg_fwd(x):
    return x, None

def _rg_bwd(_, g):
    return (-g,)

rev_grad.defvjp(_rg_fwd, _rg_bwd)


def setup_inputs(seed: int = 0) -> dict:
    key = jax.random.key(seed)
    k1, k2, k3, k4 = jax.random.split(key, 4)
    hiddens = jax.random.normal(k1, (N, HID), dtype=jnp.float32)
    edge_index = jax.random.randint(k2, (2, E), 0, N, dtype=jnp.int32)
    y = jax.random.randint(k3, (N,), 0, NCLS, dtype=jnp.int32)
    # GCNConv learned parameters (hidden_c -> no_cls), glorot-ish init
    W = jax.random.normal(k4, (HID, NCLS), dtype=jnp.float32) * (1.0 / np.sqrt(HID))
    b = jnp.zeros((NCLS,), dtype=jnp.float32)
    return {"hiddens": hiddens, "edge_index": edge_index, "y": y, "W": W, "b": b}


def gcn_conv(x, edge_index, W, b):
    # Standard GCNConv: add self-loops, symmetric D^{-1/2} A_hat D^{-1/2} normalization
    n = x.shape[0]
    src = edge_index[0]
    dst = edge_index[1]
    loop = jnp.arange(n, dtype=src.dtype)
    src = jnp.concatenate([src, loop])
    dst = jnp.concatenate([dst, loop])
    deg = jnp.zeros((n,), dtype=x.dtype).at[dst].add(1.0)
    deg_inv_sqrt = jnp.where(deg > 0, jax.lax.rsqrt(jnp.maximum(deg, 1e-12)), 0.0)
    norm = deg_inv_sqrt[src] * deg_inv_sqrt[dst]
    xw = x @ W
    msg = jnp.take(xw, src, axis=0) * norm[:, None]
    out = jnp.zeros((n, xw.shape[1]), dtype=x.dtype).at[dst].add(msg)
    return out + b


def domain_adaptation_loss(pred_da, y):
    logp = jax.nn.log_softmax(pred_da, axis=-1)
    nll = -jnp.take_along_axis(logp, y[:, None].astype(jnp.int32), axis=1)[:, 0]
    return jnp.mean(nll)


def reference(hiddens, edge_index, y, W, b):
    h = rev_grad(hiddens)
    emb_da = gcn_conv(h, edge_index, W, b)
    loss_da = domain_adaptation_loss(emb_da, y)
    return loss_da

if __name__ == "__main__":
    import jax
    _d = setup_inputs()
    print(jax.jit(kernel)(*tuple(_d.values())))

</pallas_src>

<mosaic_0001>
#map = affine_map<(d0, d1) -> (0, 0, 0)>
#map1 = affine_map<(d0, d1) -> (0, 0)>
module attributes {stable_mosaic.version = 14 : i64} {
  func.func @deg_kernel(%arg0: i32, %arg1: i32, %arg2: memref<2x2500x128xi32, #tpu.memory_space<hbm>>, %arg3: memref<128x8xf32, #tpu.memory_space<hbm>>, %arg4: memref<10240x8xf32, #tpu.memory_space<hbm>>, %arg5: memref<2x10240x8xf32, #tpu.memory_space<hbm>>, %arg6: memref<78x128xi32, #tpu.memory_space<vmem>>, %arg7: memref<1x128xi32, #tpu.memory_space<vmem>>, %arg8: memref<128x8xf32, #tpu.memory_space<vmem>>, %arg9: memref<10240x8xf32, #tpu.memory_space<vmem_shared>>, %arg10: memref<!tpu.dma_semaphore, #tpu.memory_space<semaphore_mem>>) attributes {dimension_semantics = [#tpu.dimension_semantics<core_parallel>, #tpu.dimension_semantics<subcore_parallel>], iteration_bounds = array<i64: 2, 16>, scalar_prefetch = 0 : i64, scratch_operands = 5 : i64, tpu.core_type = #tpu.core_type<sc_vector_subcore>, window_params = [{transform_indices = #map}, {transform_indices = #map1}, {transform_indices = #map1}, {transform_indices = #map}]} {
    %mul3A = arith.constant 16 : i32
    %mul3A_0 = arith.muli %arg0, %mul3A : i32
    %add3A = arith.addi %mul3A_0, %arg1 : i32
    %mul3A_1 = arith.constant 78 : i32
    %mul3A_2 = arith.muli %add3A, %mul3A_1 : i32
    %run_scoped3A = arith.constant 1 : i32
    "tpu.region"() ({
      %run_scoped3A_25 = tpu.sem_alloc : memref<!tpu.dma_semaphore, #tpu.memory_space<semaphore_mem>>
      %dma_start3A = arith.constant 0 : i32
      %dma_start3A_26 = arith.constant 0 : i32
      %dma_start3A_27 = tpu.memref_slice %arg2[%run_scoped3A, %dma_start3A, %dma_start3A_26] : memref<2x2500x128xi32, #tpu.memory_space<hbm>> -> memref<1x2500x128xi32, #tpu.memory_space<hbm>>
      %dma_start3A_28 = tpu.memref_squeeze %dma_start3A_27 : memref<1x2500x128xi32, #tpu.memory_space<hbm>> -> memref<2500x128xi32, #tpu.memory_space<hbm>>
      %dma_start3A_29 = arith.constant 0 : i32
      %dma_start3A_30 = tpu.memref_slice %dma_start3A_28[%mul3A_2, %dma_start3A_29] : memref<2500x128xi32, #tpu.memory_space<hbm>> -> memref<78x128xi32, #tpu.memory_space<hbm>>
      %dma_start3A_31 = arith.constant 0 : i32
      %dma_start3A_32 = arith.constant 0 : i32
      %dma_start3A_33 = tpu.memref_slice %arg2[%run_scoped3A, %dma_start3A_31, %dma_start3A_32] : memref<2x2500x128xi32, #tpu.memory_space<hbm>> -> memref<1x2500x128xi32, #tpu.memory_space<hbm>>
      %dma_start3A_34 = tpu.memref_squeeze %dma_start3A_33 : memref<1x2500x128xi32, #tpu.memory_space<hbm>> -> memref<2500x128xi32, #tpu.memory_space<hbm>>
      %dma_start3A_35 = arith.constant 0 : i32
      %dma_start3A_36 = tpu.memref_slice %dma_start3A_34[%mul3A_2, %dma_start3A_35] : memref<2500x128xi32, #tpu.memory_space<hbm>> -> memref<78x128xi32, #tpu.memory_space<hbm>>
      tpu.enqueue_dma source(%dma_start3A_36 : memref<78x128xi32, #tpu.memory_space<hbm>>) target(%arg6 : memref<78x128xi32, #tpu.memory_space<vmem>>) target_semaphore(%run_scoped3A_25 : memref<!tpu.dma_semaphore, #tpu.memory_space<semaphore_mem>>)
      %dma_wait3A = arith.constant 0 : i32
      %dma_wait3A_37 = arith.constant 0 : i32
      %dma_wait3A_38 = tpu.memref_slice %arg2[%run_scoped3A, %dma_wait3A, %dma_wait3A_37] : memref<2x2500x128xi32, #tpu.memory_space<hbm>> -> memref<1x2500x128xi32, #tpu.memory_space<hbm>>
      %dma_wait3A_39 = tpu.memref_squeeze %dma_wait3A_38 : memref<1x2500x128xi32, #tpu.memory_space<hbm>> -> memref<2500x128xi32, #tpu.memory_space<hbm>>
      %dma_wait3A_40 = arith.constant 0 : i32
      %dma_wait3A_41 = tpu.memref_slice %dma_wait3A_39[%mul3A_2, %dma_wait3A_40] : memref<2500x128xi32, #tpu.memory_space<hbm>> -> memref<78x128xi32, #tpu.memory_space<hbm>>
      %dma_wait3A_42 = arith.constant 0 : i32
      %dma_wait3A_43 = arith.constant 0 : i32
      %dma_wait3A_44 = tpu.memref_slice %arg2[%run_scoped3A, %dma_wait3A_42, %dma_wait3A_43] : memref<2x2500x128xi32, #tpu.memory_space<hbm>> -> memref<1x2500x128xi32, #tpu.memory_space<hbm>>
      %dma_wait3A_45 = tpu.memref_squeeze %dma_wait3A_44 : memref<1x2500x128xi32, #tpu.memory_space<hbm>> -> memref<2500x128xi32, #tpu.memory_space<hbm>>
      %dma_wait3A_46 = arith.constant 0 : i32
      %dma_wait3A_47 = tpu.memref_slice %dma_wait3A_45[%mul3A_2, %dma_wait3A_46] : memref<2500x128xi32, #tpu.memory_space<hbm>> -> memref<78x128xi32, #tpu.memory_space<hbm>>
      tpu.wait_dma2 semaphore(%run_scoped3A_25 : memref<!tpu.dma_semaphore, #tpu.memory_space<semaphore_mem>>) src(%dma_wait3A_47 : memref<78x128xi32, #tpu.memory_space<hbm>>) dst(%arg6 : memref<78x128xi32, #tpu.memory_space<vmem>>)
      tpu.yield
    }) : () -> ()
    "tpu.region"() ({
      %run_scoped3A_25 = tpu.sem_alloc : memref<!tpu.dma_semaphore, #tpu.memory_space<semaphore_mem>>
      tpu.enqueue_dma source(%arg3 : memref<128x8xf32, #tpu.memory_space<hbm>>) target(%arg8 : memref<128x8xf32, #tpu.memory_space<vmem>>) target_semaphore(%run_scoped3A_25 : memref<!tpu.dma_semaphore, #tpu.memory_space<semaphore_mem>>)
      tpu.wait_dma2 semaphore(%run_scoped3A_25 : memref<!tpu.dma_semaphore, #tpu.memory_space<semaphore_mem>>) src(%arg3 : memref<128x8xf32, #tpu.memory_space<hbm>>) dst(%arg8 : memref<128x8xf32, #tpu.memory_space<vmem>>)
      tpu.yield
    }) : () -> ()
    %eq3A = arith.constant 0 : i32
    %eq3A_3 = arith.cmpi eq, %arg1, %eq3A : i32
    %convert_element_type3A = arith.extui %eq3A_3 : i1 to i32
    %cond3A = arith.constant 0 : i32
    %cond3A_4 = arith.cmpi ne, %convert_element_type3A, %cond3A : i32
    scf.if %cond3A_4 {
      "tpu.region"() ({
        %run_scoped3A_25 = tpu.sem_alloc : memref<!tpu.dma_semaphore, #tpu.memory_space<semaphore_mem>>
        tpu.enqueue_dma source(%arg4 : memref<10240x8xf32, #tpu.memory_space<hbm>>) target(%arg9 : memref<10240x8xf32, #tpu.memory_space<vmem_shared>>) target_semaphore(%run_scoped3A_25 : memref<!tpu.dma_semaphore, #tpu.memory_space<semaphore_mem>>)
        tpu.wait_dma2 semaphore(%run_scoped3A_25 : memref<!tpu.dma_semaphore, #tpu.memory_space<semaphore_mem>>) src(%arg4 : memref<10240x8xf32, #tpu.memory_space<hbm>>) dst(%arg9 : memref<10240x8xf32, #tpu.memory_space<vmem_shared>>)
        tpu.yield
      }) : () -> ()
    } else {
    }
    %lt3A = arith.constant 4 : i32
    %lt3A_5 = arith.cmpi slt, %add3A, %lt3A : i32
    %convert_element_type3A_6 = arith.extui %lt3A_5 : i1 to i32
    %cond3A_7 = arith.constant 0 : i32
    %cond3A_8 = arith.cmpi ne, %convert_element_type3A_6, %cond3A_7 : i32
    scf.if %cond3A_8 {
      %add3A_25 = arith.constant 2496 : i32
      %add3A_26 = arith.addi %add3A_25, %add3A : i32
      %run_scoped3A_27 = arith.constant 1 : i32
      "tpu.region"() ({
        %run_scoped3A_28 = tpu.sem_alloc : memref<!tpu.dma_semaphore, #tpu.memory_space<semaphore_mem>>
        %dma_start3A = arith.constant 0 : i32
        %dma_start3A_29 = arith.constant 0 : i32
        %dma_start3A_30 = tpu.memref_slice %arg2[%run_scoped3A_27, %dma_start3A, %dma_start3A_29] : memref<2x2500x128xi32, #tpu.memory_space<hbm>> -> memref<1x2500x128xi32, #tpu.memory_space<hbm>>
        %dma_start3A_31 = tpu.memref_squeeze %dma_start3A_30 : memref<1x2500x128xi32, #tpu.memory_space<hbm>> -> memref<2500x128xi32, #tpu.memory_space<hbm>>
        %dma_start3A_32 = arith.constant 0 : i32
        %dma_start3A_33 = tpu.memref_slice %dma_start3A_31[%add3A_26, %dma_start3A_32] : memref<2500x128xi32, #tpu.memory_space<hbm>> -> memref<1x128xi32, #tpu.memory_space<hbm>>
        %dma_start3A_34 = arith.constant 0 : i32
        %dma_start3A_35 = arith.constant 0 : i32
        %dma_start3A_36 = tpu.memref_slice %arg2[%run_scoped3A_27, %dma_start3A_34, %dma_start3A_35] : memref<2x2500x128xi32, #tpu.memory_space<hbm>> -> memref<1x2500x128xi32, #tpu.memory_space<hbm>>
        %dma_start3A_37 = tpu.memref_squeeze %dma_start3A_36 : memref<1x2500x128xi32, #tpu.memory_space<hbm>> -> memref<2500x128xi32, #tpu.memory_space<hbm>>
        %dma_start3A_38 = arith.constant 0 : i32
        %dma_start3A_39 = tpu.memref_slice %dma_start3A_37[%add3A_26, %dma_start3A_38] : memref<2500x128xi32, #tpu.memory_space<hbm>> -> memref<1x128xi32, #tpu.memory_space<hbm>>
        tpu.enqueue_dma source(%dma_start3A_39 : memref<1x128xi32, #tpu.memory_space<hbm>>) target(%arg7 : memref<1x128xi32, #tpu.memory_space<vmem>>) target_semaphore(%run_scoped3A_28 : memref<!tpu.dma_semaphore, #tpu.memory_space<semaphore_mem>>)
        %dma_wait3A = arith.constant 0 : i32
        %dma_wait3A_40 = arith.constant 0 : i32
        %dma_wait3A_41 = tpu.memref_slice %arg2[%run_scoped3A_27, %dma_wait3A, %dma_wait3A_40] : memref<2x2500x128xi32, #tpu.memory_space<hbm>> -> memref<1x2500x128xi32, #tpu.memory_space<hbm>>
        %dma_wait3A_42 = tpu.memref_squeeze %dma_wait3A_41 : memref<1x2500x128xi32, #tpu.memory_space<hbm>> -> memref<2500x128xi32, #tpu.memory_space<hbm>>
        %dma_wait3A_43 = arith.constant 0 : i32
        %dma_wait3A_44 = tpu.memref_slice %dma_wait3A_42[%add3A_26, %dma_wait3A_43] : memref<2500x128xi32, #tpu.memory_space<hbm>> -> memref<1x128xi32, #tpu.memory_space<hbm>>
        %dma_wait3A_45 = arith.constant 0 : i32
        %dma_wait3A_46 = arith.constant 0 : i32
        %dma_wait3A_47 = tpu.memref_slice %arg2[%run_scoped3A_27, %dma_wait3A_45, %dma_wait3A_46] : memref<2x2500x128xi32, #tpu.memory_space<hbm>> -> memref<1x2500x128xi32, #tpu.memory_space<hbm>>
        %dma_wait3A_48 = tpu.memref_squeeze %dma_wait3A_47 : memref<1x2500x128xi32, #tpu.memory_space<hbm>> -> memref<2500x128xi32, #tpu.memory_space<hbm>>
        %dma_wait3A_49 = arith.constant 0 : i32
        %dma_wait3A_50 = tpu.memref_slice %dma_wait3A_48[%add3A_26, %dma_wait3A_49] : memref<2500x128xi32, #tpu.memory_space<hbm>> -> memref<1x128xi32, #tpu.memory_space<hbm>>
        tpu.wait_dma2 semaphore(%run_scoped3A_28 : memref<!tpu.dma_semaphore, #tpu.memory_space<semaphore_mem>>) src(%dma_wait3A_50 : memref<1x128xi32, #tpu.memory_space<hbm>>) dst(%arg7 : memref<1x128xi32, #tpu.memory_space<vmem>>)
        tpu.yield
      }) : () -> ()
    } else {
    }
    %barrier3A = arith.constant 0 : index
    tpu.barrier barrier_id(%barrier3A)
    %scan3A = arith.constant 0 : i32
    %scan3A_9 = arith.constant 0 : i32
    %scan3A_10 = arith.constant 13 : i32
    %scan3A_11 = arith.addi %scan3A_9, %scan3A_10 : i32
    %scan3A_12 = arith.constant 1 : i32
    scf.for %scan3A_25 = %scan3A_9 to %scan3A_11 step %scan3A_12  : i32 {
      %mul3A_26 = arith.constant 6 : i32
      %mul3A_27 = arith.muli %scan3A_25, %mul3A_26 : i32
      %add3A_28 = arith.constant 0 : i32
      %add3A_29 = arith.addi %mul3A_27, %add3A_28 : i32
      %dma_start3A = arith.constant 0 : i32
      %dma_start3A_30 = tpu.memref_slice %arg6[%add3A_29, %dma_start3A] : memref<78x128xi32, #tpu.memory_space<vmem>> -> memref<1x128xi32, #tpu.memory_space<vmem>>
      %dma_start3A_31 = tpu.memref_squeeze %dma_start3A_30 : memref<1x128xi32, #tpu.memory_space<vmem>> -> memref<128xi32, #tpu.memory_space<vmem>>
      %dma_start3A_32 = arith.constant 0 : i32
      %dma_start3A_33 = arith.constant 0 : i32
      %dma_start3A_34 = tpu.memref_slice %arg9[%dma_start3A_32, %dma_start3A_33] : memref<10240x8xf32, #tpu.memory_space<vmem_shared>> -> memref<10240x8xf32, #tpu.memory_space<vmem_shared>>
      tpu.enqueue_indirect_dma source(%arg8 : memref<128x8xf32, #tpu.memory_space<vmem>>) target(%dma_start3A_34 : memref<10240x8xf32, #tpu.memory_space<vmem_shared>>) offsets(%dma_start3A_31 : memref<128xi32, #tpu.memory_space<vmem>>) semaphore(%arg10 : memref<!tpu.dma_semaphore, #tpu.memory_space<semaphore_mem>>) {add = true}
      %add3A_35 = arith.constant 1 : i32
      %add3A_36 = arith.addi %mul3A_27, %add3A_35 : i32
      %dma_start3A_37 = arith.constant 0 : i32
      %dma_start3A_38 = tpu.memref_slice %arg6[%add3A_36, %dma_start3A_37] : memref<78x128xi32, #tpu.memory_space<vmem>> -> memref<1x128xi32, #tpu.memory_space<vmem>>
      %dma_start3A_39 = tpu.memref_squeeze %dma_start3A_38 : memref<1x128xi32, #tpu.memory_space<vmem>> -> memref<128xi32, #tpu.memory_space<vmem>>
      %dma_start3A_40 = arith.constant 0 : i32
      %dma_start3A_41 = arith.constant 0 : i32
      %dma_start3A_42 = tpu.memref_slice %arg9[%dma_start3A_40, %dma_start3A_41] : memref<10240x8xf32, #tpu.memory_space<vmem_shared>> -> memref<10240x8xf32, #tpu.memory_space<vmem_shared>>
      tpu.enqueue_indirect_dma source(%arg8 : memref<128x8xf32, #tpu.memory_space<vmem>>) target(%dma_start3A_42 : memref<10240x8xf32, #tpu.memory_space<vmem_shared>>) offsets(%dma_start3A_39 : memref<128xi32, #tpu.memory_space<vmem>>) semaphore(%arg10 : memref<!tpu.dma_semaphore, #tpu.memory_space<semaphore_mem>>) {add = true}
      %add3A_43 = arith.constant 2 : i32
      %add3A_44 = arith.addi %mul3A_27, %add3A_43 : i32
      %dma_start3A_45 = arith.constant 0 : i32
      %dma_start3A_46 = tpu.memref_slice %arg6[%add3A_44, %dma_start3A_45] : memref<78x128xi32, #tpu.memory_space<vmem>> -> memref<1x128xi32, #tpu.memory_space<vmem>>
      %dma_start3A_47 = tpu.memref_squeeze %dma_start3A_46 : memref<1x128xi32, #tpu.memory_space<vmem>> -> memref<128xi32, #tpu.memory_space<vmem>>
      %dma_start3A_48 = arith.constant 0 : i32
      %dma_start3A_49 = arith.constant 0 : i32
      %dma_start3A_50 = tpu.memref_slice %arg9[%dma_start3A_48, %dma_start3A_49] : memref<10240x8xf32, #tpu.memory_space<vmem_shared>> -> memref<10240x8xf32, #tpu.memory_space<vmem_shared>>
      tpu.enqueue_indirect_dma source(%arg8 : memref<128x8xf32, #tpu.memory_space<vmem>>) target(%dma_start3A_50 : memref<10240x8xf32, #tpu.memory_space<vmem_shared>>) offsets(%dma_start3A_47 : memref<128xi32, #tpu.memory_space<vmem>>) semaphore(%arg10 : memref<!tpu.dma_semaphore, #tpu.memory_space<semaphore_mem>>) {add = true}
      %add3A_51 = arith.constant 3 : i32
      %add3A_52 = arith.addi %mul3A_27, %add3A_51 : i32
      %dma_start3A_53 = arith.constant 0 : i32
      %dma_start3A_54 = tpu.memref_slice %arg6[%add3A_52, %dma_start3A_53] : memref<78x128xi32, #tpu.memory_space<vmem>> -> memref<1x128xi32, #tpu.memory_space<vmem>>
      %dma_start3A_55 = tpu.memref_squeeze %dma_start3A_54 : memref<1x128xi32, #tpu.memory_space<vmem>> -> memref<128xi32, #tpu.memory_space<vmem>>
      %dma_start3A_56 = arith.constant 0 : i32
      %dma_start3A_57 = arith.constant 0 : i32
      %dma_start3A_58 = tpu.memref_slice %arg9[%dma_start3A_56, %dma_start3A_57] : memref<10240x8xf32, #tpu.memory_space<vmem_shared>> -> memref<10240x8xf32, #tpu.memory_space<vmem_shared>>
      tpu.enqueue_indirect_dma source(%arg8 : memref<128x8xf32, #tpu.memory_space<vmem>>) target(%dma_start3A_58 : memref<10240x8xf32, #tpu.memory_space<vmem_shared>>) offsets(%dma_start3A_55 : memref<128xi32, #tpu.memory_space<vmem>>) semaphore(%arg10 : memref<!tpu.dma_semaphore, #tpu.memory_space<semaphore_mem>>) {add = true}
      %add3A_59 = arith.constant 4 : i32
      %add3A_60 = arith.addi %mul3A_27, %add3A_59 : i32
      %dma_start3A_61 = arith.constant 0 : i32
      %dma_start3A_62 = tpu.memref_slice %arg6[%add3A_60, %dma_start3A_61] : memref<78x128xi32, #tpu.memory_space<vmem>> -> memref<1x128xi32, #tpu.memory_space<vmem>>
      %dma_start3A_63 = tpu.memref_squeeze %dma_start3A_62 : memref<1x128xi32, #tpu.memory_space<vmem>> -> memref<128xi32, #tpu.memory_space<vmem>>
      %dma_start3A_64 = arith.constant 0 : i32
      %dma_start3A_65 = arith.constant 0 : i32
      %dma_start3A_66 = tpu.memref_slice %arg9[%dma_start3A_64, %dma_start3A_65] : memref<10240x8xf32, #tpu.memory_space<vmem_shared>> -> memref<10240x8xf32, #tpu.memory_space<vmem_shared>>
      tpu.enqueue_indirect_dma source(%arg8 : memref<128x8xf32, #tpu.memory_space<vmem>>) target(%dma_start3A_66 : memref<10240x8xf32, #tpu.memory_space<vmem_shared>>) offsets(%dma_start3A_63 : memref<128xi32, #tpu.memory_space<vmem>>) semaphore(%arg10 : memref<!tpu.dma_semaphore, #tpu.memory_space<semaphore_mem>>) {add = true}
      %add3A_67 = arith.constant 5 : i32
      %add3A_68 = arith.addi %mul3A_27, %add3A_67 : i32
      %dma_start3A_69 = arith.constant 0 : i32
      %dma_start3A_70 = tpu.memref_slice %arg6[%add3A_68, %dma_start3A_69] : memref<78x128xi32, #tpu.memory_space<vmem>> -> memref<1x128xi32, #tpu.memory_space<vmem>>
      %dma_start3A_71 = tpu.memref_squeeze %dma_start3A_70 : memref<1x128xi32, #tpu.memory_space<vmem>> -> memref<128xi32, #tpu.memory_space<vmem>>
      %dma_start3A_72 = arith.constant 0 : i32
      %dma_start3A_73 = arith.constant 0 : i32
      %dma_start3A_74 = tpu.memref_slice %arg9[%dma_start3A_72, %dma_start3A_73] : memref<10240x8xf32, #tpu.memory_space<vmem_shared>> -> memref<10240x8xf32, #tpu.memory_space<vmem_shared>>
      tpu.enqueue_indirect_dma source(%arg8 : memref<128x8xf32, #tpu.memory_space<vmem>>) target(%dma_start3A_74 : memref<10240x8xf32, #tpu.memory_space<vmem_shared>>) offsets(%dma_start3A_71 : memref<128xi32, #tpu.memory_space<vmem>>) semaphore(%arg10 : memref<!tpu.dma_semaphore, #tpu.memory_space<semaphore_mem>>) {add = true}
      %add3A_75 = arith.constant 0 : i32
      %add3A_76 = arith.addi %mul3A_27, %add3A_75 : i32
      %dma_wait3A = arith.constant 0 : i32
      %dma_wait3A_77 = tpu.memref_slice %arg6[%add3A_76, %dma_wait3A] : memref<78x128xi32, #tpu.memory_space<vmem>> -> memref<1x128xi32, #tpu.memory_space<vmem>>
      %dma_wait3A_78 = tpu.memref_squeeze %dma_wait3A_77 : memref<1x128xi32, #tpu.memory_space<vmem>> -> memref<128xi32, #tpu.memory_space<vmem>>
      %dma_wait3A_79 = arith.constant 0 : i32
      %dma_wait3A_80 = arith.constant 0 : i32
      %dma_wait3A_81 = tpu.memref_slice %arg9[%dma_wait3A_79, %dma_wait3A_80] : memref<10240x8xf32, #tpu.memory_space<vmem_shared>> -> memref<10240x8xf32, #tpu.memory_space<vmem_shared>>
      tpu.wait_indirect_dma semaphore(%arg10 : memref<!tpu.dma_semaphore, #tpu.memory_space<semaphore_mem>>) src(%arg8 : memref<128x8xf32, #tpu.memory_space<vmem>>) dst(%dma_wait3A_81 : memref<10240x8xf32, #tpu.memory_space<vmem_shared>>)
      %add3A_82 = arith.constant 1 : i32
      %add3A_83 = arith.addi %mul3A_27, %add3A_82 : i32
      %dma_wait3A_84 = arith.constant 0 : i32
      %dma_wait3A_85 = tpu.memref_slice %arg6[%add3A_83, %dma_wait3A_84] : memref<78x128xi32, #tpu.memory_space<vmem>> -> memref<1x128xi32, #tpu.memory_space<vmem>>
      %dma_wait3A_86 = tpu.memref_squeeze %dma_wait3A_85 : memref<1x128xi32, #tpu.memory_space<vmem>> -> memref<128xi32, #tpu.memory_space<vmem>>
      %dma_wait3A_87 = arith.constant 0 : i32
      %dma_wait3A_88 = arith.constant 0 : i32
      %dma_wait3A_89 = tpu.memref_slice %arg9[%dma_wait3A_87, %dma_wait3A_88] : memref<10240x8xf32, #tpu.memory_space<vmem_shared>> -> memref<10240x8xf32, #tpu.memory_space<vmem_shared>>
      tpu.wait_indirect_dma semaphore(%arg10 : memref<!tpu.dma_semaphore, #tpu.memory_space<semaphore_mem>>) src(%arg8 : memref<128x8xf32, #tpu.memory_space<vmem>>) dst(%dma_wait3A_89 : memref<10240x8xf32, #tpu.memory_space<vmem_shared>>)
      %add3A_90 = arith.constant 2 : i32
      %add3A_91 = arith.addi %mul3A_27, %add3A_90 : i32
      %dma_wait3A_92 = arith.constant 0 : i32
      %dma_wait3A_93 = tpu.memref_slice %arg6[%add3A_91, %dma_wait3A_92] : memref<78x128xi32, #tpu.memory_space<vmem>> -> memref<1x128xi32, #tpu.memory_space<vmem>>
      %dma_wait3A_94 = tpu.memref_squeeze %dma_wait3A_93 : memref<1x128xi32, #tpu.memory_space<vmem>> -> memref<128xi32, #tpu.memory_space<vmem>>
      %dma_wait3A_95 = arith.constant 0 : i32
      %dma_wait3A_96 = arith.constant 0 : i32
      %dma_wait3A_97 = tpu.memref_slice %arg9[%dma_wait3A_95, %dma_wait3A_96] : memref<10240x8xf32, #tpu.memory_space<vmem_shared>> -> memref<10240x8xf32, #tpu.memory_space<vmem_shared>>
      tpu.wait_indirect_dma semaphore(%arg10 : memref<!tpu.dma_semaphore, #tpu.memory_space<semaphore_mem>>) src(%arg8 : memref<128x8xf32, #tpu.memory_space<vmem>>) dst(%dma_wait3A_97 : memref<10240x8xf32, #tpu.memory_space<vmem_shared>>)
      %add3A_98 = arith.constant 3 : i32
      %add3A_99 = arith.addi %mul3A_27, %add3A_98 : i32
      %dma_wait3A_100 = arith.constant 0 : i32
      %dma_wait3A_101 = tpu.memref_slice %arg6[%add3A_99, %dma_wait3A_100] : memref<78x128xi32, #tpu.memory_space<vmem>> -> memref<1x128xi32, #tpu.memory_space<vmem>>
      %dma_wait3A_102 = tpu.memref_squeeze %dma_wait3A_101 : memref<1x128xi32, #tpu.memory_space<vmem>> -> memref<128xi32, #tpu.memory_space<vmem>>
      %dma_wait3A_103 = arith.constant 0 : i32
      %dma_wait3A_104 = arith.constant 0 : i32
      %dma_wait3A_105 = tpu.memref_slice %arg9[%dma_wait3A_103, %dma_wait3A_104] : memref<10240x8xf32, #tpu.memory_space<vmem_shared>> -> memref<10240x8xf32, #tpu.memory_space<vmem_shared>>
      tpu.wait_indirect_dma semaphore(%arg10 : memref<!tpu.dma_semaphore, #tpu.memory_space<semaphore_mem>>) src(%arg8 : memref<128x8xf32, #tpu.memory_space<vmem>>) dst(%dma_wait3A_105 : memref<10240x8xf32, #tpu.memory_space<vmem_shared>>)
      %add3A_106 = arith.constant 4 : i32
      %add3A_107 = arith.addi %mul3A_27, %add3A_106 : i32
      %dma_wait3A_108 = arith.constant 0 : i32
      %dma_wait3A_109 = tpu.memref_slice %arg6[%add3A_107, %dma_wait3A_108] : memref<78x128xi32, #tpu.memory_space<vmem>> -> memref<1x128xi32, #tpu.memory_space<vmem>>
      %dma_wait3A_110 = tpu.memref_squeeze %dma_wait3A_109 : memref<1x128xi32, #tpu.memory_space<vmem>> -> memref<128xi32, #tpu.memory_space<vmem>>
      %dma_wait3A_111 = arith.constant 0 : i32
      %dma_wait3A_112 = arith.constant 0 : i32
      %dma_wait3A_113 = tpu.memref_slice %arg9[%dma_wait3A_111, %dma_wait3A_112] : memref<10240x8xf32, #tpu.memory_space<vmem_shared>> -> memref<10240x8xf32, #tpu.memory_space<vmem_shared>>
      tpu.wait_indirect_dma semaphore(%arg10 : memref<!tpu.dma_semaphore, #tpu.memory_space<semaphore_mem>>) src(%arg8 : memref<128x8xf32, #tpu.memory_space<vmem>>) dst(%dma_wait3A_113 : memref<10240x8xf32, #tpu.memory_space<vmem_shared>>)
      %add3A_114 = arith.constant 5 : i32
      %add3A_115 = arith.addi %mul3A_27, %add3A_114 : i32
      %dma_wait3A_116 = arith.constant 0 : i32
      %dma_wait3A_117 = tpu.memref_slice %arg6[%add3A_115, %dma_wait3A_116] : memref<78x128xi32, #tpu.memory_space<vmem>> -> memref<1x128xi32, #tpu.memory_space<vmem>>
      %dma_wait3A_118 = tpu.memref_squeeze %dma_wait3A_117 : memref<1x128xi32, #tpu.memory_space<vmem>> -> memref<128xi32, #tpu.memory_space<vmem>>
      %dma_wait3A_119 = arith.constant 0 : i32
      %dma_wait3A_120 = arith.constant 0 : i32
      %dma_wait3A_121 = tpu.memref_slice %arg9[%dma_wait3A_119, %dma_wait3A_120] : memref<10240x8xf32, #tpu.memory_space<vmem_shared>> -> memref<10240x8xf32, #tpu.memory_space<vmem_shared>>
      tpu.wait_indirect_dma semaphore(%arg10 : memref<!tpu.dma_semaphore, #tpu.memory_space<semaphore_mem>>) src(%arg8 : memref<128x8xf32, #tpu.memory_space<vmem>>) dst(%dma_wait3A_121 : memref<10240x8xf32, #tpu.memory_space<vmem_shared>>)
    }
    %scan3A_13 = arith.constant 13 : i32
    %lt3A_14 = arith.constant 4 : i32
    %lt3A_15 = arith.cmpi slt, %add3A, %lt3A_14 : i32
    %convert_element_type3A_16 = arith.extui %lt3A_15 : i1 to i32
    %cond3A_17 = arith.constant 0 : i32
    %cond3A_18 = arith.cmpi ne, %convert_element_type3A_16, %cond3A_17 : i32
    scf.if %cond3A_18 {
      %run_scoped3A_25 = arith.constant 0 : i32
      "tpu.region"() ({
        %run_scoped3A_26 = tpu.sem_alloc : memref<!tpu.dma_semaphore, #tpu.memory_space<semaphore_mem>>
        %dma_start3A = arith.constant 0 : i32
        %dma_start3A_27 = tpu.memref_slice %arg7[%run_scoped3A_25, %dma_start3A] : memref<1x128xi32, #tpu.memory_space<vmem>> -> memref<1x128xi32, #tpu.memory_space<vmem>>
        %dma_start3A_28 = tpu.memref_squeeze %dma_start3A_27 : memref<1x128xi32, #tpu.memory_space<vmem>> -> memref<128xi32, #tpu.memory_space<vmem>>
        %dma_start3A_29 = arith.constant 0 : i32
        %dma_start3A_30 = arith.constant 0 : i32
        %dma_start3A_31 = tpu.memref_slice %arg9[%dma_start3A_29, %dma_start3A_30] : memref<10240x8xf32, #tpu.memory_space<vmem_shared>> -> memref<10240x8xf32, #tpu.memory_space<vmem_shared>>
        tpu.enqueue_indirect_dma source(%arg8 : memref<128x8xf32, #tpu.memory_space<vmem>>) target(%dma_start3A_31 : memref<10240x8xf32, #tpu.memory_space<vmem_shared>>) offsets(%dma_start3A_28 : memref<128xi32, #tpu.memory_space<vmem>>) semaphore(%run_scoped3A_26 : memref<!tpu.dma_semaphore, #tpu.memory_space<semaphore_mem>>) {add = true}
        %dma_wait3A = arith.constant 0 : i32
        %dma_wait3A_32 = tpu.memref_slice %arg7[%run_scoped3A_25, %dma_wait3A] : memref<1x128xi32, #tpu.memory_space<vmem>> -> memref<1x128xi32, #tpu.memory_space<vmem>>
        %dma_wait3A_33 = tpu.memref_squeeze %dma_wait3A_32 : memref<1x128xi32, #tpu.memory_space<vmem>> -> memref<128xi32, #tpu.memory_space<vmem>>
        %dma_wait3A_34 = arith.constant 0 : i32
        %dma_wait3A_35 = arith.constant 0 : i32
        %dma_wait3A_36 = tpu.memref_slice %arg9[%dma_wait3A_34, %dma_wait3A_35] : memref<10240x8xf32, #tpu.memory_space<vmem_shared>> -> memref<10240x8xf32, #tpu.memory_space<vmem_shared>>
        tpu.wait_indirect_dma semaphore(%run_scoped3A_26 : memref<!tpu.dma_semaphore, #tpu.memory_space<semaphore_mem>>) src(%arg8 : memref<128x8xf32, #tpu.memory_space<vmem>>) dst(%dma_wait3A_36 : memref<10240x8xf32, #tpu.memory_space<vmem_shared>>)
        tpu.yield
      }) : () -> ()
    } else {
    }
    %barrier3A_19 = arith.constant 0 : index
    tpu.barrier barrier_id(%barrier3A_19)
    %eq3A_20 = arith.constant 0 : i32
    %eq3A_21 = arith.cmpi eq, %arg1, %eq3A_20 : i32
    %convert_element_type3A_22 = arith.extui %eq3A_21 : i1 to i32
    %cond3A_23 = arith.constant 0 : i32
    %cond3A_24 = arith.cmpi ne, %convert_element_type3A_22, %cond3A_23 : i32
    scf.if %cond3A_24 {
      "tpu.region"() ({
        %run_scoped3A_25 = tpu.sem_alloc : memref<!tpu.dma_semaphore, #tpu.memory_space<semaphore_mem>>
        %dma_start3A = arith.constant 0 : i32
        %dma_start3A_26 = arith.constant 0 : i32
        %dma_start3A_27 = tpu.memref_slice %arg5[%arg0, %dma_start3A, %dma_start3A_26] : memref<2x10240x8xf32, #tpu.memory_space<hbm>> -> memref<1x10240x8xf32, #tpu.memory_space<hbm>>
        %dma_start3A_28 = tpu.memref_squeeze %dma_start3A_27 : memref<1x10240x8xf32, #tpu.memory_space<hbm>> -> memref<10240x8xf32, #tpu.memory_space<hbm>>
        tpu.enqueue_dma source(%arg9 : memref<10240x8xf32, #tpu.memory_space<vmem_shared>>) target(%dma_start3A_28 : memref<10240x8xf32, #tpu.memory_space<hbm>>) target_semaphore(%run_scoped3A_25 : memref<!tpu.dma_semaphore, #tpu.memory_space<semaphore_mem>>)
        %dma_wait3A = arith.constant 0 : i32
        %dma_wait3A_29 = arith.constant 0 : i32
        %dma_wait3A_30 = tpu.memref_slice %arg5[%arg0, %dma_wait3A, %dma_wait3A_29] : memref<2x10240x8xf32, #tpu.memory_space<hbm>> -> memref<1x10240x8xf32, #tpu.memory_space<hbm>>
        %dma_wait3A_31 = tpu.memref_squeeze %dma_wait3A_30 : memref<1x10240x8xf32, #tpu.memory_space<hbm>> -> memref<10240x8xf32, #tpu.memory_space<hbm>>
        tpu.wait_dma2 semaphore(%run_scoped3A_25 : memref<!tpu.dma_semaphore, #tpu.memory_space<semaphore_mem>>) src(%arg9 : memref<10240x8xf32, #tpu.memory_space<vmem_shared>>) dst(%dma_wait3A_31 : memref<10240x8xf32, #tpu.memory_space<hbm>>)
        tpu.yield
      }) : () -> ()
    } else {
    }
    return
  }
}

#map = affine_map<(d0, d1) -> (0, 0, 0)>
#map1 = affine_map<(d0, d1) -> (0, 0)>
module attributes {stable_mosaic.version = 14 : i64} {
  func.func @agg_kernel(%arg0: i32, %arg1: i32, %arg2: memref<2x2500x128xi32, #tpu.memory_space<hbm>>, %arg3: memref<10240x8xf32, #tpu.memory_space<hbm>>, %arg4: memref<10240x8xf32, #tpu.memory_space<hbm>>, %arg5: memref<2x10240x8xf32, #tpu.memory_space<hbm>>, %arg6: memref<78x128xi32, #tpu.memory_space<vmem>>, %arg7: memref<78x128xi32, #tpu.memory_space<vmem>>, %arg8: memref<1x128xi32, #tpu.memory_space<vmem>>, %arg9: memref<1x128xi32, #tpu.memory_space<vmem>>, %arg10: memref<2x6x128x8xf32, #tpu.memory_space<vmem>>, %arg11: memref<128x8xf32, #tpu.memory_space<vmem>>, %arg12: memref<10240x8xf32, #tpu.memory_space<vmem_shared>>, %arg13: memref<10240x8xf32, #tpu.memory_space<vmem_shared>>, %arg14: memref<!tpu.dma_semaphore, #tpu.memory_space<semaphore_mem>>, %arg15: memref<!tpu.dma_semaphore, #tpu.memory_space<semaphore_mem>>) attributes {dimension_semantics = [#tpu.dimension_semantics<core_parallel>, #tpu.dimension_semantics<subcore_parallel>], iteration_bounds = array<i64: 2, 16>, scalar_prefetch = 0 : i64, scratch_operands = 10 : i64, tpu.core_type = #tpu.core_type<sc_vector_subcore>, window_params = [{transform_indices = #map}, {transform_indices = #map1}, {transform_indices = #map1}, {transform_indices = #map}]} {
    %mul3A = arith.constant 16 : i32
    %mul3A_0 = arith.muli %arg0, %mul3A : i32
    %add3A = arith.addi %mul3A_0, %arg1 : i32
    %mul3A_1 = arith.constant 78 : i32
    %mul3A_2 = arith.muli %add3A, %mul3A_1 : i32
    %run_scoped3A = arith.constant 0 : i32
    "tpu.region"() ({
      %run_scoped3A_355 = tpu.sem_alloc : memref<!tpu.dma_semaphore, #tpu.memory_space<semaphore_mem>>
      %dma_start3A_356 = arith.constant 0 : i32
      %dma_start3A_357 = arith.constant 0 : i32
      %dma_start3A_358 = tpu.memref_slice %arg2[%run_scoped3A, %dma_start3A_356, %dma_start3A_357] : memref<2x2500x128xi32, #tpu.memory_space<hbm>> -> memref<1x2500x128xi32, #tpu.memory_space<hbm>>
      %dma_start3A_359 = tpu.memref_squeeze %dma_start3A_358 : memref<1x2500x128xi32, #tpu.memory_space<hbm>> -> memref<2500x128xi32, #tpu.memory_space<hbm>>
      %dma_start3A_360 = arith.constant 0 : i32
      %dma_start3A_361 = tpu.memref_slice %dma_start3A_359[%mul3A_2, %dma_start3A_360] : memref<2500x128xi32, #tpu.memory_space<hbm>> -> memref<78x128xi32, #tpu.memory_space<hbm>>
      %dma_start3A_362 = arith.constant 0 : i32
      %dma_start3A_363 = arith.constant 0 : i32
      %dma_start3A_364 = tpu.memref_slice %arg2[%run_scoped3A, %dma_start3A_362, %dma_start3A_363] : memref<2x2500x128xi32, #tpu.memory_space<hbm>> -> memref<1x2500x128xi32, #tpu.memory_space<hbm>>
      %dma_start3A_365 = tpu.memref_squeeze %dma_start3A_364 : memref<1x2500x128xi32, #tpu.memory_space<hbm>> -> memref<2500x128xi32, #tpu.memory_space<hbm>>
      %dma_start3A_366 = arith.constant 0 : i32
      %dma_start3A_367 = tpu.memref_slice %dma_start3A_365[%mul3A_2, %dma_start3A_366] : memref<2500x128xi32, #tpu.memory_space<hbm>> -> memref<78x128xi32, #tpu.memory_space<hbm>>
      tpu.enqueue_dma source(%dma_start3A_367 : memref<78x128xi32, #tpu.memory_space<hbm>>) target(%arg6 : memref<78x128xi32, #tpu.memory_space<vmem>>) target_semaphore(%run_scoped3A_355 : memref<!tpu.dma_semaphore, #tpu.memory_space<semaphore_mem>>)
      %dma_wait3A_368 = arith.constant 0 : i32
      %dma_wait3A_369 = arith.constant 0 : i32
      %dma_wait3A_370 = tpu.memref_slice %arg2[%run_scoped3A, %dma_wait3A_368, %dma_wait3A_369] : memref<2x2500x128xi32, #tpu.memory_space<hbm>> -> memref<1x2500x128xi32, #tpu.memory_space<hbm>>
      %dma_wait3A_371 = tpu.memref_squeeze %dma_wait3A_370 : memref<1x2500x128xi32, #tpu.memory_space<hbm>> -> memref<2500x128xi32, #tpu.memory_space<hbm>>
      %dma_wait3A_372 = arith.constant 0 : i32
      %dma_wait3A_373 = tpu.memref_slice %dma_wait3A_371[%mul3A_2, %dma_wait3A_372] : memref<2500x128xi32, #tpu.memory_space<hbm>> -> memref<78x128xi32, #tpu.memory_space<hbm>>
      %dma_wait3A_374 = arith.constant 0 : i32
      %dma_wait3A_375 = arith.constant 0 : i32
      %dma_wait3A_376 = tpu.memref_slice %arg2[%run_scoped3A, %dma_wait3A_374, %dma_wait3A_375] : memref<2x2500x128xi32, #tpu.memory_space<hbm>> -> memref<1x2500x128xi32, #tpu.memory_space<hbm>>
      %dma_wait3A_377 = tpu.memref_squeeze %dma_wait3A_376 : memref<1x2500x128xi32, #tpu.memory_space<hbm>> -> memref<2500x128xi32, #tpu.memory_space<hbm>>
      %dma_wait3A_378 = arith.constant 0 : i32
      %dma_wait3A_379 = tpu.memref_slice %dma_wait3A_377[%mul3A_2, %dma_wait3A_378] : memref<2500x128xi32, #tpu.memory_space<hbm>> -> memref<78x128xi32, #tpu.memory_space<hbm>>
      tpu.wait_dma2 semaphore(%run_scoped3A_355 : memref<!tpu.dma_semaphore, #tpu.memory_space<semaphore_mem>>) src(%dma_wait3A_379 : memref<78x128xi32, #tpu.memory_space<hbm>>) dst(%arg6 : memref<78x128xi32, #tpu.memory_space<vmem>>)
      tpu.yield
    }) : () -> ()
    %mul3A_3 = arith.constant 78 : i32
    %mul3A_4 = arith.muli %add3A, %mul3A_3 : i32
    %run_scoped3A_5 = arith.constant 1 : i32
    "tpu.region"() ({
      %run_scoped3A_355 = tpu.sem_alloc : memref<!tpu.dma_semaphore, #tpu.memory_space<semaphore_mem>>
      %dma_start3A_356 = arith.constant 0 : i32
      %dma_start3A_357 = arith.constant 0 : i32
      %dma_start3A_358 = tpu.memref_slice %arg2[%run_scoped3A_5, %dma_start3A_356, %dma_start3A_357] : memref<2x2500x128xi32, #tpu.memory_space<hbm>> -> memref<1x2500x128xi32, #tpu.memory_space<hbm>>
      %dma_start3A_359 = tpu.memref_squeeze %dma_start3A_358 : memref<1x2500x128xi32, #tpu.memory_space<hbm>> -> memref<2500x128xi32, #tpu.memory_space<hbm>>
      %dma_start3A_360 = arith.constant 0 : i32
      %dma_start3A_361 = tpu.memref_slice %dma_start3A_359[%mul3A_4, %dma_start3A_360] : memref<2500x128xi32, #tpu.memory_space<hbm>> -> memref<78x128xi32, #tpu.memory_space<hbm>>
      %dma_start3A_362 = arith.constant 0 : i32
      %dma_start3A_363 = arith.constant 0 : i32
      %dma_start3A_364 = tpu.memref_slice %arg2[%run_scoped3A_5, %dma_start3A_362, %dma_start3A_363] : memref<2x2500x128xi32, #tpu.memory_space<hbm>> -> memref<1x2500x128xi32, #tpu.memory_space<hbm>>
      %dma_start3A_365 = tpu.memref_squeeze %dma_start3A_364 : memref<1x2500x128xi32, #tpu.memory_space<hbm>> -> memref<2500x128xi32, #tpu.memory_space<hbm>>
      %dma_start3A_366 = arith.constant 0 : i32
      %dma_start3A_367 = tpu.memref_slice %dma_start3A_365[%mul3A_4, %dma_start3A_366] : memref<2500x128xi32, #tpu.memory_space<hbm>> -> memref<78x128xi32, #tpu.memory_space<hbm>>
      tpu.enqueue_dma source(%dma_start3A_367 : memref<78x128xi32, #tpu.memory_space<hbm>>) target(%arg7 : memref<78x128xi32, #tpu.memory_space<vmem>>) target_semaphore(%run_scoped3A_355 : memref<!tpu.dma_semaphore, #tpu.memory_space<semaphore_mem>>)
      %dma_wait3A_368 = arith.constant 0 : i32
      %dma_wait3A_369 = arith.constant 0 : i32
      %dma_wait3A_370 = tpu.memref_slice %arg2[%run_scoped3A_5, %dma_wait3A_368, %dma_wait3A_369] : memref<2x2500x128xi32, #tpu.memory_space<hbm>> -> memref<1x2500x128xi32, #tpu.memory_space<hbm>>
      %dma_wait3A_371 = tpu.memref_squeeze %dma_wait3A_370 : memref<1x2500x128xi32, #tpu.memory_space<hbm>> -> memref<2500x128xi32, #tpu.memory_space<hbm>>
      %dma_wait3A_372 = arith.constant 0 : i32
      %dma_wait3A_373 = tpu.memref_slice %dma_wait3A_371[%mul3A_4, %dma_wait3A_372] : memref<2500x128xi32, #tpu.memory_space<hbm>> -> memref<78x128xi32, #tpu.memory_space<hbm>>
      %dma_wait3A_374 = arith.constant 0 : i32
      %dma_wait3A_375 = arith.constant 0 : i32
      %dma_wait3A_376 = tpu.memref_slice %arg2[%run_scoped3A_5, %dma_wait3A_374, %dma_wait3A_375] : memref<2x2500x128xi32, #tpu.memory_space<hbm>> -> memref<1x2500x128xi32, #tpu.memory_space<hbm>>
      %dma_wait3A_377 = tpu.memref_squeeze %dma_wait3A_376 : memref<1x2500x128xi32, #tpu.memory_space<hbm>> -> memref<2500x128xi32, #tpu.memory_space<hbm>>
      %dma_wait3A_378 = arith.constant 0 : i32
      %dma_wait3A_379 = tpu.memref_slice %dma_wait3A_377[%mul3A_4, %dma_wait3A_378] : memref<2500x128xi32, #tpu.memory_space<hbm>> -> memref<78x128xi32, #tpu.memory_space<hbm>>
      tpu.wait_dma2 semaphore(%run_scoped3A_355 : memref<!tpu.dma_semaphore, #tpu.memory_space<semaphore_mem>>) src(%dma_wait3A_379 : memref<78x128xi32, #tpu.memory_space<hbm>>) dst(%arg7 : memref<78x128xi32, #tpu.memory_space<vmem>>)
      tpu.yield
    }) : () -> ()
    %eq3A = arith.constant 0 : i32
    %eq3A_6 = arith.cmpi eq, %arg1, %eq3A : i32
    %convert_element_type3A = arith.extui %eq3A_6 : i1 to i32
    %cond3A = arith.constant 0 : i32
    %cond3A_7 = arith.cmpi ne, %convert_element_type3A, %cond3A : i32
    scf.if %cond3A_7 {
      "tpu.region"() ({
        %run_scoped3A_355 = tpu.sem_alloc : memref<!tpu.dma_semaphore, #tpu.memory_space<semaphore_mem>>
        tpu.enqueue_dma source(%arg4 : memref<10240x8xf32, #tpu.memory_space<hbm>>) target(%arg12 : memref<10240x8xf32, #tpu.memory_space<vmem_shared>>) target_semaphore(%run_scoped3A_355 : memref<!tpu.dma_semaphore, #tpu.memory_space<semaphore_mem>>)
        tpu.wait_dma2 semaphore(%run_scoped3A_355 : memref<!tpu.dma_semaphore, #tpu.memory_space<semaphore_mem>>) src(%arg4 : memref<10240x8xf32, #tpu.memory_space<hbm>>) dst(%arg12 : memref<10240x8xf32, #tpu.memory_space<vmem_shared>>)
        tpu.yield
      }) : () -> ()
    } else {
    }
    %eq3A_8 = arith.constant 1 : i32
    %eq3A_9 = arith.cmpi eq, %arg1, %eq3A_8 : i32
    %convert_element_type3A_10 = arith.extui %eq3A_9 : i1 to i32
    %cond3A_11 = arith.constant 0 : i32
    %cond3A_12 = arith.cmpi ne, %convert_element_type3A_10, %cond3A_11 : i32
    scf.if %cond3A_12 {
      "tpu.region"() ({
        %run_scoped3A_355 = tpu.sem_alloc : memref<!tpu.dma_semaphore, #tpu.memory_space<semaphore_mem>>
        tpu.enqueue_dma source(%arg3 : memref<10240x8xf32, #tpu.memory_space<hbm>>) target(%arg13 : memref<10240x8xf32, #tpu.memory_space<vmem_shared>>) target_semaphore(%run_scoped3A_355 : memref<!tpu.dma_semaphore, #tpu.memory_space<semaphore_mem>>)
        tpu.wait_dma2 semaphore(%run_scoped3A_355 : memref<!tpu.dma_semaphore, #tpu.memory_space<semaphore_mem>>) src(%arg3 : memref<10240x8xf32, #tpu.memory_space<hbm>>) dst(%arg13 : memref<10240x8xf32, #tpu.memory_space<vmem_shared>>)
        tpu.yield
      }) : () -> ()
    } else {
    }
    %lt3A = arith.constant 4 : i32
    %lt3A_13 = arith.cmpi slt, %add3A, %lt3A : i32
    %convert_element_type3A_14 = arith.extui %lt3A_13 : i1 to i32
    %cond3A_15 = arith.constant 0 : i32
    %cond3A_16 = arith.cmpi ne, %convert_element_type3A_14, %cond3A_15 : i32
    scf.if %cond3A_16 {
      %add3A_355 = arith.constant 2496 : i32
      %add3A_356 = arith.addi %add3A_355, %add3A : i32
      %run_scoped3A_357 = arith.constant 0 : i32
      "tpu.region"() ({
        %run_scoped3A_361 = tpu.sem_alloc : memref<!tpu.dma_semaphore, #tpu.memory_space<semaphore_mem>>
        %dma_start3A_362 = arith.constant 0 : i32
        %dma_start3A_363 = arith.constant 0 : i32
        %dma_start3A_364 = tpu.memref_slice %arg2[%run_scoped3A_357, %dma_start3A_362, %dma_start3A_363] : memref<2x2500x128xi32, #tpu.memory_space<hbm>> -> memref<1x2500x128xi32, #tpu.memory_space<hbm>>
        %dma_start3A_365 = tpu.memref_squeeze %dma_start3A_364 : memref<1x2500x128xi32, #tpu.memory_space<hbm>> -> memref<2500x128xi32, #tpu.memory_space<hbm>>
        %dma_start3A_366 = arith.constant 0 : i32
        %dma_start3A_367 = tpu.memref_slice %dma_start3A_365[%add3A_356, %dma_start3A_366] : memref<2500x128xi32, #tpu.memory_space<hbm>> -> memref<1x128xi32, #tpu.memory_space<hbm>>
        %dma_start3A_368 = arith.constant 0 : i32
        %dma_start3A_369 = arith.constant 0 : i32
        %dma_start3A_370 = tpu.memref_slice %arg2[%run_scoped3A_357, %dma_start3A_368, %dma_start3A_369] : memref<2x2500x128xi32, #tpu.memory_space<hbm>> -> memref<1x2500x128xi32, #tpu.memory_space<hbm>>
        %dma_start3A_371 = tpu.memref_squeeze %dma_start3A_370 : memref<1x2500x128xi32, #tpu.memory_space<hbm>> -> memref<2500x128xi32, #tpu.memory_space<hbm>>
        %dma_start3A_372 = arith.constant 0 : i32
        %dma_start3A_373 = tpu.memref_slice %dma_start3A_371[%add3A_356, %dma_start3A_372] : memref<2500x128xi32, #tpu.memory_space<hbm>> -> memref<1x128xi32, #tpu.memory_space<hbm>>
        tpu.enqueue_dma source(%dma_start3A_373 : memref<1x128xi32, #tpu.memory_space<hbm>>) target(%arg8 : memref<1x128xi32, #tpu.memory_space<vmem>>) target_semaphore(%run_scoped3A_361 : memref<!tpu.dma_semaphore, #tpu.memory_space<semaphore_mem>>)
        %dma_wait3A_374 = arith.constant 0 : i32
        %dma_wait3A_375 = arith.constant 0 : i32
        %dma_wait3A_376 = tpu.memref_slice %arg2[%run_scoped3A_357, %dma_wait3A_374, %dma_wait3A_375] : memref<2x2500x128xi32, #tpu.memory_space<hbm>> -> memref<1x2500x128xi32, #tpu.memory_space<hbm>>
        %dma_wait3A_377 = tpu.memref_squeeze %dma_wait3A_376 : memref<1x2500x128xi32, #tpu.memory_space<hbm>> -> memref<2500x128xi32, #tpu.memory_space<hbm>>
        %dma_wait3A_378 = arith.constant 0 : i32
        %dma_wait3A_379 = tpu.memref_slice %dma_wait3A_377[%add3A_356, %dma_wait3A_378] : memref<2500x128xi32, #tpu.memory_space<hbm>> -> memref<1x128xi32, #tpu.memory_space<hbm>>
        %dma_wait3A_380 = arith.constant 0 : i32
        %dma_wait3A_381 = arith.constant 0 : i32
        %dma_wait3A_382 = tpu.memref_slice %arg2[%run_scoped3A_357, %dma_wait3A_380, %dma_wait3A_381] : memref<2x2500x128xi32, #tpu.memory_space<hbm>> -> memref<1x2500x128xi32, #tpu.memory_space<hbm>>
        %dma_wait3A_383 = tpu.memref_squeeze %dma_wait3A_382 : memref<1x2500x128xi32, #tpu.memory_space<hbm>> -> memref<2500x128xi32, #tpu.memory_space<hbm>>
        %dma_wait3A_384 = arith.constant 0 : i32
        %dma_wait3A_385 = tpu.memref_slice %dma_wait3A_383[%add3A_356, %dma_wait3A_384] : memref<2500x128xi32, #tpu.memory_space<hbm>> -> memref<1x128xi32, #tpu.memory_space<hbm>>
        tpu.wait_dma2 semaphore(%run_scoped3A_361 : memref<!tpu.dma_semaphore, #tpu.memory_space<semaphore_mem>>) src(%dma_wait3A_385 : memref<1x128xi32, #tpu.memory_space<hbm>>) dst(%arg8 : memref<1x128xi32, #tpu.memory_space<vmem>>)
        tpu.yield
      }) : () -> ()
      %add3A_358 = arith.constant 2496 : i32
      %add3A_359 = arith.addi %add3A_358, %add3A : i32
      %run_scoped3A_360 = arith.constant 1 : i32
      "tpu.region"() ({
        %run_scoped3A_361 = tpu.sem_alloc : memref<!tpu.dma_semaphore, #tpu.memory_space<semaphore_mem>>
        %dma_start3A_362 = arith.constant 0 : i32
        %dma_start3A_363 = arith.constant 0 : i32
        %dma_start3A_364 = tpu.memref_slice %arg2[%run_scoped3A_360, %dma_start3A_362, %dma_start3A_363] : memref<2x2500x128xi32, #tpu.memory_space<hbm>> -> memref<1x2500x128xi32, #tpu.memory_space<hbm>>
        %dma_start3A_365 = tpu.memref_squeeze %dma_start3A_364 : memref<1x2500x128xi32, #tpu.memory_space<hbm>> -> memref<2500x128xi32, #tpu.memory_space<hbm>>
        %dma_start3A_366 = arith.constant 0 : i32
        %dma_start3A_367 = tpu.memref_slice %dma_start3A_365[%add3A_359, %dma_start3A_366] : memref<2500x128xi32, #tpu.memory_space<hbm>> -> memref<1x128xi32, #tpu.memory_space<hbm>>
        %dma_start3A_368 = arith.constant 0 : i32
        %dma_start3A_369 = arith.constant 0 : i32
        %dma_start3A_370 = tpu.memref_slice %arg2[%run_scoped3A_360, %dma_start3A_368, %dma_start3A_369] : memref<2x2500x128xi32, #tpu.memory_space<hbm>> -> memref<1x2500x128xi32, #tpu.memory_space<hbm>>
        %dma_start3A_371 = tpu.memref_squeeze %dma_start3A_370 : memref<1x2500x128xi32, #tpu.memory_space<hbm>> -> memref<2500x128xi32, #tpu.memory_space<hbm>>
        %dma_start3A_372 = arith.constant 0 : i32
        %dma_start3A_373 = tpu.memref_slice %dma_start3A_371[%add3A_359, %dma_start3A_372] : memref<2500x128xi32, #tpu.memory_space<hbm>> -> memref<1x128xi32, #tpu.memory_space<hbm>>
        tpu.enqueue_dma source(%dma_start3A_373 : memref<1x128xi32, #tpu.memory_space<hbm>>) target(%arg9 : memref<1x128xi32, #tpu.memory_space<vmem>>) target_semaphore(%run_scoped3A_361 : memref<!tpu.dma_semaphore, #tpu.memory_space<semaphore_mem>>)
        %dma_wait3A_374 = arith.constant 0 : i32
        %dma_wait3A_375 = arith.constant 0 : i32
        %dma_wait3A_376 = tpu.memref_slice %arg2[%run_scoped3A_360, %dma_wait3A_374, %dma_wait3A_375] : memref<2x2500x128xi32, #tpu.memory_space<hbm>> -> memref<1x2500x128xi32, #tpu.memory_space<hbm>>
        %dma_wait3A_377 = tpu.memref_squeeze %dma_wait3A_376 : memref<1x2500x128xi32, #tpu.memory_space<hbm>> -> memref<2500x128xi32, #tpu.memory_space<hbm>>
        %dma_wait3A_378 = arith.constant 0 : i32
        %dma_wait3A_379 = tpu.memref_slice %dma_wait3A_377[%add3A_359, %dma_wait3A_378] : memref<2500x128xi32, #tpu.memory_space<hbm>> -> memref<1x128xi32, #tpu.memory_space<hbm>>
        %dma_wait3A_380 = arith.constant 0 : i32
        %dma_wait3A_381 = arith.constant 0 : i32
        %dma_wait3A_382 = tpu.memref_slice %arg2[%run_scoped3A_360, %dma_wait3A_380, %dma_wait3A_381] : memref<2x2500x128xi32, #tpu.memory_space<hbm>> -> memref<1x2500x128xi32, #tpu.memory_space<hbm>>
        %dma_wait3A_383 = tpu.memref_squeeze %dma_wait3A_382 : memref<1x2500x128xi32, #tpu.memory_space<hbm>> -> memref<2500x128xi32, #tpu.memory_space<hbm>>
        %dma_wait3A_384 = arith.constant 0 : i32
        %dma_wait3A_385 = tpu.memref_slice %dma_wait3A_383[%add3A_359, %dma_wait3A_384] : memref<2500x128xi32, #tpu.memory_space<hbm>> -> memref<1x128xi32, #tpu.memory_space<hbm>>
        tpu.wait_dma2 semaphore(%run_scoped3A_361 : memref<!tpu.dma_semaphore, #tpu.memory_space<semaphore_mem>>) src(%dma_wait3A_385 : memref<1x128xi32, #tpu.memory_space<hbm>>) dst(%arg9 : memref<1x128xi32, #tpu.memory_space<vmem>>)
        tpu.yield
      }) : () -> ()
    } else {
    }
    %barrier3A = arith.constant 0 : index
    tpu.barrier barrier_id(%barrier3A)
    %dma_start3A = arith.constant 0 : i32
    %dma_start3A_17 = arith.constant 0 : i32
    %dma_start3A_18 = arith.constant 0 : i32
    %dma_start3A_19 = arith.constant 0 : i32
    %dma_start3A_20 = arith.constant 0 : i32
    %dma_start3A_21 = arith.constant 0 : i32
    %dma_start3A_22 = tpu.memref_slice %arg10[%dma_start3A_17, %dma_start3A_19, %dma_start3A_20, %dma_start3A_21] : memref<2x6x128x8xf32, #tpu.memory_space<vmem>> -> memref<1x6x128x8xf32, #tpu.memory_space<vmem>>
    %dma_start3A_23 = tpu.memref_squeeze %dma_start3A_22 : memref<1x6x128x8xf32, #tpu.memory_space<vmem>> -> memref<6x128x8xf32, #tpu.memory_space<vmem>>
    %dma_start3A_24 = arith.constant 0 : i32
    %dma_start3A_25 = arith.constant 0 : i32
    %dma_start3A_26 = tpu.memref_slice %dma_start3A_23[%dma_start3A_18, %dma_start3A_24, %dma_start3A_25] : memref<6x128x8xf32, #tpu.memory_space<vmem>> -> memref<1x128x8xf32, #tpu.memory_space<vmem>>
    %dma_start3A_27 = tpu.memref_squeeze %dma_start3A_26 : memref<1x128x8xf32, #tpu.memory_space<vmem>> -> memref<128x8xf32, #tpu.memory_space<vmem>>
    %dma_start3A_28 = arith.constant 0 : i32
    %dma_start3A_29 = tpu.memref_slice %arg6[%dma_start3A, %dma_start3A_28] : memref<78x128xi32, #tpu.memory_space<vmem>> -> memref<1x128xi32, #tpu.memory_space<vmem>>
    %dma_start3A_30 = tpu.memref_squeeze %dma_start3A_29 : memref<1x128xi32, #tpu.memory_space<vmem>> -> memref<128xi32, #tpu.memory_space<vmem>>
    %dma_start3A_31 = arith.constant 0 : i32
    %dma_start3A_32 = arith.constant 0 : i32
    %dma_start3A_33 = tpu.memref_slice %arg13[%dma_start3A_31, %dma_start3A_32] : memref<10240x8xf32, #tpu.memory_space<vmem_shared>> -> memref<10240x8xf32, #tpu.memory_space<vmem_shared>>
    tpu.enqueue_indirect_dma source(%dma_start3A_33 : memref<10240x8xf32, #tpu.memory_space<vmem_shared>>) target(%dma_start3A_27 : memref<128x8xf32, #tpu.memory_space<vmem>>) offsets(%dma_start3A_30 : memref<128xi32, #tpu.memory_space<vmem>>) semaphore(%arg14 : memref<!tpu.dma_semaphore, #tpu.memory_space<semaphore_mem>>)
    %dma_start3A_34 = arith.constant 1 : i32
    %dma_start3A_35 = arith.constant 0 : i32
    %dma_start3A_36 = arith.constant 1 : i32
    %dma_start3A_37 = arith.constant 0 : i32
    %dma_start3A_38 = arith.constant 0 : i32
    %dma_start3A_39 = arith.constant 0 : i32
    %dma_start3A_40 = tpu.memref_slice %arg10[%dma_start3A_35, %dma_start3A_37, %dma_start3A_38, %dma_start3A_39] : memref<2x6x128x8xf32, #tpu.memory_space<vmem>> -> memref<1x6x128x8xf32, #tpu.memory_space<vmem>>
    %dma_start3A_41 = tpu.memref_squeeze %dma_start3A_40 : memref<1x6x128x8xf32, #tpu.memory_space<vmem>> -> memref<6x128x8xf32, #tpu.memory_space<vmem>>
    %dma_start3A_42 = arith.constant 0 : i32
    %dma_start3A_43 = arith.constant 0 : i32
    %dma_start3A_44 = tpu.memref_slice %dma_start3A_41[%dma_start3A_36, %dma_start3A_42, %dma_start3A_43] : memref<6x128x8xf32, #tpu.memory_space<vmem>> -> memref<1x128x8xf32, #tpu.memory_space<vmem>>
    %dma_start3A_45 = tpu.memref_squeeze %dma_start3A_44 : memref<1x128x8xf32, #tpu.memory_space<vmem>> -> memref<128x8xf32, #tpu.memory_space<vmem>>
    %dma_start3A_46 = arith.constant 0 : i32
    %dma_start3A_47 = tpu.memref_slice %arg6[%dma_start3A_34, %dma_start3A_46] : memref<78x128xi32, #tpu.memory_space<vmem>> -> memref<1x128xi32, #tpu.memory_space<vmem>>
    %dma_start3A_48 = tpu.memref_squeeze %dma_start3A_47 : memref<1x128xi32, #tpu.memory_space<vmem>> -> memref<128xi32, #tpu.memory_space<vmem>>
    %dma_start3A_49 = arith.constant 0 : i32
    %dma_start3A_50 = arith.constant 0 : i32
    %dma_start3A_51 = tpu.memref_slice %arg13[%dma_start3A_49, %dma_start3A_50] : memref<10240x8xf32, #tpu.memory_space<vmem_shared>> -> memref<10240x8xf32, #tpu.memory_space<vmem_shared>>
    tpu.enqueue_indirect_dma source(%dma_start3A_51 : memref<10240x8xf32, #tpu.memory_space<vmem_shared>>) target(%dma_start3A_45 : memref<128x8xf32, #tpu.memory_space<vmem>>) offsets(%dma_start3A_48 : memref<128xi32, #tpu.memory_space<vmem>>) semaphore(%arg14 : memref<!tpu.dma_semaphore, #tpu.memory_space<semaphore_mem>>)
    %dma_start3A_52 = arith.constant 2 : i32
    %dma_start3A_53 = arith.constant 0 : i32
    %dma_start3A_54 = arith.constant 2 : i32
    %dma_start3A_55 = arith.constant 0 : i32
    %dma_start3A_56 = arith.constant 0 : i32
    %dma_start3A_57 = arith.constant 0 : i32
    %dma_start3A_58 = tpu.memref_slice %arg10[%dma_start3A_53, %dma_start3A_55, %dma_start3A_56, %dma_start3A_57] : memref<2x6x128x8xf32, #tpu.memory_space<vmem>> -> memref<1x6x128x8xf32, #tpu.memory_space<vmem>>
    %dma_start3A_59 = tpu.memref_squeeze %dma_start3A_58 : memref<1x6x128x8xf32, #tpu.memory_space<vmem>> -> memref<6x128x8xf32, #tpu.memory_space<vmem>>
    %dma_start3A_60 = arith.constant 0 : i32
    %dma_start3A_61 = arith.constant 0 : i32
    %dma_start3A_62 = tpu.memref_slice %dma_start3A_59[%dma_start3A_54, %dma_start3A_60, %dma_start3A_61] : memref<6x128x8xf32, #tpu.memory_space<vmem>> -> memref<1x128x8xf32, #tpu.memory_space<vmem>>
    %dma_start3A_63 = tpu.memref_squeeze %dma_start3A_62 : memref<1x128x8xf32, #tpu.memory_space<vmem>> -> memref<128x8xf32, #tpu.memory_space<vmem>>
    %dma_start3A_64 = arith.constant 0 : i32
    %dma_start3A_65 = tpu.memref_slice %arg6[%dma_start3A_52, %dma_start3A_64] : memref<78x128xi32, #tpu.memory_space<vmem>> -> memref<1x128xi32, #tpu.memory_space<vmem>>
    %dma_start3A_66 = tpu.memref_squeeze %dma_start3A_65 : memref<1x128xi32, #tpu.memory_space<vmem>> -> memref<128xi32, #tpu.memory_space<vmem>>
    %dma_start3A_67 = arith.constant 0 : i32
    %dma_start3A_68 = arith.constant 0 : i32
    %dma_start3A_69 = tpu.memref_slice %arg13[%dma_start3A_67, %dma_start3A_68] : memref<10240x8xf32, #tpu.memory_space<vmem_shared>> -> memref<10240x8xf32, #tpu.memory_space<vmem_shared>>
    tpu.enqueue_indirect_dma source(%dma_start3A_69 : memref<10240x8xf32, #tpu.memory_space<vmem_shared>>) target(%dma_start3A_63 : memref<128x8xf32, #tpu.memory_space<vmem>>) offsets(%dma_start3A_66 : memref<128xi32, #tpu.memory_space<vmem>>) semaphore(%arg14 : memref<!tpu.dma_semaphore, #tpu.memory_space<semaphore_mem>>)
    %dma_start3A_70 = arith.constant 3 : i32
    %dma_start3A_71 = arith.constant 0 : i32
    %dma_start3A_72 = arith.constant 3 : i32
    %dma_start3A_73 = arith.constant 0 : i32
    %dma_start3A_74 = arith.constant 0 : i32
    %dma_start3A_75 = arith.constant 0 : i32
    %dma_start3A_76 = tpu.memref_slice %arg10[%dma_start3A_71, %dma_start3A_73, %dma_start3A_74, %dma_start3A_75] : memref<2x6x128x8xf32, #tpu.memory_space<vmem>> -> memref<1x6x128x8xf32, #tpu.memory_space<vmem>>
    %dma_start3A_77 = tpu.memref_squeeze %dma_start3A_76 : memref<1x6x128x8xf32, #tpu.memory_space<vmem>> -> memref<6x128x8xf32, #tpu.memory_space<vmem>>
    %dma_start3A_78 = arith.constant 0 : i32
    %dma_start3A_79 = arith.constant 0 : i32
    %dma_start3A_80 = tpu.memref_slice %dma_start3A_77[%dma_start3A_72, %dma_start3A_78, %dma_start3A_79] : memref<6x128x8xf32, #tpu.memory_space<vmem>> -> memref<1x128x8xf32, #tpu.memory_space<vmem>>
    %dma_start3A_81 = tpu.memref_squeeze %dma_start3A_80 : memref<1x128x8xf32, #tpu.memory_space<vmem>> -> memref<128x8xf32, #tpu.memory_space<vmem>>
    %dma_start3A_82 = arith.constant 0 : i32
    %dma_start3A_83 = tpu.memref_slice %arg6[%dma_start3A_70, %dma_start3A_82] : memref<78x128xi32, #tpu.memory_space<vmem>> -> memref<1x128xi32, #tpu.memory_space<vmem>>
    %dma_start3A_84 = tpu.memref_squeeze %dma_start3A_83 : memref<1x128xi32, #tpu.memory_space<vmem>> -> memref<128xi32, #tpu.memory_space<vmem>>
    %dma_start3A_85 = arith.constant 0 : i32
    %dma_start3A_86 = arith.constant 0 : i32
    %dma_start3A_87 = tpu.memref_slice %arg13[%dma_start3A_85, %dma_start3A_86] : memref<10240x8xf32, #tpu.memory_space<vmem_shared>> -> memref<10240x8xf32, #tpu.memory_space<vmem_shared>>
    tpu.enqueue_indirect_dma source(%dma_start3A_87 : memref<10240x8xf32, #tpu.memory_space<vmem_shared>>) target(%dma_start3A_81 : memref<128x8xf32, #tpu.memory_space<vmem>>) offsets(%dma_start3A_84 : memref<128xi32, #tpu.memory_space<vmem>>) semaphore(%arg14 : memref<!tpu.dma_semaphore, #tpu.memory_space<semaphore_mem>>)
    %dma_start3A_88 = arith.constant 4 : i32
    %dma_start3A_89 = arith.constant 0 : i32
    %dma_start3A_90 = arith.constant 4 : i32
    %dma_start3A_91 = arith.constant 0 : i32
    %dma_start3A_92 = arith.constant 0 : i32
    %dma_start3A_93 = arith.constant 0 : i32
    %dma_start3A_94 = tpu.memref_slice %arg10[%dma_start3A_89, %dma_start3A_91, %dma_start3A_92, %dma_start3A_93] : memref<2x6x128x8xf32, #tpu.memory_space<vmem>> -> memref<1x6x128x8xf32, #tpu.memory_space<vmem>>
    %dma_start3A_95 = tpu.memref_squeeze %dma_start3A_94 : memref<1x6x128x8xf32, #tpu.memory_space<vmem>> -> memref<6x128x8xf32, #tpu.memory_space<vmem>>
    %dma_start3A_96 = arith.constant 0 : i32
    %dma_start3A_97 = arith.constant 0 : i32
    %dma_start3A_98 = tpu.memref_slice %dma_start3A_95[%dma_start3A_90, %dma_start3A_96, %dma_start3A_97] : memref<6x128x8xf32, #tpu.memory_space<vmem>> -> memref<1x128x8xf32, #tpu.memory_space<vmem>>
    %dma_start3A_99 = tpu.memref_squeeze %dma_start3A_98 : memref<1x128x8xf32, #tpu.memory_space<vmem>> -> memref<128x8xf32, #tpu.memory_space<vmem>>
    %dma_start3A_100 = arith.constant 0 : i32
    %dma_start3A_101 = tpu.memref_slice %arg6[%dma_start3A_88, %dma_start3A_100] : memref<78x128xi32, #tpu.memory_space<vmem>> -> memref<1x128xi32, #tpu.memory_space<vmem>>
    %dma_start3A_102 = tpu.memref_squeeze %dma_start3A_101 : memref<1x128xi32, #tpu.memory_space<vmem>> -> memref<128xi32, #tpu.memory_space<vmem>>
    %dma_start3A_103 = arith.constant 0 : i32
    %dma_start3A_104 = arith.constant 0 : i32
    %dma_start3A_105 = tpu.memref_slice %arg13[%dma_start3A_103, %dma_start3A_104] : memref<10240x8xf32, #tpu.memory_space<vmem_shared>> -> memref<10240x8xf32, #tpu.memory_space<vmem_shared>>
    tpu.enqueue_indirect_dma source(%dma_start3A_105 : memref<10240x8xf32, #tpu.memory_space<vmem_shared>>) target(%dma_start3A_99 : memref<128x8xf32, #tpu.memory_space<vmem>>) offsets(%dma_start3A_102 : memref<128xi32, #tpu.memory_space<vmem>>) semaphore(%arg14 : memref<!tpu.dma_semaphore, #tpu.memory_space<semaphore_mem>>)
    %dma_start3A_106 = arith.constant 5 : i32
    %dma_start3A_107 = arith.constant 0 : i32
    %dma_start3A_108 = arith.constant 5 : i32
    %dma_start3A_109 = arith.constant 0 : i32
    %dma_start3A_110 = arith.constant 0 : i32
    %dma_start3A_111 = arith.constant 0 : i32
    %dma_start3A_112 = tpu.memref_slice %arg10[%dma_start3A_107, %dma_start3A_109, %dma_start3A_110, %dma_start3A_111] : memref<2x6x128x8xf32, #tpu.memory_space<vmem>> -> memref<1x6x128x8xf32, #tpu.memory_space<vmem>>
    %dma_start3A_113 = tpu.memref_squeeze %dma_start3A_112 : memref<1x6x128x8xf32, #tpu.memory_space<vmem>> -> memref<6x128x8xf32, #tpu.memory_space<vmem>>
    %dma_start3A_114 = arith.constant 0 : i32
    %dma_start3A_115 = arith.constant 0 : i32
    %dma_start3A_116 = tpu.memref_slice %dma_start3A_113[%dma_start3A_108, %dma_start3A_114, %dma_start3A_115] : memref<6x128x8xf32, #tpu.memory_space<vmem>> -> memref<1x128x8xf32, #tpu.memory_space<vmem>>
    %dma_start3A_117 = tpu.memref_squeeze %dma_start3A_116 : memref<1x128x8xf32, #tpu.memory_space<vmem>> -> memref<128x8xf32, #tpu.memory_space<vmem>>
    %dma_start3A_118 = arith.constant 0 : i32
    %dma_start3A_119 = tpu.memref_slice %arg6[%dma_start3A_106, %dma_start3A_118] : memref<78x128xi32, #tpu.memory_space<vmem>> -> memref<1x128xi32, #tpu.memory_space<vmem>>
    %dma_start3A_120 = tpu.memref_squeeze %dma_start3A_119 : memref<1x128xi32, #tpu.memory_space<vmem>> -> memref<128xi32, #tpu.memory_space<vmem>>
    %dma_start3A_121 = arith.constant 0 : i32
    %dma_start3A_122 = arith.constant 0 : i32
    %dma_start3A_123 = tpu.memref_slice %arg13[%dma_start3A_121, %dma_start3A_122] : memref<10240x8xf32, #tpu.memory_space<vmem_shared>> -> memref<10240x8xf32, #tpu.memory_space<vmem_shared>>
    tpu.enqueue_indirect_dma source(%dma_start3A_123 : memref<10240x8xf32, #tpu.memory_space<vmem_shared>>) target(%dma_start3A_117 : memref<128x8xf32, #tpu.memory_space<vmem>>) offsets(%dma_start3A_120 : memref<128xi32, #tpu.memory_space<vmem>>) semaphore(%arg14 : memref<!tpu.dma_semaphore, #tpu.memory_space<semaphore_mem>>)
    %scan3A = arith.constant 0 : i32
    %scan3A_124 = arith.constant 0 : i32
    %scan3A_125 = arith.constant 13 : i32
    %scan3A_126 = arith.addi %scan3A_124, %scan3A_125 : i32
    %scan3A_127 = arith.constant 1 : i32
    scf.for %scan3A_355 = %scan3A_124 to %scan3A_126 step %scan3A_127  : i32 {
      %rem3A = arith.constant 2 : i32
      %rem3A_356 = arith.remsi %scan3A_355, %rem3A : i32
      %mul3A_357 = arith.constant 6 : i32
      %mul3A_358 = arith.muli %scan3A_355, %mul3A_357 : i32
      %add3A_359 = arith.constant 0 : i32
      %add3A_360 = arith.addi %mul3A_358, %add3A_359 : i32
      %dma_wait3A_361 = arith.constant 0 : i32
      %dma_wait3A_362 = arith.constant 0 : i32
      %dma_wait3A_363 = arith.constant 0 : i32
      %dma_wait3A_364 = arith.constant 0 : i32
      %dma_wait3A_365 = tpu.memref_slice %arg10[%rem3A_356, %dma_wait3A_362, %dma_wait3A_363, %dma_wait3A_364] : memref<2x6x128x8xf32, #tpu.memory_space<vmem>> -> memref<1x6x128x8xf32, #tpu.memory_space<vmem>>
      %dma_wait3A_366 = tpu.memref_squeeze %dma_wait3A_365 : memref<1x6x128x8xf32, #tpu.memory_space<vmem>> -> memref<6x128x8xf32, #tpu.memory_space<vmem>>
      %dma_wait3A_367 = arith.constant 0 : i32
      %dma_wait3A_368 = arith.constant 0 : i32
      %dma_wait3A_369 = tpu.memref_slice %dma_wait3A_366[%dma_wait3A_361, %dma_wait3A_367, %dma_wait3A_368] : memref<6x128x8xf32, #tpu.memory_space<vmem>> -> memref<1x128x8xf32, #tpu.memory_space<vmem>>
      %dma_wait3A_370 = tpu.memref_squeeze %dma_wait3A_369 : memref<1x128x8xf32, #tpu.memory_space<vmem>> -> memref<128x8xf32, #tpu.memory_space<vmem>>
      %dma_wait3A_371 = arith.constant 0 : i32
      %dma_wait3A_372 = tpu.memref_slice %arg6[%add3A_360, %dma_wait3A_371] : memref<78x128xi32, #tpu.memory_space<vmem>> -> memref<1x128xi32, #tpu.memory_space<vmem>>
      %dma_wait3A_373 = tpu.memref_squeeze %dma_wait3A_372 : memref<1x128xi32, #tpu.memory_space<vmem>> -> memref<128xi32, #tpu.memory_space<vmem>>
      %dma_wait3A_374 = arith.constant 0 : i32
      %dma_wait3A_375 = arith.constant 0 : i32
      %dma_wait3A_376 = tpu.memref_slice %arg13[%dma_wait3A_374, %dma_wait3A_375] : memref<10240x8xf32, #tpu.memory_space<vmem_shared>> -> memref<10240x8xf32, #tpu.memory_space<vmem_shared>>
      tpu.wait_indirect_dma semaphore(%arg14 : memref<!tpu.dma_semaphore, #tpu.memory_space<semaphore_mem>>) src(%dma_wait3A_376 : memref<10240x8xf32, #tpu.memory_space<vmem_shared>>) dst(%dma_wait3A_370 : memref<128x8xf32, #tpu.memory_space<vmem>>)
      %mul3A_377 = arith.constant 6 : i32
      %mul3A_378 = arith.muli %scan3A_355, %mul3A_377 : i32
      %add3A_379 = arith.constant 1 : i32
      %add3A_380 = arith.addi %mul3A_378, %add3A_379 : i32
      %dma_wait3A_381 = arith.constant 1 : i32
      %dma_wait3A_382 = arith.constant 0 : i32
      %dma_wait3A_383 = arith.constant 0 : i32
      %dma_wait3A_384 = arith.constant 0 : i32
      %dma_wait3A_385 = tpu.memref_slice %arg10[%rem3A_356, %dma_wait3A_382, %dma_wait3A_383, %dma_wait3A_384] : memref<2x6x128x8xf32, #tpu.memory_space<vmem>> -> memref<1x6x128x8xf32, #tpu.memory_space<vmem>>
      %dma_wait3A_386 = tpu.memref_squeeze %dma_wait3A_385 : memref<1x6x128x8xf32, #tpu.memory_space<vmem>> -> memref<6x128x8xf32, #tpu.memory_space<vmem>>
      %dma_wait3A_387 = arith.constant 0 : i32
      %dma_wait3A_388 = arith.constant 0 : i32
      %dma_wait3A_389 = tpu.memref_slice %dma_wait3A_386[%dma_wait3A_381, %dma_wait3A_387, %dma_wait3A_388] : memref<6x128x8xf32, #tpu.memory_space<vmem>> -> memref<1x128x8xf32, #tpu.memory_space<vmem>>
      %dma_wait3A_390 = tpu.memref_squeeze %dma_wait3A_389 : memref<1x128x8xf32, #tpu.memory_space<vmem>> -> memref<128x8xf32, #tpu.memory_space<vmem>>
      %dma_wait3A_391 = arith.constant 0 : i32
      %dma_wait3A_392 = tpu.memref_slice %arg6[%add3A_380, %dma_wait3A_391] : memref<78x128xi32, #tpu.memory_space<vmem>> -> memref<1x128xi32, #tpu.memory_space<vmem>>
      %dma_wait3A_393 = tpu.memref_squeeze %dma_wait3A_392 : memref<1x128xi32, #tpu.memory_space<vmem>> -> memref<128xi32, #tpu.memory_space<vmem>>
      %dma_wait3A_394 = arith.constant 0 : i32
      %dma_wait3A_395 = arith.constant 0 : i32
      %dma_wait3A_396 = tpu.memref_slice %arg13[%dma_wait3A_394, %dma_wait3A_395] : memref<10240x8xf32, #tpu.memory_space<vmem_shared>> -> memref<10240x8xf32, #tpu.memory_space<vmem_shared>>
      tpu.wait_indirect_dma semaphore(%arg14 : memref<!tpu.dma_semaphore, #tpu.memory_space<semaphore_mem>>) src(%dma_wait3A_396 : memref<10240x8xf32, #tpu.memory_space<vmem_shared>>) dst(%dma_wait3A_390 : memref<128x8xf32, #tpu.memory_space<vmem>>)
      %mul3A_397 = arith.constant 6 : i32
      %mul3A_398 = arith.muli %scan3A_355, %mul3A_397 : i32
      %add3A_399 = arith.constant 2 : i32
      %add3A_400 = arith.addi %mul3A_398, %add3A_399 : i32
      %dma_wait3A_401 = arith.constant 2 : i32
      %dma_wait3A_402 = arith.constant 0 : i32
      %dma_wait3A_403 = arith.constant 0 : i32
      %dma_wait3A_404 = arith.constant 0 : i32
      %dma_wait3A_405 = tpu.memref_slice %arg10[%rem3A_356, %dma_wait3A_402, %dma_wait3A_403, %dma_wait3A_404] : memref<2x6x128x8xf32, #tpu.memory_space<vmem>> -> memref<1x6x128x8xf32, #tpu.memory_space<vmem>>
      %dma_wait3A_406 = tpu.memref_squeeze %dma_wait3A_405 : memref<1x6x128x8xf32, #tpu.memory_space<vmem>> -> memref<6x128x8xf32, #tpu.memory_space<vmem>>
      %dma_wait3A_407 = arith.constant 0 : i32
      %dma_wait3A_408 = arith.constant 0 : i32
      %dma_wait3A_409 = tpu.memref_slice %dma_wait3A_406[%dma_wait3A_401, %dma_wait3A_407, %dma_wait3A_408] : memref<6x128x8xf32, #tpu.memory_space<vmem>> -> memref<1x128x8xf32, #tpu.memory_space<vmem>>
      %dma_wait3A_410 = tpu.memref_squeeze %dma_wait3A_409 : memref<1x128x8xf32, #tpu.memory_space<vmem>> -> memref<128x8xf32, #tpu.memory_space<vmem>>
      %dma_wait3A_411 = arith.constant 0 : i32
      %dma_wait3A_412 = tpu.memref_slice %arg6[%add3A_400, %dma_wait3A_411] : memref<78x128xi32, #tpu.memory_space<vmem>> -> memref<1x128xi32, #tpu.memory_space<vmem>>
      %dma_wait3A_413 = tpu.memref_squeeze %dma_wait3A_412 : memref<1x128xi32, #tpu.memory_space<vmem>> -> memref<128xi32, #tpu.memory_space<vmem>>
      %dma_wait3A_414 = arith.constant 0 : i32
      %dma_wait3A_415 = arith.constant 0 : i32
      %dma_wait3A_416 = tpu.memref_slice %arg13[%dma_wait3A_414, %dma_wait3A_415] : memref<10240x8xf32, #tpu.memory_space<vmem_shared>> -> memref<10240x8xf32, #tpu.memory_space<vmem_shared>>
      tpu.wait_indirect_dma semaphore(%arg14 : memref<!tpu.dma_semaphore, #tpu.memory_space<semaphore_mem>>) src(%dma_wait3A_416 : memref<10240x8xf32, #tpu.memory_space<vmem_shared>>) dst(%dma_wait3A_410 : memref<128x8xf32, #tpu.memory_space<vmem>>)
      %mul3A_417 = arith.constant 6 : i32
      %mul3A_418 = arith.muli %scan3A_355, %mul3A_417 : i32
      %add3A_419 = arith.constant 3 : i32
      %add3A_420 = arith.addi %mul3A_418, %add3A_419 : i32
      %dma_wait3A_421 = arith.constant 3 : i32
      %dma_wait3A_422 = arith.constant 0 : i32
      %dma_wait3A_423 = arith.constant 0 : i32
      %dma_wait3A_424 = arith.constant 0 : i32
      %dma_wait3A_425 = tpu.memref_slice %arg10[%rem3A_356, %dma_wait3A_422, %dma_wait3A_423, %dma_wait3A_424] : memref<2x6x128x8xf32, #tpu.memory_space<vmem>> -> memref<1x6x128x8xf32, #tpu.memory_space<vmem>>
      %dma_wait3A_426 = tpu.memref_squeeze %dma_wait3A_425 : memref<1x6x128x8xf32, #tpu.memory_space<vmem>> -> memref<6x128x8xf32, #tpu.memory_space<vmem>>
      %dma_wait3A_427 = arith.constant 0 : i32
      %dma_wait3A_428 = arith.constant 0 : i32
      %dma_wait3A_429 = tpu.memref_slice %dma_wait3A_426[%dma_wait3A_421, %dma_wait3A_427, %dma_wait3A_428] : memref<6x128x8xf32, #tpu.memory_space<vmem>> -> memref<1x128x8xf32, #tpu.memory_space<vmem>>
      %dma_wait3A_430 = tpu.memref_squeeze %dma_wait3A_429 : memref<1x128x8xf32, #tpu.memory_space<vmem>> -> memref<128x8xf32, #tpu.memory_space<vmem>>
      %dma_wait3A_431 = arith.constant 0 : i32
      %dma_wait3A_432 = tpu.memref_slice %arg6[%add3A_420, %dma_wait3A_431] : memref<78x128xi32, #tpu.memory_space<vmem>> -> memref<1x128xi32, #tpu.memory_space<vmem>>
      %dma_wait3A_433 = tpu.memref_squeeze %dma_wait3A_432 : memref<1x128xi32, #tpu.memory_space<vmem>> -> memref<128xi32, #tpu.memory_space<vmem>>
      %dma_wait3A_434 = arith.constant 0 : i32
      %dma_wait3A_435 = arith.constant 0 : i32
      %dma_wait3A_436 = tpu.memref_slice %arg13[%dma_wait3A_434, %dma_wait3A_435] : memref<10240x8xf32, #tpu.memory_space<vmem_shared>> -> memref<10240x8xf32, #tpu.memory_space<vmem_shared>>
      tpu.wait_indirect_dma semaphore(%arg14 : memref<!tpu.dma_semaphore, #tpu.memory_space<semaphore_mem>>) src(%dma_wait3A_436 : memref<10240x8xf32, #tpu.memory_space<vmem_shared>>) dst(%dma_wait3A_430 : memref<128x8xf32, #tpu.memory_space<vmem>>)
      %mul3A_437 = arith.constant 6 : i32
      %mul3A_438 = arith.muli %scan3A_355, %mul3A_437 : i32
      %add3A_439 = arith.constant 4 : i32
      %add3A_440 = arith.addi %mul3A_438, %add3A_439 : i32
      %dma_wait3A_441 = arith.constant 4 : i32
      %dma_wait3A_442 = arith.constant 0 : i32
      %dma_wait3A_443 = arith.constant 0 : i32
      %dma_wait3A_444 = arith.constant 0 : i32
      %dma_wait3A_445 = tpu.memref_slice %arg10[%rem3A_356, %dma_wait3A_442, %dma_wait3A_443, %dma_wait3A_444] : memref<2x6x128x8xf32, #tpu.memory_space<vmem>> -> memref<1x6x128x8xf32, #tpu.memory_space<vmem>>
      %dma_wait3A_446 = tpu.memref_squeeze %dma_wait3A_445 : memref<1x6x128x8xf32, #tpu.memory_space<vmem>> -> memref<6x128x8xf32, #tpu.memory_space<vmem>>
      %dma_wait3A_447 = arith.constant 0 : i32
      %dma_wait3A_448 = arith.constant 0 : i32
      %dma_wait3A_449 = tpu.memref_slice %dma_wait3A_446[%dma_wait3A_441, %dma_wait3A_447, %dma_wait3A_448] : memref<6x128x8xf32, #tpu.memory_space<vmem>> -> memref<1x128x8xf32, #tpu.memory_space<vmem>>
      %dma_wait3A_450 = tpu.memref_squeeze %dma_wait3A_449 : memref<1x128x8xf32, #tpu.memory_space<vmem>> -> memref<128x8xf32, #tpu.memory_space<vmem>>
      %dma_wait3A_451 = arith.constant 0 : i32
      %dma_wait3A_452 = tpu.memref_slice %arg6[%add3A_440, %dma_wait3A_451] : memref<78x128xi32, #tpu.memory_space<vmem>> -> memref<1x128xi32, #tpu.memory_space<vmem>>
      %dma_wait3A_453 = tpu.memref_squeeze %dma_wait3A_452 : memref<1x128xi32, #tpu.memory_space<vmem>> -> memref<128xi32, #tpu.memory_space<vmem>>
      %dma_wait3A_454 = arith.constant 0 : i32
      %dma_wait3A_455 = arith.constant 0 : i32
      %dma_wait3A_456 = tpu.memref_slice %arg13[%dma_wait3A_454, %dma_wait3A_455] : memref<10240x8xf32, #tpu.memory_space<vmem_shared>> -> memref<10240x8xf32, #tpu.memory_space<vmem_shared>>
      tpu.wait_indirect_dma semaphore(%arg14 : memref<!tpu.dma_semaphore, #tpu.memory_space<semaphore_mem>>) src(%dma_wait3A_456 : memref<10240x8xf32, #tpu.memory_space<vmem_shared>>) dst(%dma_wait3A_450 : memref<128x8xf32, #tpu.memory_space<vmem>>)
      %mul3A_457 = arith.constant 6 : i32
      %mul3A_458 = arith.muli %scan3A_355, %mul3A_457 : i32
      %add3A_459 = arith.constant 5 : i32
      %add3A_460 = arith.addi %mul3A_458, %add3A_459 : i32
      %dma_wait3A_461 = arith.constant 5 : i32
      %dma_wait3A_462 = arith.constant 0 : i32
      %dma_wait3A_463 = arith.constant 0 : i32
      %dma_wait3A_464 = arith.constant 0 : i32
      %dma_wait3A_465 = tpu.memref_slice %arg10[%rem3A_356, %dma_wait3A_462, %dma_wait3A_463, %dma_wait3A_464] : memref<2x6x128x8xf32, #tpu.memory_space<vmem>> -> memref<1x6x128x8xf32, #tpu.memory_space<vmem>>
      %dma_wait3A_466 = tpu.memref_squeeze %dma_wait3A_465 : memref<1x6x128x8xf32, #tpu.memory_space<vmem>> -> memref<6x128x8xf32, #tpu.memory_space<vmem>>
      %dma_wait3A_467 = arith.constant 0 : i32
      %dma_wait3A_468 = arith.constant 0 : i32
      %dma_wait3A_469 = tpu.memref_slice %dma_wait3A_466[%dma_wait3A_461, %dma_wait3A_467, %dma_wait3A_468] : memref<6x128x8xf32, #tpu.memory_space<vmem>> -> memref<1x128x8xf32, #tpu.memory_space<vmem>>
      %dma_wait3A_470 = tpu.memref_squeeze %dma_wait3A_469 : memref<1x128x8xf32, #tpu.memory_space<vmem>> -> memref<128x8xf32, #tpu.memory_space<vmem>>
      %dma_wait3A_471 = arith.constant 0 : i32
      %dma_wait3A_472 = tpu.memref_slice %arg6[%add3A_460, %dma_wait3A_471] : memref<78x128xi32, #tpu.memory_space<vmem>> -> memref<1x128xi32, #tpu.memory_space<vmem>>
      %dma_wait3A_473 = tpu.memref_squeeze %dma_wait3A_472 : memref<1x128xi32, #tpu.memory_space<vmem>> -> memref<128xi32, #tpu.memory_space<vmem>>
      %dma_wait3A_474 = arith.constant 0 : i32
      %dma_wait3A_475 = arith.constant 0 : i32
      %dma_wait3A_476 = tpu.memref_slice %arg13[%dma_wait3A_474, %dma_wait3A_475] : memref<10240x8xf32, #tpu.memory_space<vmem_shared>> -> memref<10240x8xf32, #tpu.memory_space<vmem_shared>>
      tpu.wait_indirect_dma semaphore(%arg14 : memref<!tpu.dma_semaphore, #tpu.memory_space<semaphore_mem>>) src(%dma_wait3A_476 : memref<10240x8xf32, #tpu.memory_space<vmem_shared>>) dst(%dma_wait3A_470 : memref<128x8xf32, #tpu.memory_space<vmem>>)
      %lt3A_477 = arith.constant 12 : i32
      %lt3A_478 = arith.cmpi slt, %scan3A_355, %lt3A_477 : i32
      %convert_element_type3A_479 = arith.extui %lt3A_478 : i1 to i32
      %cond3A_480 = arith.constant 0 : i32
      %cond3A_481 = arith.cmpi ne, %convert_element_type3A_479, %cond3A_480 : i32
      scf.if %cond3A_481 {
        %ge3A = arith.constant 1 : i32
        %ge3A_602 = arith.cmpi sge, %scan3A_355, %ge3A : i32
        %convert_element_type3A_603 = arith.extui %ge3A_602 : i1 to i32
        %cond3A_604 = arith.constant 0 : i32
        %cond3A_605 = arith.cmpi ne, %convert_element_type3A_603, %cond3A_604 : i32
        scf.if %cond3A_605 {
          %sub3A_729 = arith.constant 1 : i32
          %sub3A_730 = arith.subi %scan3A_355, %sub3A_729 : i32
          %sub3A_731 = arith.constant 1 : i32
          %sub3A_732 = arith.subi %sub3A_731, %rem3A_356 : i32
          %mul3A_733 = arith.constant 6 : i32
          %mul3A_734 = arith.muli %sub3A_730, %mul3A_733 : i32
          %add3A_735 = arith.constant 0 : i32
          %add3A_736 = arith.addi %mul3A_734, %add3A_735 : i32
          %dma_wait3A_737 = arith.constant 0 : i32
          %dma_wait3A_738 = arith.constant 0 : i32
          %dma_wait3A_739 = arith.constant 0 : i32
          %dma_wait3A_740 = arith.constant 0 : i32
          %dma_wait3A_741 = tpu.memref_slice %arg10[%sub3A_732, %dma_wait3A_738, %dma_wait3A_739, %dma_wait3A_740] : memref<2x6x128x8xf32, #tpu.memory_space<vmem>> -> memref<1x6x128x8xf32, #tpu.memory_space<vmem>>
          %dma_wait3A_742 = tpu.memref_squeeze %dma_wait3A_741 : memref<1x6x128x8xf32, #tpu.memory_space<vmem>> -> memref<6x128x8xf32, #tpu.memory_space<vmem>>
          %dma_wait3A_743 = arith.constant 0 : i32
          %dma_wait3A_744 = arith.constant 0 : i32
          %dma_wait3A_745 = tpu.memref_slice %dma_wait3A_742[%dma_wait3A_737, %dma_wait3A_743, %dma_wait3A_744] : memref<6x128x8xf32, #tpu.memory_space<vmem>> -> memref<1x128x8xf32, #tpu.memory_space<vmem>>
          %dma_wait3A_746 = tpu.memref_squeeze %dma_wait3A_745 : memref<1x128x8xf32, #tpu.memory_space<vmem>> -> memref<128x8xf32, #tpu.memory_space<vmem>>
          %dma_wait3A_747 = arith.constant 0 : i32
          %dma_wait3A_748 = tpu.memref_slice %arg7[%add3A_736, %dma_wait3A_747] : memref<78x128xi32, #tpu.memory_space<vmem>> -> memref<1x128xi32, #tpu.memory_space<vmem>>
          %dma_wait3A_749 = tpu.memref_squeeze %dma_wait3A_748 : memref<1x128xi32, #tpu.memory_space<vmem>> -> memref<128xi32, #tpu.memory_space<vmem>>
          %dma_wait3A_750 = arith.constant 0 : i32
          %dma_wait3A_751 = arith.constant 0 : i32
          %dma_wait3A_752 = tpu.memref_slice %arg12[%dma_wait3A_750, %dma_wait3A_751] : memref<10240x8xf32, #tpu.memory_space<vmem_shared>> -> memref<10240x8xf32, #tpu.memory_space<vmem_shared>>
          tpu.wait_indirect_dma semaphore(%arg15 : memref<!tpu.dma_semaphore, #tpu.memory_space<semaphore_mem>>) src(%dma_wait3A_746 : memref<128x8xf32, #tpu.memory_space<vmem>>) dst(%dma_wait3A_752 : memref<10240x8xf32, #tpu.memory_space<vmem_shared>>)
          %mul3A_753 = arith.constant 6 : i32
          %mul3A_754 = arith.muli %sub3A_730, %mul3A_753 : i32
          %add3A_755 = arith.constant 1 : i32
          %add3A_756 = arith.addi %mul3A_754, %add3A_755 : i32
          %dma_wait3A_757 = arith.constant 1 : i32
          %dma_wait3A_758 = arith.constant 0 : i32
          %dma_wait3A_759 = arith.constant 0 : i32
          %dma_wait3A_760 = arith.constant 0 : i32
          %dma_wait3A_761 = tpu.memref_slice %arg10[%sub3A_732, %dma_wait3A_758, %dma_wait3A_759, %dma_wait3A_760] : memref<2x6x128x8xf32, #tpu.memory_space<vmem>> -> memref<1x6x128x8xf32, #tpu.memory_space<vmem>>
          %dma_wait3A_762 = tpu.memref_squeeze %dma_wait3A_761 : memref<1x6x128x8xf32, #tpu.memory_space<vmem>> -> memref<6x128x8xf32, #tpu.memory_space<vmem>>
          %dma_wait3A_763 = arith.constant 0 : i32
          %dma_wait3A_764 = arith.constant 0 : i32
          %dma_wait3A_765 = tpu.memref_slice %dma_wait3A_762[%dma_wait3A_757, %dma_wait3A_763, %dma_wait3A_764] : memref<6x128x8xf32, #tpu.memory_space<vmem>> -> memref<1x128x8xf32, #tpu.memory_space<vmem>>
          %dma_wait3A_766 = tpu.memref_squeeze %dma_wait3A_765 : memref<1x128x8xf32, #tpu.memory_space<vmem>> -> memref<128x8xf32, #tpu.memory_space<vmem>>
          %dma_wait3A_767 = arith.constant 0 : i32
          %dma_wait3A_768 = tpu.memref_slice %arg7[%add3A_756, %dma_wait3A_767] : memref<78x128xi32, #tpu.memory_space<vmem>> -> memref<1x128xi32, #tpu.memory_space<vmem>>
          %dma_wait3A_769 = tpu.memref_squeeze %dma_wait3A_768 : memref<1x128xi32, #tpu.memory_space<vmem>> -> memref<128xi32, #tpu.memory_space<vmem>>
          %dma_wait3A_770 = arith.constant 0 : i32
          %dma_wait3A_771 = arith.constant 0 : i32
          %dma_wait3A_772 = tpu.memref_slice %arg12[%dma_wait3A_770, %dma_wait3A_771] : memref<10240x8xf32, #tpu.memory_space<vmem_shared>> -> memref<10240x8xf32, #tpu.memory_space<vmem_shared>>
          tpu.wait_indirect_dma semaphore(%arg15 : memref<!tpu.dma_semaphore, #tpu.memory_space<semaphore_mem>>) src(%dma_wait3A_766 : memref<128x8xf32, #tpu.memory_space<vmem>>) dst(%dma_wait3A_772 : memref<10240x8xf32, #tpu.memory_space<vmem_shared>>)
          %mul3A_773 = arith.constant 6 : i32
          %mul3A_774 = arith.muli %sub3A_730, %mul3A_773 : i32
          %add3A_775 = arith.constant 2 : i32
          %add3A_776 = arith.addi %mul3A_774, %add3A_775 : i32
          %dma_wait3A_777 = arith.constant 2 : i32
          %dma_wait3A_778 = arith.constant 0 : i32
          %dma_wait3A_779 = arith.constant 0 : i32
          %dma_wait3A_780 = arith.constant 0 : i32
          %dma_wait3A_781 = tpu.memref_slice %arg10[%sub3A_732, %dma_wait3A_778, %dma_wait3A_779, %dma_wait3A_780] : memref<2x6x128x8xf32, #tpu.memory_space<vmem>> -> memref<1x6x128x8xf32, #tpu.memory_space<vmem>>
          %dma_wait3A_782 = tpu.memref_squeeze %dma_wait3A_781 : memref<1x6x128x8xf32, #tpu.memory_space<vmem>> -> memref<6x128x8xf32, #tpu.memory_space<vmem>>
          %dma_wait3A_783 = arith.constant 0 : i32
          %dma_wait3A_784 = arith.constant 0 : i32
          %dma_wait3A_785 = tpu.memref_slice %dma_wait3A_782[%dma_wait3A_777, %dma_wait3A_783, %dma_wait3A_784] : memref<6x128x8xf32, #tpu.memory_space<vmem>> -> memref<1x128x8xf32, #tpu.memory_space<vmem>>
          %dma_wait3A_786 = tpu.memref_squeeze %dma_wait3A_785 : memref<1x128x8xf32, #tpu.memory_space<vmem>> -> memref<128x8xf32, #tpu.memory_space<vmem>>
          %dma_wait3A_787 = arith.constant 0 : i32
          %dma_wait3A_788 = tpu.memref_slice %arg7[%add3A_776, %dma_wait3A_787] : memref<78x128xi32, #tpu.memory_space<vmem>> -> memref<1x128xi32, #tpu.memory_space<vmem>>
          %dma_wait3A_789 = tpu.memref_squeeze %dma_wait3A_788 : memref<1x128xi32, #tpu.memory_space<vmem>> -> memref<128xi32, #tpu.memory_space<vmem>>
          %dma_wait3A_790 = arith.constant 0 : i32
          %dma_wait3A_791 = arith.constant 0 : i32
          %dma_wait3A_792 = tpu.memref_slice %arg12[%dma_wait3A_790, %dma_wait3A_791] : memref<10240x8xf32, #tpu.memory_space<vmem_shared>> -> memref<10240x8xf32, #tpu.memory_space<vmem_shared>>
          tpu.wait_indirect_dma semaphore(%arg15 : memref<!tpu.dma_semaphore, #tpu.memory_space<semaphore_mem>>) src(%dma_wait3A_786 : memref<128x8xf32, #tpu.memory_space<vmem>>) dst(%dma_wait3A_792 : memref<10240x8xf32, #tpu.memory_space<vmem_shared>>)
          %mul3A_793 = arith.constant 6 : i32
          %mul3A_794 = arith.muli %sub3A_730, %mul3A_793 : i32
          %add3A_795 = arith.constant 3 : i32
          %add3A_796 = arith.addi %mul3A_794, %add3A_795 : i32
          %dma_wait3A_797 = arith.constant 3 : i32
          %dma_wait3A_798 = arith.constant 0 : i32
          %dma_wait3A_799 = arith.constant 0 : i32
          %dma_wait3A_800 = arith.constant 0 : i32
          %dma_wait3A_801 = tpu.memref_slice %arg10[%sub3A_732, %dma_wait3A_798, %dma_wait3A_799, %dma_wait3A_800] : memref<2x6x128x8xf32, #tpu.memory_space<vmem>> -> memref<1x6x128x8xf32, #tpu.memory_space<vmem>>
          %dma_wait3A_802 = tpu.memref_squeeze %dma_wait3A_801 : memref<1x6x128x8xf32, #tpu.memory_space<vmem>> -> memref<6x128x8xf32, #tpu.memory_space<vmem>>
          %dma_wait3A_803 = arith.constant 0 : i32
          %dma_wait3A_804 = arith.constant 0 : i32
          %dma_wait3A_805 = tpu.memref_slice %dma_wait3A_802[%dma_wait3A_797, %dma_wait3A_803, %dma_wait3A_804] : memref<6x128x8xf32, #tpu.memory_space<vmem>> -> memref<1x128x8xf32, #tpu.memory_space<vmem>>
          %dma_wait3A_806 = tpu.memref_squeeze %dma_wait3A_805 : memref<1x128x8xf32, #tpu.memory_space<vmem>> -> memref<128x8xf32, #tpu.memory_space<vmem>>
          %dma_wait3A_807 = arith.constant 0 : i32
          %dma_wait3A_808 = tpu.memref_slice %arg7[%add3A_796, %dma_wait3A_807] : memref<78x128xi32, #tpu.memory_space<vmem>> -> memref<1x128xi32, #tpu.memory_space<vmem>>
          %dma_wait3A_809 = tpu.memref_squeeze %dma_wait3A_808 : memref<1x128xi32, #tpu.memory_space<vmem>> -> memref<128xi32, #tpu.memory_space<vmem>>
          %dma_wait3A_810 = arith.constant 0 : i32
          %dma_wait3A_811 = arith.constant 0 : i32
          %dma_wait3A_812 = tpu.memref_slice %arg12[%dma_wait3A_810, %dma_wait3A_811] : memref<10240x8xf32, #tpu.memory_space<vmem_shared>> -> memref<10240x8xf32, #tpu.memory_space<vmem_shared>>
          tpu.wait_indirect_dma semaphore(%arg15 : memref<!tpu.dma_semaphore, #tpu.memory_space<semaphore_mem>>) src(%dma_wait3A_806 : memref<128x8xf32, #tpu.memory_space<vmem>>) dst(%dma_wait3A_812 : memref<10240x8xf32, #tpu.memory_space<vmem_shared>>)
          %mul3A_813 = arith.constant 6 : i32
          %mul3A_814 = arith.muli %sub3A_730, %mul3A_813 : i32
          %add3A_815 = arith.constant 4 : i32
          %add3A_816 = arith.addi %mul3A_814, %add3A_815 : i32
          %dma_wait3A_817 = arith.constant 4 : i32
          %dma_wait3A_818 = arith.constant 0 : i32
          %dma_wait3A_819 = arith.constant 0 : i32
          %dma_wait3A_820 = arith.constant 0 : i32
          %dma_wait3A_821 = tpu.memref_slice %arg10[%sub3A_732, %dma_wait3A_818, %dma_wait3A_819, %dma_wait3A_820] : memref<2x6x128x8xf32, #tpu.memory_space<vmem>> -> memref<1x6x128x8xf32, #tpu.memory_space<vmem>>
          %dma_wait3A_822 = tpu.memref_squeeze %dma_wait3A_821 : memref<1x6x128x8xf32, #tpu.memory_space<vmem>> -> memref<6x128x8xf32, #tpu.memory_space<vmem>>
          %dma_wait3A_823 = arith.constant 0 : i32
          %dma_wait3A_824 = arith.constant 0 : i32
          %dma_wait3A_825 = tpu.memref_slice %dma_wait3A_822[%dma_wait3A_817, %dma_wait3A_823, %dma_wait3A_824] : memref<6x128x8xf32, #tpu.memory_space<vmem>> -> memref<1x128x8xf32, #tpu.memory_space<vmem>>
          %dma_wait3A_826 = tpu.memref_squeeze %dma_wait3A_825 : memref<1x128x8xf32, #tpu.memory_space<vmem>> -> memref<128x8xf32, #tpu.memory_space<vmem>>
          %dma_wait3A_827 = arith.constant 0 : i32
          %dma_wait3A_828 = tpu.memref_slice %arg7[%add3A_816, %dma_wait3A_827] : memref<78x128xi32, #tpu.memory_space<vmem>> -> memref<1x128xi32, #tpu.memory_space<vmem>>
          %dma_wait3A_829 = tpu.memref_squeeze %dma_wait3A_828 : memref<1x128xi32, #tpu.memory_space<vmem>> -> memref<128xi32, #tpu.memory_space<vmem>>
          %dma_wait3A_830 = arith.constant 0 : i32
          %dma_wait3A_831 = arith.constant 0 : i32
          %dma_wait3A_832 = tpu.memref_slice %arg12[%dma_wait3A_830, %dma_wait3A_831] : memref<10240x8xf32, #tpu.memory_space<vmem_shared>> -> memref<10240x8xf32, #tpu.memory_space<vmem_shared>>
          tpu.wait_indirect_dma semaphore(%arg15 : memref<!tpu.dma_semaphore, #tpu.memory_space<semaphore_mem>>) src(%dma_wait3A_826 : memref<128x8xf32, #tpu.memory_space<vmem>>) dst(%dma_wait3A_832 : memref<10240x8xf32, #tpu.memory_space<vmem_shared>>)
          %mul3A_833 = arith.constant 6 : i32
          %mul3A_834 = arith.muli %sub3A_730, %mul3A_833 : i32
          %add3A_835 = arith.constant 5 : i32
          %add3A_836 = arith.addi %mul3A_834, %add3A_835 : i32
          %dma_wait3A_837 = arith.constant 5 : i32
          %dma_wait3A_838 = arith.constant 0 : i32
          %dma_wait3A_839 = arith.constant 0 : i32
          %dma_wait3A_840 = arith.constant 0 : i32
          %dma_wait3A_841 = tpu.memref_slice %arg10[%sub3A_732, %dma_wait3A_838, %dma_wait3A_839, %dma_wait3A_840] : memref<2x6x128x8xf32, #tpu.memory_space<vmem>> -> memref<1x6x128x8xf32, #tpu.memory_space<vmem>>
          %dma_wait3A_842 = tpu.memref_squeeze %dma_wait3A_841 : memref<1x6x128x8xf32, #tpu.memory_space<vmem>> -> memref<6x128x8xf32, #tpu.memory_space<vmem>>
          %dma_wait3A_843 = arith.constant 0 : i32
          %dma_wait3A_844 = arith.constant 0 : i32
          %dma_wait3A_845 = tpu.memref_slice %dma_wait3A_842[%dma_wait3A_837, %dma_wait3A_843, %dma_wait3A_844] : memref<6x128x8xf32, #tpu.memory_space<vmem>> -> memref<1x128x8xf32, #tpu.memory_space<vmem>>
          %dma_wait3A_846 = tpu.memref_squeeze %dma_wait3A_845 : memref<1x128x8xf32, #tpu.memory_space<vmem>> -> memref<128x8xf32, #tpu.memory_space<vmem>>
          %dma_wait3A_847 = arith.constant 0 : i32
          %dma_wait3A_848 = tpu.memref_slice %arg7[%add3A_836, %dma_wait3A_847] : memref<78x128xi32, #tpu.memory_space<vmem>> -> memref<1x128xi32, #tpu.memory_space<vmem>>
          %dma_wait3A_849 = tpu.memref_squeeze %dma_wait3A_848 : memref<1x128xi32, #tpu.memory_space<vmem>> -> memref<128xi32, #tpu.memory_space<vmem>>
          %dma_wait3A_850 = arith.constant 0 : i32
          %dma_wait3A_851 = arith.constant 0 : i32
          %dma_wait3A_852 = tpu.memref_slice %arg12[%dma_wait3A_850, %dma_wait3A_851] : memref<10240x8xf32, #tpu.memory_space<vmem_shared>> -> memref<10240x8xf32, #tpu.memory_space<vmem_shared>>
          tpu.wait_indirect_dma semaphore(%arg15 : memref<!tpu.dma_semaphore, #tpu.memory_space<semaphore_mem>>) src(%dma_wait3A_846 : memref<128x8xf32, #tpu.memory_space<vmem>>) dst(%dma_wait3A_852 : memref<10240x8xf32, #tpu.memory_space<vmem_shared>>)
        } else {
        }
        %add3A_606 = arith.constant 1 : i32
        %add3A_607 = arith.addi %scan3A_355, %add3A_606 : i32
        %sub3A = arith.constant 1 : i32
        %sub3A_608 = arith.subi %sub3A, %rem3A_356 : i32
        %mul3A_609 = arith.constant 6 : i32
        %mul3A_610 = arith.muli %add3A_607, %mul3A_609 : i32
        %add3A_611 = arith.constant 0 : i32
        %add3A_612 = arith.addi %mul3A_610, %add3A_611 : i32
        %dma_start3A_613 = arith.constant 0 : i32
        %dma_start3A_614 = arith.constant 0 : i32
        %dma_start3A_615 = arith.constant 0 : i32
        %dma_start3A_616 = arith.constant 0 : i32
        %dma_start3A_617 = tpu.memref_slice %arg10[%sub3A_608, %dma_start3A_614, %dma_start3A_615, %dma_start3A_616] : memref<2x6x128x8xf32, #tpu.memory_space<vmem>> -> memref<1x6x128x8xf32, #tpu.memory_space<vmem>>
        %dma_start3A_618 = tpu.memref_squeeze %dma_start3A_617 : memref<1x6x128x8xf32, #tpu.memory_space<vmem>> -> memref<6x128x8xf32, #tpu.memory_space<vmem>>
        %dma_start3A_619 = arith.constant 0 : i32
        %dma_start3A_620 = arith.constant 0 : i32
        %dma_start3A_621 = tpu.memref_slice %dma_start3A_618[%dma_start3A_613, %dma_start3A_619, %dma_start3A_620] : memref<6x128x8xf32, #tpu.memory_space<vmem>> -> memref<1x128x8xf32, #tpu.memory_space<vmem>>
        %dma_start3A_622 = tpu.memref_squeeze %dma_start3A_621 : memref<1x128x8xf32, #tpu.memory_space<vmem>> -> memref<128x8xf32, #tpu.memory_space<vmem>>
        %dma_start3A_623 = arith.constant 0 : i32
        %dma_start3A_624 = tpu.memref_slice %arg6[%add3A_612, %dma_start3A_623] : memref<78x128xi32, #tpu.memory_space<vmem>> -> memref<1x128xi32, #tpu.memory_space<vmem>>
        %dma_start3A_625 = tpu.memref_squeeze %dma_start3A_624 : memref<1x128xi32, #tpu.memory_space<vmem>> -> memref<128xi32, #tpu.memory_space<vmem>>
        %dma_start3A_626 = arith.constant 0 : i32
        %dma_start3A_627 = arith.constant 0 : i32
        %dma_start3A_628 = tpu.memref_slice %arg13[%dma_start3A_626, %dma_start3A_627] : memref<10240x8xf32, #tpu.memory_space<vmem_shared>> -> memref<10240x8xf32, #tpu.memory_space<vmem_shared>>
        tpu.enqueue_indirect_dma source(%dma_start3A_628 : memref<10240x8xf32, #tpu.memory_space<vmem_shared>>) target(%dma_start3A_622 : memref<128x8xf32, #tpu.memory_space<vmem>>) offsets(%dma_start3A_625 : memref<128xi32, #tpu.memory_space<vmem>>) semaphore(%arg14 : memref<!tpu.dma_semaphore, #tpu.memory_space<semaphore_mem>>)
        %mul3A_629 = arith.constant 6 : i32
        %mul3A_630 = arith.muli %add3A_607, %mul3A_629 : i32
        %add3A_631 = arith.constant 1 : i32
        %add3A_632 = arith.addi %mul3A_630, %add3A_631 : i32
        %dma_start3A_633 = arith.constant 1 : i32
        %dma_start3A_634 = arith.constant 0 : i32
        %dma_start3A_635 = arith.constant 0 : i32
        %dma_start3A_636 = arith.constant 0 : i32
        %dma_start3A_637 = tpu.memref_slice %arg10[%sub3A_608, %dma_start3A_634, %dma_start3A_635, %dma_start3A_636] : memref<2x6x128x8xf32, #tpu.memory_space<vmem>> -> memref<1x6x128x8xf32, #tpu.memory_space<vmem>>
        %dma_start3A_638 = tpu.memref_squeeze %dma_start3A_637 : memref<1x6x128x8xf32, #tpu.memory_space<vmem>> -> memref<6x128x8xf32, #tpu.memory_space<vmem>>
        %dma_start3A_639 = arith.constant 0 : i32
        %dma_start3A_640 = arith.constant 0 : i32
        %dma_start3A_641 = tpu.memref_slice %dma_start3A_638[%dma_start3A_633, %dma_start3A_639, %dma_start3A_640] : memref<6x128x8xf32, #tpu.memory_space<vmem>> -> memref<1x128x8xf32, #tpu.memory_space<vmem>>
        %dma_start3A_642 = tpu.memref_squeeze %dma_start3A_641 : memref<1x128x8xf32, #tpu.memory_space<vmem>> -> memref<128x8xf32, #tpu.memory_space<vmem>>
        %dma_start3A_643 = arith.constant 0 : i32
        %dma_start3A_644 = tpu.memref_slice %arg6[%add3A_632, %dma_start3A_643] : memref<78x128xi32, #tpu.memory_space<vmem>> -> memref<1x128xi32, #tpu.memory_space<vmem>>
        %dma_start3A_645 = tpu.memref_squeeze %dma_start3A_644 : memref<1x128xi32, #tpu.memory_space<vmem>> -> memref<128xi32, #tpu.memory_space<vmem>>
        %dma_start3A_646 = arith.constant 0 : i32
        %dma_start3A_647 = arith.constant 0 : i32
        %dma_start3A_648 = tpu.memref_slice %arg13[%dma_start3A_646, %dma_start3A_647] : memref<10240x8xf32, #tpu.memory_space<vmem_shared>> -> memref<10240x8xf32, #tpu.memory_space<vmem_shared>>
        tpu.enqueue_indirect_dma source(%dma_start3A_648 : memref<10240x8xf32, #tpu.memory_space<vmem_shared>>) target(%dma_start3A_642 : memref<128x8xf32, #tpu.memory_space<vmem>>) offsets(%dma_start3A_645 : memref<128xi32, #tpu.memory_space<vmem>>) semaphore(%arg14 : memref<!tpu.dma_semaphore, #tpu.memory_space<semaphore_mem>>)
        %mul3A_649 = arith.constant 6 : i32
        %mul3A_650 = arith.muli %add3A_607, %mul3A_649 : i32
        %add3A_651 = arith.constant 2 : i32
        %add3A_652 = arith.addi %mul3A_650, %add3A_651 : i32
        %dma_start3A_653 = arith.constant 2 : i32
        %dma_start3A_654 = arith.constant 0 : i32
        %dma_start3A_655 = arith.constant 0 : i32
        %dma_start3A_656 = arith.constant 0 : i32
        %dma_start3A_657 = tpu.memref_slice %arg10[%sub3A_608, %dma_start3A_654, %dma_start3A_655, %dma_start3A_656] : memref<2x6x128x8xf32, #tpu.memory_space<vmem>> -> memref<1x6x128x8xf32, #tpu.memory_space<vmem>>
        %dma_start3A_658 = tpu.memref_squeeze %dma_start3A_657 : memref<1x6x128x8xf32, #tpu.memory_space<vmem>> -> memref<6x128x8xf32, #tpu.memory_space<vmem>>
        %dma_start3A_659 = arith.constant 0 : i32
        %dma_start3A_660 = arith.constant 0 : i32
        %dma_start3A_661 = tpu.memref_slice %dma_start3A_658[%dma_start3A_653, %dma_start3A_659, %dma_start3A_660] : memref<6x128x8xf32, #tpu.memory_space<vmem>> -> memref<1x128x8xf32, #tpu.memory_space<vmem>>
        %dma_start3A_662 = tpu.memref_squeeze %dma_start3A_661 : memref<1x128x8xf32, #tpu.memory_space<vmem>> -> memref<128x8xf32, #tpu.memory_space<vmem>>
        %dma_start3A_663 = arith.constant 0 : i32
        %dma_start3A_664 = tpu.memref_slice %arg6[%add3A_652, %dma_start3A_663] : memref<78x128xi32, #tpu.memory_space<vmem>> -> memref<1x128xi32, #tpu.memory_space<vmem>>
        %dma_start3A_665 = tpu.memref_squeeze %dma_start3A_664 : memref<1x128xi32, #tpu.memory_space<vmem>> -> memref<128xi32, #tpu.memory_space<vmem>>
        %dma_start3A_666 = arith.constant 0 : i32
        %dma_start3A_667 = arith.constant 0 : i32
        %dma_start3A_668 = tpu.memref_slice %arg13[%dma_start3A_666, %dma_start3A_667] : memref<10240x8xf32, #tpu.memory_space<vmem_shared>> -> memref<10240x8xf32, #tpu.memory_space<vmem_shared>>
        tpu.enqueue_indirect_dma source(%dma_start3A_668 : memref<10240x8xf32, #tpu.memory_space<vmem_shared>>) target(%dma_start3A_662 : memref<128x8xf32, #tpu.memory_space<vmem>>) offsets(%dma_start3A_665 : memref<128xi32, #tpu.memory_space<vmem>>) semaphore(%arg14 : memref<!tpu.dma_semaphore, #tpu.memory_space<semaphore_mem>>)
        %mul3A_669 = arith.constant 6 : i32
        %mul3A_670 = arith.muli %add3A_607, %mul3A_669 : i32
        %add3A_671 = arith.constant 3 : i32
        %add3A_672 = arith.addi %mul3A_670, %add3A_671 : i32
        %dma_start3A_673 = arith.constant 3 : i32
        %dma_start3A_674 = arith.constant 0 : i32
        %dma_start3A_675 = arith.constant 0 : i32
        %dma_start3A_676 = arith.constant 0 : i32
        %dma_start3A_677 = tpu.memref_slice %arg10[%sub3A_608, %dma_start3A_674, %dma_start3A_675, %dma_start3A_676] : memref<2x6x128x8xf32, #tpu.memory_space<vmem>> -> memref<1x6x128x8xf32, #tpu.memory_space<vmem>>
        %dma_start3A_678 = tpu.memref_squeeze %dma_start3A_677 : memref<1x6x128x8xf32, #tpu.memory_space<vmem>> -> memref<6x128x8xf32, #tpu.memory_space<vmem>>
        %dma_start3A_679 = arith.constant 0 : i32
        %dma_start3A_680 = arith.constant 0 : i32
        %dma_start3A_681 = tpu.memref_slice %dma_start3A_678[%dma_start3A_673, %dma_start3A_679, %dma_start3A_680] : memref<6x128x8xf32, #tpu.memory_space<vmem>> -> memref<1x128x8xf32, #tpu.memory_space<vmem>>
        %dma_start3A_682 = tpu.memref_squeeze %dma_start3A_681 : memref<1x128x8xf32, #tpu.memory_space<vmem>> -> memref<128x8xf32, #tpu.memory_space<vmem>>
        %dma_start3A_683 = arith.constant 0 : i32
        %dma_start3A_684 = tpu.memref_slice %arg6[%add3A_672, %dma_start3A_683] : memref<78x128xi32, #tpu.memory_space<vmem>> -> memref<1x128xi32, #tpu.memory_space<vmem>>
        %dma_start3A_685 = tpu.memref_squeeze %dma_start3A_684 : memref<1x128xi32, #tpu.memory_space<vmem>> -> memref<128xi32, #tpu.memory_space<vmem>>
        %dma_start3A_686 = arith.constant 0 : i32
        %dma_start3A_687 = arith.constant 0 : i32
        %dma_start3A_688 = tpu.memref_slice %arg13[%dma_start3A_686, %dma_start3A_687] : memref<10240x8xf32, #tpu.memory_space<vmem_shared>> -> memref<10240x8xf32, #tpu.memory_space<vmem_shared>>
        tpu.enqueue_indirect_dma source(%dma_start3A_688 : memref<10240x8xf32, #tpu.memory_space<vmem_shared>>) target(%dma_start3A_682 : memref<128x8xf32, #tpu.memory_space<vmem>>) offsets(%dma_start3A_685 : memref<128xi32, #tpu.memory_space<vmem>>) semaphore(%arg14 : memref<!tpu.dma_semaphore, #tpu.memory_space<semaphore_mem>>)
        %mul3A_689 = arith.constant 6 : i32
        %mul3A_690 = arith.muli %add3A_607, %mul3A_689 : i32
        %add3A_691 = arith.constant 4 : i32
        %add3A_692 = arith.addi %mul3A_690, %add3A_691 : i32
        %dma_start3A_693 = arith.constant 4 : i32
        %dma_start3A_694 = arith.constant 0 : i32
        %dma_start3A_695 = arith.constant 0 : i32
        %dma_start3A_696 = arith.constant 0 : i32
        %dma_start3A_697 = tpu.memref_slice %arg10[%sub3A_608, %dma_start3A_694, %dma_start3A_695, %dma_start3A_696] : memref<2x6x128x8xf32, #tpu.memory_space<vmem>> -> memref<1x6x128x8xf32, #tpu.memory_space<vmem>>
        %dma_start3A_698 = tpu.memref_squeeze %dma_start3A_697 : memref<1x6x128x8xf32, #tpu.memory_space<vmem>> -> memref<6x128x8xf32, #tpu.memory_space<vmem>>
        %dma_start3A_699 = arith.constant 0 : i32
        %dma_start3A_700 = arith.constant 0 : i32
        %dma_start3A_701 = tpu.memref_slice %dma_start3A_698[%dma_start3A_693, %dma_start3A_699, %dma_start3A_700] : memref<6x128x8xf32, #tpu.memory_space<vmem>> -> memref<1x128x8xf32, #tpu.memory_space<vmem>>
        %dma_start3A_702 = tpu.memref_squeeze %dma_start3A_701 : memref<1x128x8xf32, #tpu.memory_space<vmem>> -> memref<128x8xf32, #tpu.memory_space<vmem>>
        %dma_start3A_703 = arith.constant 0 : i32
        %dma_start3A_704 = tpu.memref_slice %arg6[%add3A_692, %dma_start3A_703] : memref<78x128xi32, #tpu.memory_space<vmem>> -> memref<1x128xi32, #tpu.memory_space<vmem>>
        %dma_start3A_705 = tpu.memref_squeeze %dma_start3A_704 : memref<1x128xi32, #tpu.memory_space<vmem>> -> memref<128xi32, #tpu.memory_space<vmem>>
        %dma_start3A_706 = arith.constant 0 : i32
        %dma_start3A_707 = arith.constant 0 : i32
        %dma_start3A_708 = tpu.memref_slice %arg13[%dma_start3A_706, %dma_start3A_707] : memref<10240x8xf32, #tpu.memory_space<vmem_shared>> -> memref<10240x8xf32, #tpu.memory_space<vmem_shared>>
        tpu.enqueue_indirect_dma source(%dma_start3A_708 : memref<10240x8xf32, #tpu.memory_space<vmem_shared>>) target(%dma_start3A_702 : memref<128x8xf32, #tpu.memory_space<vmem>>) offsets(%dma_start3A_705 : memref<128xi32, #tpu.memory_space<vmem>>) semaphore(%arg14 : memref<!tpu.dma_semaphore, #tpu.memory_space<semaphore_mem>>)
        %mul3A_709 = arith.constant 6 : i32
        %mul3A_710 = arith.muli %add3A_607, %mul3A_709 : i32
        %add3A_711 = arith.constant 5 : i32
        %add3A_712 = arith.addi %mul3A_710, %add3A_711 : i32
        %dma_start3A_713 = arith.constant 5 : i32
        %dma_start3A_714 = arith.constant 0 : i32
        %dma_start3A_715 = arith.constant 0 : i32
        %dma_start3A_716 = arith.constant 0 : i32
        %dma_start3A_717 = tpu.memref_slice %arg10[%sub3A_608, %dma_start3A_714, %dma_start3A_715, %dma_start3A_716] : memref<2x6x128x8xf32, #tpu.memory_space<vmem>> -> memref<1x6x128x8xf32, #tpu.memory_space<vmem>>
        %dma_start3A_718 = tpu.memref_squeeze %dma_start3A_717 : memref<1x6x128x8xf32, #tpu.memory_space<vmem>> -> memref<6x128x8xf32, #tpu.memory_space<vmem>>
        %dma_start3A_719 = arith.constant 0 : i32
        %dma_start3A_720 = arith.constant 0 : i32
        %dma_start3A_721 = tpu.memref_slice %dma_start3A_718[%dma_start3A_713, %dma_start3A_719, %dma_start3A_720] : memref<6x128x8xf32, #tpu.memory_space<vmem>> -> memref<1x128x8xf32, #tpu.memory_space<vmem>>
        %dma_start3A_722 = tpu.memref_squeeze %dma_start3A_721 : memref<1x128x8xf32, #tpu.memory_space<vmem>> -> memref<128x8xf32, #tpu.memory_space<vmem>>
        %dma_start3A_723 = arith.constant 0 : i32
        %dma_start3A_724 = tpu.memref_slice %arg6[%add3A_712, %dma_start3A_723] : memref<78x128xi32, #tpu.memory_space<vmem>> -> memref<1x128xi32, #tpu.memory_space<vmem>>
        %dma_start3A_725 = tpu.memref_squeeze %dma_start3A_724 : memref<1x128xi32, #tpu.memory_space<vmem>> -> memref<128xi32, #tpu.memory_space<vmem>>
        %dma_start3A_726 = arith.constant 0 : i32
        %dma_start3A_727 = arith.constant 0 : i32
        %dma_start3A_728 = tpu.memref_slice %arg13[%dma_start3A_726, %dma_start3A_727] : memref<10240x8xf32, #tpu.memory_space<vmem_shared>> -> memref<10240x8xf32, #tpu.memory_space<vmem_shared>>
        tpu.enqueue_indirect_dma source(%dma_start3A_728 : memref<10240x8xf32, #tpu.memory_space<vmem_shared>>) target(%dma_start3A_722 : memref<128x8xf32, #tpu.memory_space<vmem>>) offsets(%dma_start3A_725 : memref<128xi32, #tpu.memory_space<vmem>>) semaphore(%arg14 : memref<!tpu.dma_semaphore, #tpu.memory_space<semaphore_mem>>)
      } else {
      }
      %mul3A_482 = arith.constant 6 : i32
      %mul3A_483 = arith.muli %scan3A_355, %mul3A_482 : i32
      %add3A_484 = arith.constant 0 : i32
      %add3A_485 = arith.addi %mul3A_483, %add3A_484 : i32
      %dma_start3A_486 = arith.constant 0 : i32
      %dma_start3A_487 = arith.constant 0 : i32
      %dma_start3A_488 = arith.constant 0 : i32
      %dma_start3A_489 = arith.constant 0 : i32
      %dma_start3A_490 = tpu.memref_slice %arg10[%rem3A_356, %dma_start3A_487, %dma_start3A_488, %dma_start3A_489] : memref<2x6x128x8xf32, #tpu.memory_space<vmem>> -> memref<1x6x128x8xf32, #tpu.memory_space<vmem>>
      %dma_start3A_491 = tpu.memref_squeeze %dma_start3A_490 : memref<1x6x128x8xf32, #tpu.memory_space<vmem>> -> memref<6x128x8xf32, #tpu.memory_space<vmem>>
      %dma_start3A_492 = arith.constant 0 : i32
      %dma_start3A_493 = arith.constant 0 : i32
      %dma_start3A_494 = tpu.memref_slice %dma_start3A_491[%dma_start3A_486, %dma_start3A_492, %dma_start3A_493] : memref<6x128x8xf32, #tpu.memory_space<vmem>> -> memref<1x128x8xf32, #tpu.memory_space<vmem>>
      %dma_start3A_495 = tpu.memref_squeeze %dma_start3A_494 : memref<1x128x8xf32, #tpu.memory_space<vmem>> -> memref<128x8xf32, #tpu.memory_space<vmem>>
      %dma_start3A_496 = arith.constant 0 : i32
      %dma_start3A_497 = tpu.memref_slice %arg7[%add3A_485, %dma_start3A_496] : memref<78x128xi32, #tpu.memory_space<vmem>> -> memref<1x128xi32, #tpu.memory_space<vmem>>
      %dma_start3A_498 = tpu.memref_squeeze %dma_start3A_497 : memref<1x128xi32, #tpu.memory_space<vmem>> -> memref<128xi32, #tpu.memory_space<vmem>>
      %dma_start3A_499 = arith.constant 0 : i32
      %dma_start3A_500 = arith.constant 0 : i32
      %dma_start3A_501 = tpu.memref_slice %arg12[%dma_start3A_499, %dma_start3A_500] : memref<10240x8xf32, #tpu.memory_space<vmem_shared>> -> memref<10240x8xf32, #tpu.memory_space<vmem_shared>>
      tpu.enqueue_indirect_dma source(%dma_start3A_495 : memref<128x8xf32, #tpu.memory_space<vmem>>) target(%dma_start3A_501 : memref<10240x8xf32, #tpu.memory_space<vmem_shared>>) offsets(%dma_start3A_498 : memref<128xi32, #tpu.memory_space<vmem>>) semaphore(%arg15 : memref<!tpu.dma_semaphore, #tpu.memory_space<semaphore_mem>>) {add = true}
      %mul3A_502 = arith.constant 6 : i32
      %mul3A_503 = arith.muli %scan3A_355, %mul3A_502 : i32
      %add3A_504 = arith.constant 1 : i32
      %add3A_505 = arith.addi %mul3A_503, %add3A_504 : i32
      %dma_start3A_506 = arith.constant 1 : i32
      %dma_start3A_507 = arith.constant 0 : i32
      %dma_start3A_508 = arith.constant 0 : i32
      %dma_start3A_509 = arith.constant 0 : i32
      %dma_start3A_510 = tpu.memref_slice %arg10[%rem3A_356, %dma_start3A_507, %dma_start3A_508, %dma_start3A_509] : memref<2x6x128x8xf32, #tpu.memory_space<vmem>> -> memref<1x6x128x8xf32, #tpu.memory_space<vmem>>
      %dma_start3A_511 = tpu.memref_squeeze %dma_start3A_510 : memref<1x6x128x8xf32, #tpu.memory_space<vmem>> -> memref<6x128x8xf32, #tpu.memory_space<vmem>>
      %dma_start3A_512 = arith.constant 0 : i32
      %dma_start3A_513 = arith.constant 0 : i32
      %dma_start3A_514 = tpu.memref_slice %dma_start3A_511[%dma_start3A_506, %dma_start3A_512, %dma_start3A_513] : memref<6x128x8xf32, #tpu.memory_space<vmem>> -> memref<1x128x8xf32, #tpu.memory_space<vmem>>
      %dma_start3A_515 = tpu.memref_squeeze %dma_start3A_514 : memref<1x128x8xf32, #tpu.memory_space<vmem>> -> memref<128x8xf32, #tpu.memory_space<vmem>>
      %dma_start3A_516 = arith.constant 0 : i32
      %dma_start3A_517 = tpu.memref_slice %arg7[%add3A_505, %dma_start3A_516] : memref<78x128xi32, #tpu.memory_space<vmem>> -> memref<1x128xi32, #tpu.memory_space<vmem>>
      %dma_start3A_518 = tpu.memref_squeeze %dma_start3A_517 : memref<1x128xi32, #tpu.memory_space<vmem>> -> memref<128xi32, #tpu.memory_space<vmem>>
      %dma_start3A_519 = arith.constant 0 : i32
      %dma_start3A_520 = arith.constant 0 : i32
      %dma_start3A_521 = tpu.memref_slice %arg12[%dma_start3A_519, %dma_start3A_520] : memref<10240x8xf32, #tpu.memory_space<vmem_shared>> -> memref<10240x8xf32, #tpu.memory_space<vmem_shared>>
      tpu.enqueue_indirect_dma source(%dma_start3A_515 : memref<128x8xf32, #tpu.memory_space<vmem>>) target(%dma_start3A_521 : memref<10240x8xf32, #tpu.memory_space<vmem_shared>>) offsets(%dma_start3A_518 : memref<128xi32, #tpu.memory_space<vmem>>) semaphore(%arg15 : memref<!tpu.dma_semaphore, #tpu.memory_space<semaphore_mem>>) {add = true}
      %mul3A_522 = arith.constant 6 : i32
      %mul3A_523 = arith.muli %scan3A_355, %mul3A_522 : i32
      %add3A_524 = arith.constant 2 : i32
      %add3A_525 = arith.addi %mul3A_523, %add3A_524 : i32
      %dma_start3A_526 = arith.constant 2 : i32
      %dma_start3A_527 = arith.constant 0 : i32
      %dma_start3A_528 = arith.constant 0 : i32
      %dma_start3A_529 = arith.constant 0 : i32
      %dma_start3A_530 = tpu.memref_slice %arg10[%rem3A_356, %dma_start3A_527, %dma_start3A_528, %dma_start3A_529] : memref<2x6x128x8xf32, #tpu.memory_space<vmem>> -> memref<1x6x128x8xf32, #tpu.memory_space<vmem>>
      %dma_start3A_531 = tpu.memref_squeeze %dma_start3A_530 : memref<1x6x128x8xf32, #tpu.memory_space<vmem>> -> memref<6x128x8xf32, #tpu.memory_space<vmem>>
      %dma_start3A_532 = arith.constant 0 : i32
      %dma_start3A_533 = arith.constant 0 : i32
      %dma_start3A_534 = tpu.memref_slice %dma_start3A_531[%dma_start3A_526, %dma_start3A_532, %dma_start3A_533] : memref<6x128x8xf32, #tpu.memory_space<vmem>> -> memref<1x128x8xf32, #tpu.memory_space<vmem>>
      %dma_start3A_535 = tpu.memref_squeeze %dma_start3A_534 : memref<1x128x8xf32, #tpu.memory_space<vmem>> -> memref<128x8xf32, #tpu.memory_space<vmem>>
      %dma_start3A_536 = arith.constant 0 : i32
      %dma_start3A_537 = tpu.memref_slice %arg7[%add3A_525, %dma_start3A_536] : memref<78x128xi32, #tpu.memory_space<vmem>> -> memref<1x128xi32, #tpu.memory_space<vmem>>
      %dma_start3A_538 = tpu.memref_squeeze %dma_start3A_537 : memref<1x128xi32, #tpu.memory_space<vmem>> -> memref<128xi32, #tpu.memory_space<vmem>>
      %dma_start3A_539 = arith.constant 0 : i32
      %dma_start3A_540 = arith.constant 0 : i32
      %dma_start3A_541 = tpu.memref_slice %arg12[%dma_start3A_539, %dma_start3A_540] : memref<10240x8xf32, #tpu.memory_space<vmem_shared>> -> memref<10240x8xf32, #tpu.memory_space<vmem_shared>>
      tpu.enqueue_indirect_dma source(%dma_start3A_535 : memref<128x8xf32, #tpu.memory_space<vmem>>) target(%dma_start3A_541 : memref<10240x8xf32, #tpu.memory_space<vmem_shared>>) offsets(%dma_start3A_538 : memref<128xi32, #tpu.memory_space<vmem>>) semaphore(%arg15 : memref<!tpu.dma_semaphore, #tpu.memory_space<semaphore_mem>>) {add = true}
      %mul3A_542 = arith.constant 6 : i32
      %mul3A_543 = arith.muli %scan3A_355, %mul3A_542 : i32
      %add3A_544 = arith.constant 3 : i32
      %add3A_545 = arith.addi %mul3A_543, %add3A_544 : i32
      %dma_start3A_546 = arith.constant 3 : i32
      %dma_start3A_547 = arith.constant 0 : i32
      %dma_start3A_548 = arith.constant 0 : i32
      %dma_start3A_549 = arith.constant 0 : i32
      %dma_start3A_550 = tpu.memref_slice %arg10[%rem3A_356, %dma_start3A_547, %dma_start3A_548, %dma_start3A_549] : memref<2x6x128x8xf32, #tpu.memory_space<vmem>> -> memref<1x6x128x8xf32, #tpu.memory_space<vmem>>
      %dma_start3A_551 = tpu.memref_squeeze %dma_start3A_550 : memref<1x6x128x8xf32, #tpu.memory_space<vmem>> -> memref<6x128x8xf32, #tpu.memory_space<vmem>>
      %dma_start3A_552 = arith.constant 0 : i32
      %dma_start3A_553 = arith.constant 0 : i32
      %dma_start3A_554 = tpu.memref_slice %dma_start3A_551[%dma_start3A_546, %dma_start3A_552, %dma_start3A_553] : memref<6x128x8xf32, #tpu.memory_space<vmem>> -> memref<1x128x8xf32, #tpu.memory_space<vmem>>
      %dma_start3A_555 = tpu.memref_squeeze %dma_start3A_554 : memref<1x128x8xf32, #tpu.memory_space<vmem>> -> memref<128x8xf32, #tpu.memory_space<vmem>>
      %dma_start3A_556 = arith.constant 0 : i32
      %dma_start3A_557 = tpu.memref_slice %arg7[%add3A_545, %dma_start3A_556] : memref<78x128xi32, #tpu.memory_space<vmem>> -> memref<1x128xi32, #tpu.memory_space<vmem>>
      %dma_start3A_558 = tpu.memref_squeeze %dma_start3A_557 : memref<1x128xi32, #tpu.memory_space<vmem>> -> memref<128xi32, #tpu.memory_space<vmem>>
      %dma_start3A_559 = arith.constant 0 : i32
      %dma_start3A_560 = arith.constant 0 : i32
      %dma_start3A_561 = tpu.memref_slice %arg12[%dma_start3A_559, %dma_start3A_560] : memref<10240x8xf32, #tpu.memory_space<vmem_shared>> -> memref<10240x8xf32, #tpu.memory_space<vmem_shared>>
      tpu.enqueue_indirect_dma source(%dma_start3A_555 : memref<128x8xf32, #tpu.memory_space<vmem>>) target(%dma_start3A_561 : memref<10240x8xf32, #tpu.memory_space<vmem_shared>>) offsets(%dma_start3A_558 : memref<128xi32, #tpu.memory_space<vmem>>) semaphore(%arg15 : memref<!tpu.dma_semaphore, #tpu.memory_space<semaphore_mem>>) {add = true}
      %mul3A_562 = arith.constant 6 : i32
      %mul3A_563 = arith.muli %scan3A_355, %mul3A_562 : i32
      %add3A_564 = arith.constant 4 : i32
      %add3A_565 = arith.addi %mul3A_563, %add3A_564 : i32
      %dma_start3A_566 = arith.constant 4 : i32
      %dma_start3A_567 = arith.constant 0 : i32
      %dma_start3A_568 = arith.constant 0 : i32
      %dma_start3A_569 = arith.constant 0 : i32
      %dma_start3A_570 = tpu.memref_slice %arg10[%rem3A_356, %dma_start3A_567, %dma_start3A_568, %dma_start3A_569] : memref<2x6x128x8xf32, #tpu.memory_space<vmem>> -> memref<1x6x128x8xf32, #tpu.memory_space<vmem>>
      %dma_start3A_571 = tpu.memref_squeeze %dma_start3A_570 : memref<1x6x128x8xf32, #tpu.memory_space<vmem>> -> memref<6x128x8xf32, #tpu.memory_space<vmem>>
      %dma_start3A_572 = arith.constant 0 : i32
      %dma_start3A_573 = arith.constant 0 : i32
      %dma_start3A_574 = tpu.memref_slice %dma_start3A_571[%dma_start3A_566, %dma_start3A_572, %dma_start3A_573] : memref<6x128x8xf32, #tpu.memory_space<vmem>> -> memref<1x128x8xf32, #tpu.memory_space<vmem>>
      %dma_start3A_575 = tpu.memref_squeeze %dma_start3A_574 : memref<1x128x8xf32, #tpu.memory_space<vmem>> -> memref<128x8xf32, #tpu.memory_space<vmem>>
      %dma_start3A_576 = arith.constant 0 : i32
      %dma_start3A_577 = tpu.memref_slice %arg7[%add3A_565, %dma_start3A_576] : memref<78x128xi32, #tpu.memory_space<vmem>> -> memref<1x128xi32, #tpu.memory_space<vmem>>
      %dma_start3A_578 = tpu.memref_squeeze %dma_start3A_577 : memref<1x128xi32, #tpu.memory_space<vmem>> -> memref<128xi32, #tpu.memory_space<vmem>>
      %dma_start3A_579 = arith.constant 0 : i32
      %dma_start3A_580 = arith.constant 0 : i32
      %dma_start3A_581 = tpu.memref_slice %arg12[%dma_start3A_579, %dma_start3A_580] : memref<10240x8xf32, #tpu.memory_space<vmem_shared>> -> memref<10240x8xf32, #tpu.memory_space<vmem_shared>>
      tpu.enqueue_indirect_dma source(%dma_start3A_575 : memref<128x8xf32, #tpu.memory_space<vmem>>) target(%dma_start3A_581 : memref<10240x8xf32, #tpu.memory_space<vmem_shared>>) offsets(%dma_start3A_578 : memref<128xi32, #tpu.memory_space<vmem>>) semaphore(%arg15 : memref<!tpu.dma_semaphore, #tpu.memory_space<semaphore_mem>>) {add = true}
      %mul3A_582 = arith.constant 6 : i32
      %mul3A_583 = arith.muli %scan3A_355, %mul3A_582 : i32
      %add3A_584 = arith.constant 5 : i32
      %add3A_585 = arith.addi %mul3A_583, %add3A_584 : i32
      %dma_start3A_586 = arith.constant 5 : i32
      %dma_start3A_587 = arith.constant 0 : i32
      %dma_start3A_588 = arith.constant 0 : i32
      %dma_start3A_589 = arith.constant 0 : i32
      %dma_start3A_590 = tpu.memref_slice %arg10[%rem3A_356, %dma_start3A_587, %dma_start3A_588, %dma_start3A_589] : memref<2x6x128x8xf32, #tpu.memory_space<vmem>> -> memref<1x6x128x8xf32, #tpu.memory_space<vmem>>
      %dma_start3A_591 = tpu.memref_squeeze %dma_start3A_590 : memref<1x6x128x8xf32, #tpu.memory_space<vmem>> -> memref<6x128x8xf32, #tpu.memory_space<vmem>>
      %dma_start3A_592 = arith.constant 0 : i32
      %dma_start3A_593 = arith.constant 0 : i32
      %dma_start3A_594 = tpu.memref_slice %dma_start3A_591[%dma_start3A_586, %dma_start3A_592, %dma_start3A_593] : memref<6x128x8xf32, #tpu.memory_space<vmem>> -> memref<1x128x8xf32, #tpu.memory_space<vmem>>
      %dma_start3A_595 = tpu.memref_squeeze %dma_start3A_594 : memref<1x128x8xf32, #tpu.memory_space<vmem>> -> memref<128x8xf32, #tpu.memory_space<vmem>>
      %dma_start3A_596 = arith.constant 0 : i32
      %dma_start3A_597 = tpu.memref_slice %arg7[%add3A_585, %dma_start3A_596] : memref<78x128xi32, #tpu.memory_space<vmem>> -> memref<1x128xi32, #tpu.memory_space<vmem>>
      %dma_start3A_598 = tpu.memref_squeeze %dma_start3A_597 : memref<1x128xi32, #tpu.memory_space<vmem>> -> memref<128xi32, #tpu.memory_space<vmem>>
      %dma_start3A_599 = arith.constant 0 : i32
      %dma_start3A_600 = arith.constant 0 : i32
      %dma_start3A_601 = tpu.memref_slice %arg12[%dma_start3A_599, %dma_start3A_600] : memref<10240x8xf32, #tpu.memory_space<vmem_shared>> -> memref<10240x8xf32, #tpu.memory_space<vmem_shared>>
      tpu.enqueue_indirect_dma source(%dma_start3A_595 : memref<128x8xf32, #tpu.memory_space<vmem>>) target(%dma_start3A_601 : memref<10240x8xf32, #tpu.memory_space<vmem_shared>>) offsets(%dma_start3A_598 : memref<128xi32, #tpu.memory_space<vmem>>) semaphore(%arg15 : memref<!tpu.dma_semaphore, #tpu.memory_space<semaphore_mem>>) {add = true}
    }
    %scan3A_128 = arith.constant 13 : i32
    %dma_wait3A = arith.constant 1 : i32
    %dma_wait3A_129 = arith.constant 0 : i32
    %dma_wait3A_130 = arith.constant 66 : i32
    %dma_wait3A_131 = arith.constant 0 : i32
    %dma_wait3A_132 = arith.constant 0 : i32
    %dma_wait3A_133 = arith.constant 0 : i32
    %dma_wait3A_134 = tpu.memref_slice %arg10[%dma_wait3A, %dma_wait3A_131, %dma_wait3A_132, %dma_wait3A_133] : memref<2x6x128x8xf32, #tpu.memory_space<vmem>> -> memref<1x6x128x8xf32, #tpu.memory_space<vmem>>
    %dma_wait3A_135 = tpu.memref_squeeze %dma_wait3A_134 : memref<1x6x128x8xf32, #tpu.memory_space<vmem>> -> memref<6x128x8xf32, #tpu.memory_space<vmem>>
    %dma_wait3A_136 = arith.constant 0 : i32
    %dma_wait3A_137 = arith.constant 0 : i32
    %dma_wait3A_138 = tpu.memref_slice %dma_wait3A_135[%dma_wait3A_129, %dma_wait3A_136, %dma_wait3A_137] : memref<6x128x8xf32, #tpu.memory_space<vmem>> -> memref<1x128x8xf32, #tpu.memory_space<vmem>>
    %dma_wait3A_139 = tpu.memref_squeeze %dma_wait3A_138 : memref<1x128x8xf32, #tpu.memory_space<vmem>> -> memref<128x8xf32, #tpu.memory_space<vmem>>
    %dma_wait3A_140 = arith.constant 0 : i32
    %dma_wait3A_141 = tpu.memref_slice %arg7[%dma_wait3A_130, %dma_wait3A_140] : memref<78x128xi32, #tpu.memory_space<vmem>> -> memref<1x128xi32, #tpu.memory_space<vmem>>
    %dma_wait3A_142 = tpu.memref_squeeze %dma_wait3A_141 : memref<1x128xi32, #tpu.memory_space<vmem>> -> memref<128xi32, #tpu.memory_space<vmem>>
    %dma_wait3A_143 = arith.constant 0 : i32
    %dma_wait3A_144 = arith.constant 0 : i32
    %dma_wait3A_145 = tpu.memref_slice %arg12[%dma_wait3A_143, %dma_wait3A_144] : memref<10240x8xf32, #tpu.memory_space<vmem_shared>> -> memref<10240x8xf32, #tpu.memory_space<vmem_shared>>
    tpu.wait_indirect_dma semaphore(%arg15 : memref<!tpu.dma_semaphore, #tpu.memory_space<semaphore_mem>>) src(%dma_wait3A_139 : memref<128x8xf32, #tpu.memory_space<vmem>>) dst(%dma_wait3A_145 : memref<10240x8xf32, #tpu.memory_space<vmem_shared>>)
    %dma_wait3A_146 = arith.constant 1 : i32
    %dma_wait3A_147 = arith.constant 1 : i32
    %dma_wait3A_148 = arith.constant 67 : i32
    %dma_wait3A_149 = arith.constant 0 : i32
    %dma_wait3A_150 = arith.constant 0 : i32
    %dma_wait3A_151 = arith.constant 0 : i32
    %dma_wait3A_152 = tpu.memref_slice %arg10[%dma_wait3A_146, %dma_wait3A_149, %dma_wait3A_150, %dma_wait3A_151] : memref<2x6x128x8xf32, #tpu.memory_space<vmem>> -> memref<1x6x128x8xf32, #tpu.memory_space<vmem>>
    %dma_wait3A_153 = tpu.memref_squeeze %dma_wait3A_152 : memref<1x6x128x8xf32, #tpu.memory_space<vmem>> -> memref<6x128x8xf32, #tpu.memory_space<vmem>>
    %dma_wait3A_154 = arith.constant 0 : i32
    %dma_wait3A_155 = arith.constant 0 : i32
    %dma_wait3A_156 = tpu.memref_slice %dma_wait3A_153[%dma_wait3A_147, %dma_wait3A_154, %dma_wait3A_155] : memref<6x128x8xf32, #tpu.memory_space<vmem>> -> memref<1x128x8xf32, #tpu.memory_space<vmem>>
    %dma_wait3A_157 = tpu.memref_squeeze %dma_wait3A_156 : memref<1x128x8xf32, #tpu.memory_space<vmem>> -> memref<128x8xf32, #tpu.memory_space<vmem>>
    %dma_wait3A_158 = arith.constant 0 : i32
    %dma_wait3A_159 = tpu.memref_slice %arg7[%dma_wait3A_148, %dma_wait3A_158] : memref<78x128xi32, #tpu.memory_space<vmem>> -> memref<1x128xi32, #tpu.memory_space<vmem>>
    %dma_wait3A_160 = tpu.memref_squeeze %dma_wait3A_159 : memref<1x128xi32, #tpu.memory_space<vmem>> -> memref<128xi32, #tpu.memory_space<vmem>>
    %dma_wait3A_161 = arith.constant 0 : i32
    %dma_wait3A_162 = arith.constant 0 : i32
    %dma_wait3A_163 = tpu.memref_slice %arg12[%dma_wait3A_161, %dma_wait3A_162] : memref<10240x8xf32, #tpu.memory_space<vmem_shared>> -> memref<10240x8xf32, #tpu.memory_space<vmem_shared>>
    tpu.wait_indirect_dma semaphore(%arg15 : memref<!tpu.dma_semaphore, #tpu.memory_space<semaphore_mem>>) src(%dma_wait3A_157 : memref<128x8xf32, #tpu.memory_space<vmem>>) dst(%dma_wait3A_163 : memref<10240x8xf32, #tpu.memory_space<vmem_shared>>)
    %dma_wait3A_164 = arith.constant 1 : i32
    %dma_wait3A_165 = arith.constant 2 : i32
    %dma_wait3A_166 = arith.constant 68 : i32
    %dma_wait3A_167 = arith.constant 0 : i32
    %dma_wait3A_168 = arith.constant 0 : i32
    %dma_wait3A_169 = arith.constant 0 : i32
    %dma_wait3A_170 = tpu.memref_slice %arg10[%dma_wait3A_164, %dma_wait3A_167, %dma_wait3A_168, %dma_wait3A_169] : memref<2x6x128x8xf32, #tpu.memory_space<vmem>> -> memref<1x6x128x8xf32, #tpu.memory_space<vmem>>
    %dma_wait3A_171 = tpu.memref_squeeze %dma_wait3A_170 : memref<1x6x128x8xf32, #tpu.memory_space<vmem>> -> memref<6x128x8xf32, #tpu.memory_space<vmem>>
    %dma_wait3A_172 = arith.constant 0 : i32
    %dma_wait3A_173 = arith.constant 0 : i32
    %dma_wait3A_174 = tpu.memref_slice %dma_wait3A_171[%dma_wait3A_165, %dma_wait3A_172, %dma_wait3A_173] : memref<6x128x8xf32, #tpu.memory_space<vmem>> -> memref<1x128x8xf32, #tpu.memory_space<vmem>>
    %dma_wait3A_175 = tpu.memref_squeeze %dma_wait3A_174 : memref<1x128x8xf32, #tpu.memory_space<vmem>> -> memref<128x8xf32, #tpu.memory_space<vmem>>
    %dma_wait3A_176 = arith.constant 0 : i32
    %dma_wait3A_177 = tpu.memref_slice %arg7[%dma_wait3A_166, %dma_wait3A_176] : memref<78x128xi32, #tpu.memory_space<vmem>> -> memref<1x128xi32, #tpu.memory_space<vmem>>
    %dma_wait3A_178 = tpu.memref_squeeze %dma_wait3A_177 : memref<1x128xi32, #tpu.memory_space<vmem>> -> memref<128xi32, #tpu.memory_space<vmem>>
    %dma_wait3A_179 = arith.constant 0 : i32
    %dma_wait3A_180 = arith.constant 0 : i32
    %dma_wait3A_181 = tpu.memref_slice %arg12[%dma_wait3A_179, %dma_wait3A_180] : memref<10240x8xf32, #tpu.memory_space<vmem_shared>> -> memref<10240x8xf32, #tpu.memory_space<vmem_shared>>
    tpu.wait_indirect_dma semaphore(%arg15 : memref<!tpu.dma_semaphore, #tpu.memory_space<semaphore_mem>>) src(%dma_wait3A_175 : memref<128x8xf32, #tpu.memory_space<vmem>>) dst(%dma_wait3A_181 : memref<10240x8xf32, #tpu.memory_space<vmem_shared>>)
    %dma_wait3A_182 = arith.constant 1 : i32
    %dma_wait3A_183 = arith.constant 3 : i32
    %dma_wait3A_184 = arith.constant 69 : i32
    %dma_wait3A_185 = arith.constant 0 : i32
    %dma_wait3A_186 = arith.constant 0 : i32
    %dma_wait3A_187 = arith.constant 0 : i32
    %dma_wait3A_188 = tpu.memref_slice %arg10[%dma_wait3A_182, %dma_wait3A_185, %dma_wait3A_186, %dma_wait3A_187] : memref<2x6x128x8xf32, #tpu.memory_space<vmem>> -> memref<1x6x128x8xf32, #tpu.memory_space<vmem>>
    %dma_wait3A_189 = tpu.memref_squeeze %dma_wait3A_188 : memref<1x6x128x8xf32, #tpu.memory_space<vmem>> -> memref<6x128x8xf32, #tpu.memory_space<vmem>>
    %dma_wait3A_190 = arith.constant 0 : i32
    %dma_wait3A_191 = arith.constant 0 : i32
    %dma_wait3A_192 = tpu.memref_slice %dma_wait3A_189[%dma_wait3A_183, %dma_wait3A_190, %dma_wait3A_191] : memref<6x128x8xf32, #tpu.memory_space<vmem>> -> memref<1x128x8xf32, #tpu.memory_space<vmem>>
    %dma_wait3A_193 = tpu.memref_squeeze %dma_wait3A_192 : memref<1x128x8xf32, #tpu.memory_space<vmem>> -> memref<128x8xf32, #tpu.memory_space<vmem>>
    %dma_wait3A_194 = arith.constant 0 : i32
    %dma_wait3A_195 = tpu.memref_slice %arg7[%dma_wait3A_184, %dma_wait3A_194] : memref<78x128xi32, #tpu.memory_space<vmem>> -> memref<1x128xi32, #tpu.memory_space<vmem>>
    %dma_wait3A_196 = tpu.memref_squeeze %dma_wait3A_195 : memref<1x128xi32, #tpu.memory_space<vmem>> -> memref<128xi32, #tpu.memory_space<vmem>>
    %dma_wait3A_197 = arith.constant 0 : i32
    %dma_wait3A_198 = arith.constant 0 : i32
    %dma_wait3A_199 = tpu.memref_slice %arg12[%dma_wait3A_197, %dma_wait3A_198] : memref<10240x8xf32, #tpu.memory_space<vmem_shared>> -> memref<10240x8xf32, #tpu.memory_space<vmem_shared>>
    tpu.wait_indirect_dma semaphore(%arg15 : memref<!tpu.dma_semaphore, #tpu.memory_space<semaphore_mem>>) src(%dma_wait3A_193 : memref<128x8xf32, #tpu.memory_space<vmem>>) dst(%dma_wait3A_199 : memref<10240x8xf32, #tpu.memory_space<vmem_shared>>)
    %dma_wait3A_200 = arith.constant 1 : i32
    %dma_wait3A_201 = arith.constant 4 : i32
    %dma_wait3A_202 = arith.constant 70 : i32
    %dma_wait3A_203 = arith.constant 0 : i32
    %dma_wait3A_204 = arith.constant 0 : i32
    %dma_wait3A_205 = arith.constant 0 : i32
    %dma_wait3A_206 = tpu.memref_slice %arg10[%dma_wait3A_200, %dma_wait3A_203, %dma_wait3A_204, %dma_wait3A_205] : memref<2x6x128x8xf32, #tpu.memory_space<vmem>> -> memref<1x6x128x8xf32, #tpu.memory_space<vmem>>
    %dma_wait3A_207 = tpu.memref_squeeze %dma_wait3A_206 : memref<1x6x128x8xf32, #tpu.memory_space<vmem>> -> memref<6x128x8xf32, #tpu.memory_space<vmem>>
    %dma_wait3A_208 = arith.constant 0 : i32
    %dma_wait3A_209 = arith.constant 0 : i32
    %dma_wait3A_210 = tpu.memref_slice %dma_wait3A_207[%dma_wait3A_201, %dma_wait3A_208, %dma_wait3A_209] : memref<6x128x8xf32, #tpu.memory_space<vmem>> -> memref<1x128x8xf32, #tpu.memory_space<vmem>>
    %dma_wait3A_211 = tpu.memref_squeeze %dma_wait3A_210 : memref<1x128x8xf32, #tpu.memory_space<vmem>> -> memref<128x8xf32, #tpu.memory_space<vmem>>
    %dma_wait3A_212 = arith.constant 0 : i32
    %dma_wait3A_213 = tpu.memref_slice %arg7[%dma_wait3A_202, %dma_wait3A_212] : memref<78x128xi32, #tpu.memory_space<vmem>> -> memref<1x128xi32, #tpu.memory_space<vmem>>
    %dma_wait3A_214 = tpu.memref_squeeze %dma_wait3A_213 : memref<1x128xi32, #tpu.memory_space<vmem>> -> memref<128xi32, #tpu.memory_space<vmem>>
    %dma_wait3A_215 = arith.constant 0 : i32
    %dma_wait3A_216 = arith.constant 0 : i32
    %dma_wait3A_217 = tpu.memref_slice %arg12[%dma_wait3A_215, %dma_wait3A_216] : memref<10240x8xf32, #tpu.memory_space<vmem_shared>> -> memref<10240x8xf32, #tpu.memory_space<vmem_shared>>
    tpu.wait_indirect_dma semaphore(%arg15 : memref<!tpu.dma_semaphore, #tpu.memory_space<semaphore_mem>>) src(%dma_wait3A_211 : memref<128x8xf32, #tpu.memory_space<vmem>>) dst(%dma_wait3A_217 : memref<10240x8xf32, #tpu.memory_space<vmem_shared>>)
    %dma_wait3A_218 = arith.constant 1 : i32
    %dma_wait3A_219 = arith.constant 5 : i32
    %dma_wait3A_220 = arith.constant 71 : i32
    %dma_wait3A_221 = arith.constant 0 : i32
    %dma_wait3A_222 = arith.constant 0 : i32
    %dma_wait3A_223 = arith.constant 0 : i32
    %dma_wait3A_224 = tpu.memref_slice %arg10[%dma_wait3A_218, %dma_wait3A_221, %dma_wait3A_222, %dma_wait3A_223] : memref<2x6x128x8xf32, #tpu.memory_space<vmem>> -> memref<1x6x128x8xf32, #tpu.memory_space<vmem>>
    %dma_wait3A_225 = tpu.memref_squeeze %dma_wait3A_224 : memref<1x6x128x8xf32, #tpu.memory_space<vmem>> -> memref<6x128x8xf32, #tpu.memory_space<vmem>>
    %dma_wait3A_226 = arith.constant 0 : i32
    %dma_wait3A_227 = arith.constant 0 : i32
    %dma_wait3A_228 = tpu.memref_slice %dma_wait3A_225[%dma_wait3A_219, %dma_wait3A_226, %dma_wait3A_227] : memref<6x128x8xf32, #tpu.memory_space<vmem>> -> memref<1x128x8xf32, #tpu.memory_space<vmem>>
    %dma_wait3A_229 = tpu.memref_squeeze %dma_wait3A_228 : memref<1x128x8xf32, #tpu.memory_space<vmem>> -> memref<128x8xf32, #tpu.memory_space<vmem>>
    %dma_wait3A_230 = arith.constant 0 : i32
    %dma_wait3A_231 = tpu.memref_slice %arg7[%dma_wait3A_220, %dma_wait3A_230] : memref<78x128xi32, #tpu.memory_space<vmem>> -> memref<1x128xi32, #tpu.memory_space<vmem>>
    %dma_wait3A_232 = tpu.memref_squeeze %dma_wait3A_231 : memref<1x128xi32, #tpu.memory_space<vmem>> -> memref<128xi32, #tpu.memory_space<vmem>>
    %dma_wait3A_233 = arith.constant 0 : i32
    %dma_wait3A_234 = arith.constant 0 : i32
    %dma_wait3A_235 = tpu.memref_slice %arg12[%dma_wait3A_233, %dma_wait3A_234] : memref<10240x8xf32, #tpu.memory_space<vmem_shared>> -> memref<10240x8xf32, #tpu.memory_space<vmem_shared>>
    tpu.wait_indirect_dma semaphore(%arg15 : memref<!tpu.dma_semaphore, #tpu.memory_space<semaphore_mem>>) src(%dma_wait3A_229 : memref<128x8xf32, #tpu.memory_space<vmem>>) dst(%dma_wait3A_235 : memref<10240x8xf32, #tpu.memory_space<vmem_shared>>)
    %dma_wait3A_236 = arith.constant 0 : i32
    %dma_wait3A_237 = arith.constant 0 : i32
    %dma_wait3A_238 = arith.constant 72 : i32
    %dma_wait3A_239 = arith.constant 0 : i32
    %dma_wait3A_240 = arith.constant 0 : i32
    %dma_wait3A_241 = arith.constant 0 : i32
    %dma_wait3A_242 = tpu.memref_slice %arg10[%dma_wait3A_236, %dma_wait3A_239, %dma_wait3A_240, %dma_wait3A_241] : memref<2x6x128x8xf32, #tpu.memory_space<vmem>> -> memref<1x6x128x8xf32, #tpu.memory_space<vmem>>
    %dma_wait3A_243 = tpu.memref_squeeze %dma_wait3A_242 : memref<1x6x128x8xf32, #tpu.memory_space<vmem>> -> memref<6x128x8xf32, #tpu.memory_space<vmem>>
    %dma_wait3A_244 = arith.constant 0 : i32
    %dma_wait3A_245 = arith.constant 0 : i32
    %dma_wait3A_246 = tpu.memref_slice %dma_wait3A_243[%dma_wait3A_237, %dma_wait3A_244, %dma_wait3A_245] : memref<6x128x8xf32, #tpu.memory_space<vmem>> -> memref<1x128x8xf32, #tpu.memory_space<vmem>>
    %dma_wait3A_247 = tpu.memref_squeeze %dma_wait3A_246 : memref<1x128x8xf32, #tpu.memory_space<vmem>> -> memref<128x8xf32, #tpu.memory_space<vmem>>
    %dma_wait3A_248 = arith.constant 0 : i32
    %dma_wait3A_249 = tpu.memref_slice %arg7[%dma_wait3A_238, %dma_wait3A_248] : memref<78x128xi32, #tpu.memory_space<vmem>> -> memref<1x128xi32, #tpu.memory_space<vmem>>
    %dma_wait3A_250 = tpu.memref_squeeze %dma_wait3A_249 : memref<1x128xi32, #tpu.memory_space<vmem>> -> memref<128xi32, #tpu.memory_space<vmem>>
    %dma_wait3A_251 = arith.constant 0 : i32
    %dma_wait3A_252 = arith.constant 0 : i32
    %dma_wait3A_253 = tpu.memref_slice %arg12[%dma_wait3A_251, %dma_wait3A_252] : memref<10240x8xf32, #tpu.memory_space<vmem_shared>> -> memref<10240x8xf32, #tpu.memory_space<vmem_shared>>
    tpu.wait_indirect_dma semaphore(%arg15 : memref<!tpu.dma_semaphore, #tpu.memory_space<semaphore_mem>>) src(%dma_wait3A_247 : memref<128x8xf32, #tpu.memory_space<vmem>>) dst(%dma_wait3A_253 : memref<10240x8xf32, #tpu.memory_space<vmem_shared>>)
    %dma_wait3A_254 = arith.constant 0 : i32
    %dma_wait3A_255 = arith.constant 1 : i32
    %dma_wait3A_256 = arith.constant 73 : i32
    %dma_wait3A_257 = arith.constant 0 : i32
    %dma_wait3A_258 = arith.constant 0 : i32
    %dma_wait3A_259 = arith.constant 0 : i32
    %dma_wait3A_260 = tpu.memref_slice %arg10[%dma_wait3A_254, %dma_wait3A_257, %dma_wait3A_258, %dma_wait3A_259] : memref<2x6x128x8xf32, #tpu.memory_space<vmem>> -> memref<1x6x128x8xf32, #tpu.memory_space<vmem>>
    %dma_wait3A_261 = tpu.memref_squeeze %dma_wait3A_260 : memref<1x6x128x8xf32, #tpu.memory_space<vmem>> -> memref<6x128x8xf32, #tpu.memory_space<vmem>>
    %dma_wait3A_262 = arith.constant 0 : i32
    %dma_wait3A_263 = arith.constant 0 : i32
    %dma_wait3A_264 = tpu.memref_slice %dma_wait3A_261[%dma_wait3A_255, %dma_wait3A_262, %dma_wait3A_263] : memref<6x128x8xf32, #tpu.memory_space<vmem>> -> memref<1x128x8xf32, #tpu.memory_space<vmem>>
    %dma_wait3A_265 = tpu.memref_squeeze %dma_wait3A_264 : memref<1x128x8xf32, #tpu.memory_space<vmem>> -> memref<128x8xf32, #tpu.memory_space<vmem>>
    %dma_wait3A_266 = arith.constant 0 : i32
    %dma_wait3A_267 = tpu.memref_slice %arg7[%dma_wait3A_256, %dma_wait3A_266] : memref<78x128xi32, #tpu.memory_space<vmem>> -> memref<1x128xi32, #tpu.memory_space<vmem>>
    %dma_wait3A_268 = tpu.memref_squeeze %dma_wait3A_267 : memref<1x128xi32, #tpu.memory_space<vmem>> -> memref<128xi32, #tpu.memory_space<vmem>>
    %dma_wait3A_269 = arith.constant 0 : i32
    %dma_wait3A_270 = arith.constant 0 : i32
    %dma_wait3A_271 = tpu.memref_slice %arg12[%dma_wait3A_269, %dma_wait3A_270] : memref<10240x8xf32, #tpu.memory_space<vmem_shared>> -> memref<10240x8xf32, #tpu.memory_space<vmem_shared>>
    tpu.wait_indirect_dma semaphore(%arg15 : memref<!tpu.dma_semaphore, #tpu.memory_space<semaphore_mem>>) src(%dma_wait3A_265 : memref<128x8xf32, #tpu.memory_space<vmem>>) dst(%dma_wait3A_271 : memref<10240x8xf32, #tpu.memory_space<vmem_shared>>)
    %dma_wait3A_272 = arith.constant 0 : i32
    %dma_wait3A_273 = arith.constant 2 : i32
    %dma_wait3A_274 = arith.constant 74 : i32
    %dma_wait3A_275 = arith.constant 0 : i32
    %dma_wait3A_276 = arith.constant 0 : i32
    %dma_wait3A_277 = arith.constant 0 : i32
    %dma_wait3A_278 = tpu.memref_slice %arg10[%dma_wait3A_272, %dma_wait3A_275, %dma_wait3A_276, %dma_wait3A_277] : memref<2x6x128x8xf32, #tpu.memory_space<vmem>> -> memref<1x6x128x8xf32, #tpu.memory_space<vmem>>
    %dma_wait3A_279 = tpu.memref_squeeze %dma_wait3A_278 : memref<1x6x128x8xf32, #tpu.memory_space<vmem>> -> memref<6x128x8xf32, #tpu.memory_space<vmem>>
    %dma_wait3A_280 = arith.constant 0 : i32
    %dma_wait3A_281 = arith.constant 0 : i32
    %dma_wait3A_282 = tpu.memref_slice %dma_wait3A_279[%dma_wait3A_273, %dma_wait3A_280, %dma_wait3A_281] : memref<6x128x8xf32, #tpu.memory_space<vmem>> -> memref<1x128x8xf32, #tpu.memory_space<vmem>>
    %dma_wait3A_283 = tpu.memref_squeeze %dma_wait3A_282 : memref<1x128x8xf32, #tpu.memory_space<vmem>> -> memref<128x8xf32, #tpu.memory_space<vmem>>
    %dma_wait3A_284 = arith.constant 0 : i32
    %dma_wait3A_285 = tpu.memref_slice %arg7[%dma_wait3A_274, %dma_wait3A_284] : memref<78x128xi32, #tpu.memory_space<vmem>> -> memref<1x128xi32, #tpu.memory_space<vmem>>
    %dma_wait3A_286 = tpu.memref_squeeze %dma_wait3A_285 : memref<1x128xi32, #tpu.memory_space<vmem>> -> memref<128xi32, #tpu.memory_space<vmem>>
    %dma_wait3A_287 = arith.constant 0 : i32
    %dma_wait3A_288 = arith.constant 0 : i32
    %dma_wait3A_289 = tpu.memref_slice %arg12[%dma_wait3A_287, %dma_wait3A_288] : memref<10240x8xf32, #tpu.memory_space<vmem_shared>> -> memref<10240x8xf32, #tpu.memory_space<vmem_shared>>
    tpu.wait_indirect_dma semaphore(%arg15 : memref<!tpu.dma_semaphore, #tpu.memory_space<semaphore_mem>>) src(%dma_wait3A_283 : memref<128x8xf32, #tpu.memory_space<vmem>>) dst(%dma_wait3A_289 : memref<10240x8xf32, #tpu.memory_space<vmem_shared>>)
    %dma_wait3A_290 = arith.constant 0 : i32
    %dma_wait3A_291 = arith.constant 3 : i32
    %dma_wait3A_292 = arith.constant 75 : i32
    %dma_wait3A_293 = arith.constant 0 : i32
    %dma_wait3A_294 = arith.constant 0 : i32
    %dma_wait3A_295 = arith.constant 0 : i32
    %dma_wait3A_296 = tpu.memref_slice %arg10[%dma_wait3A_290, %dma_wait3A_293, %dma_wait3A_294, %dma_wait3A_295] : memref<2x6x128x8xf32, #tpu.memory_space<vmem>> -> memref<1x6x128x8xf32, #tpu.memory_space<vmem>>
    %dma_wait3A_297 = tpu.memref_squeeze %dma_wait3A_296 : memref<1x6x128x8xf32, #tpu.memory_space<vmem>> -> memref<6x128x8xf32, #tpu.memory_space<vmem>>
    %dma_wait3A_298 = arith.constant 0 : i32
    %dma_wait3A_299 = arith.constant 0 : i32
    %dma_wait3A_300 = tpu.memref_slice %dma_wait3A_297[%dma_wait3A_291, %dma_wait3A_298, %dma_wait3A_299] : memref<6x128x8xf32, #tpu.memory_space<vmem>> -> memref<1x128x8xf32, #tpu.memory_space<vmem>>
    %dma_wait3A_301 = tpu.memref_squeeze %dma_wait3A_300 : memref<1x128x8xf32, #tpu.memory_space<vmem>> -> memref<128x8xf32, #tpu.memory_space<vmem>>
    %dma_wait3A_302 = arith.constant 0 : i32
    %dma_wait3A_303 = tpu.memref_slice %arg7[%dma_wait3A_292, %dma_wait3A_302] : memref<78x128xi32, #tpu.memory_space<vmem>> -> memref<1x128xi32, #tpu.memory_space<vmem>>
    %dma_wait3A_304 = tpu.memref_squeeze %dma_wait3A_303 : memref<1x128xi32, #tpu.memory_space<vmem>> -> memref<128xi32, #tpu.memory_space<vmem>>
    %dma_wait3A_305 = arith.constant 0 : i32
    %dma_wait3A_306 = arith.constant 0 : i32
    %dma_wait3A_307 = tpu.memref_slice %arg12[%dma_wait3A_305, %dma_wait3A_306] : memref<10240x8xf32, #tpu.memory_space<vmem_shared>> -> memref<10240x8xf32, #tpu.memory_space<vmem_shared>>
    tpu.wait_indirect_dma semaphore(%arg15 : memref<!tpu.dma_semaphore, #tpu.memory_space<semaphore_mem>>) src(%dma_wait3A_301 : memref<128x8xf32, #tpu.memory_space<vmem>>) dst(%dma_wait3A_307 : memref<10240x8xf32, #tpu.memory_space<vmem_shared>>)
    %dma_wait3A_308 = arith.constant 0 : i32
    %dma_wait3A_309 = arith.constant 4 : i32
    %dma_wait3A_310 = arith.constant 76 : i32
    %dma_wait3A_311 = arith.constant 0 : i32
    %dma_wait3A_312 = arith.constant 0 : i32
    %dma_wait3A_313 = arith.constant 0 : i32
    %dma_wait3A_314 = tpu.memref_slice %arg10[%dma_wait3A_308, %dma_wait3A_311, %dma_wait3A_312, %dma_wait3A_313] : memref<2x6x128x8xf32, #tpu.memory_space<vmem>> -> memref<1x6x128x8xf32, #tpu.memory_space<vmem>>
    %dma_wait3A_315 = tpu.memref_squeeze %dma_wait3A_314 : memref<1x6x128x8xf32, #tpu.memory_space<vmem>> -> memref<6x128x8xf32, #tpu.memory_space<vmem>>
    %dma_wait3A_316 = arith.constant 0 : i32
    %dma_wait3A_317 = arith.constant 0 : i32
    %dma_wait3A_318 = tpu.memref_slice %dma_wait3A_315[%dma_wait3A_309, %dma_wait3A_316, %dma_wait3A_317] : memref<6x128x8xf32, #tpu.memory_space<vmem>> -> memref<1x128x8xf32, #tpu.memory_space<vmem>>
    %dma_wait3A_319 = tpu.memref_squeeze %dma_wait3A_318 : memref<1x128x8xf32, #tpu.memory_space<vmem>> -> memref<128x8xf32, #tpu.memory_space<vmem>>
    %dma_wait3A_320 = arith.constant 0 : i32
    %dma_wait3A_321 = tpu.memref_slice %arg7[%dma_wait3A_310, %dma_wait3A_320] : memref<78x128xi32, #tpu.memory_space<vmem>> -> memref<1x128xi32, #tpu.memory_space<vmem>>
    %dma_wait3A_322 = tpu.memref_squeeze %dma_wait3A_321 : memref<1x128xi32, #tpu.memory_space<vmem>> -> memref<128xi32, #tpu.memory_space<vmem>>
    %dma_wait3A_323 = arith.constant 0 : i32
    %dma_wait3A_324 = arith.constant 0 : i32
    %dma_wait3A_325 = tpu.memref_slice %arg12[%dma_wait3A_323, %dma_wait3A_324] : memref<10240x8xf32, #tpu.memory_space<vmem_shared>> -> memref<10240x8xf32, #tpu.memory_space<vmem_shared>>
    tpu.wait_indirect_dma semaphore(%arg15 : memref<!tpu.dma_semaphore, #tpu.memory_space<semaphore_mem>>) src(%dma_wait3A_319 : memref<128x8xf32, #tpu.memory_space<vmem>>) dst(%dma_wait3A_325 : memref<10240x8xf32, #tpu.memory_space<vmem_shared>>)
    %dma_wait3A_326 = arith.constant 0 : i32
    %dma_wait3A_327 = arith.constant 5 : i32
    %dma_wait3A_328 = arith.constant 77 : i32
    %dma_wait3A_329 = arith.constant 0 : i32
    %dma_wait3A_330 = arith.constant 0 : i32
    %dma_wait3A_331 = arith.constant 0 : i32
    %dma_wait3A_332 = tpu.memref_slice %arg10[%dma_wait3A_326, %dma_wait3A_329, %dma_wait3A_330, %dma_wait3A_331] : memref<2x6x128x8xf32, #tpu.memory_space<vmem>> -> memref<1x6x128x8xf32, #tpu.memory_space<vmem>>
    %dma_wait3A_333 = tpu.memref_squeeze %dma_wait3A_332 : memref<1x6x128x8xf32, #tpu.memory_space<vmem>> -> memref<6x128x8xf32, #tpu.memory_space<vmem>>
    %dma_wait3A_334 = arith.constant 0 : i32
    %dma_wait3A_335 = arith.constant 0 : i32
    %dma_wait3A_336 = tpu.memref_slice %dma_wait3A_333[%dma_wait3A_327, %dma_wait3A_334, %dma_wait3A_335] : memref<6x128x8xf32, #tpu.memory_space<vmem>> -> memref<1x128x8xf32, #tpu.memory_space<vmem>>
    %dma_wait3A_337 = tpu.memref_squeeze %dma_wait3A_336 : memref<1x128x8xf32, #tpu.memory_space<vmem>> -> memref<128x8xf32, #tpu.memory_space<vmem>>
    %dma_wait3A_338 = arith.constant 0 : i32
    %dma_wait3A_339 = tpu.memref_slice %arg7[%dma_wait3A_328, %dma_wait3A_338] : memref<78x128xi32, #tpu.memory_space<vmem>> -> memref<1x128xi32, #tpu.memory_space<vmem>>
    %dma_wait3A_340 = tpu.memref_squeeze %dma_wait3A_339 : memref<1x128xi32, #tpu.memory_space<vmem>> -> memref<128xi32, #tpu.memory_space<vmem>>
    %dma_wait3A_341 = arith.constant 0 : i32
    %dma_wait3A_342 = arith.constant 0 : i32
    %dma_wait3A_343 = tpu.memref_slice %arg12[%dma_wait3A_341, %dma_wait3A_342] : memref<10240x8xf32, #tpu.memory_space<vmem_shared>> -> memref<10240x8xf32, #tpu.memory_space<vmem_shared>>
    tpu.wait_indirect_dma semaphore(%arg15 : memref<!tpu.dma_semaphore, #tpu.memory_space<semaphore_mem>>) src(%dma_wait3A_337 : memref<128x8xf32, #tpu.memory_space<vmem>>) dst(%dma_wait3A_343 : memref<10240x8xf32, #tpu.memory_space<vmem_shared>>)
    %lt3A_344 = arith.constant 4 : i32
    %lt3A_345 = arith.cmpi slt, %add3A, %lt3A_344 : i32
    %convert_element_type3A_346 = arith.extui %lt3A_345 : i1 to i32
    %cond3A_347 = arith.constant 0 : i32
    %cond3A_348 = arith.cmpi ne, %convert_element_type3A_346, %cond3A_347 : i32
    scf.if %cond3A_348 {
      %dma_start3A_355 = arith.constant 0 : i32
      %dma_start3A_356 = arith.constant 0 : i32
      %dma_start3A_357 = tpu.memref_slice %arg8[%dma_start3A_355, %dma_start3A_356] : memref<1x128xi32, #tpu.memory_space<vmem>> -> memref<1x128xi32, #tpu.memory_space<vmem>>
      %dma_start3A_358 = tpu.memref_squeeze %dma_start3A_357 : memref<1x128xi32, #tpu.memory_space<vmem>> -> memref<128xi32, #tpu.memory_space<vmem>>
      %dma_start3A_359 = arith.constant 0 : i32
      %dma_start3A_360 = arith.constant 0 : i32
      %dma_start3A_361 = tpu.memref_slice %arg13[%dma_start3A_359, %dma_start3A_360] : memref<10240x8xf32, #tpu.memory_space<vmem_shared>> -> memref<10240x8xf32, #tpu.memory_space<vmem_shared>>
      tpu.enqueue_indirect_dma source(%dma_start3A_361 : memref<10240x8xf32, #tpu.memory_space<vmem_shared>>) target(%arg11 : memref<128x8xf32, #tpu.memory_space<vmem>>) offsets(%dma_start3A_358 : memref<128xi32, #tpu.memory_space<vmem>>) semaphore(%arg14 : memref<!tpu.dma_semaphore, #tpu.memory_space<semaphore_mem>>)
      %dma_wait3A_362 = arith.constant 0 : i32
      %dma_wait3A_363 = arith.constant 0 : i32
      %dma_wait3A_364 = tpu.memref_slice %arg8[%dma_wait3A_362, %dma_wait3A_363] : memref<1x128xi32, #tpu.memory_space<vmem>> -> memref<1x128xi32, #tpu.memory_space<vmem>>
      %dma_wait3A_365 = tpu.memref_squeeze %dma_wait3A_364 : memref<1x128xi32, #tpu.memory_space<vmem>> -> memref<128xi32, #tpu.memory_space<vmem>>
      %dma_wait3A_366 = arith.constant 0 : i32
      %dma_wait3A_367 = arith.constant 0 : i32
      %dma_wait3A_368 = tpu.memref_slice %arg13[%dma_wait3A_366, %dma_wait3A_367] : memref<10240x8xf32, #tpu.memory_space<vmem_shared>> -> memref<10240x8xf32, #tpu.memory_space<vmem_shared>>
      tpu.wait_indirect_dma semaphore(%arg14 : memref<!tpu.dma_semaphore, #tpu.memory_space<semaphore_mem>>) src(%dma_wait3A_368 : memref<10240x8xf32, #tpu.memory_space<vmem_shared>>) dst(%arg11 : memref<128x8xf32, #tpu.memory_space<vmem>>)
      %run_scoped3A_369 = arith.constant 0 : i32
      "tpu.region"() ({
        %run_scoped3A_370 = tpu.sem_alloc : memref<!tpu.dma_semaphore, #tpu.memory_space<semaphore_mem>>
        %dma_start3A_371 = arith.constant 0 : i32
        %dma_start3A_372 = tpu.memref_slice %arg9[%run_scoped3A_369, %dma_start3A_371] : memref<1x128xi32, #tpu.memory_space<vmem>> -> memref<1x128xi32, #tpu.memory_space<vmem>>
        %dma_start3A_373 = tpu.memref_squeeze %dma_start3A_372 : memref<1x128xi32, #tpu.memory_space<vmem>> -> memref<128xi32, #tpu.memory_space<vmem>>
        %dma_start3A_374 = arith.constant 0 : i32
        %dma_start3A_375 = arith.constant 0 : i32
        %dma_start3A_376 = tpu.memref_slice %arg12[%dma_start3A_374, %dma_start3A_375] : memref<10240x8xf32, #tpu.memory_space<vmem_shared>> -> memref<10240x8xf32, #tpu.memory_space<vmem_shared>>
        tpu.enqueue_indirect_dma source(%arg11 : memref<128x8xf32, #tpu.memory_space<vmem>>) target(%dma_start3A_376 : memref<10240x8xf32, #tpu.memory_space<vmem_shared>>) offsets(%dma_start3A_373 : memref<128xi32, #tpu.memory_space<vmem>>) semaphore(%run_scoped3A_370 : memref<!tpu.dma_semaphore, #tpu.memory_space<semaphore_mem>>) {add = true}
        %dma_wait3A_377 = arith.constant 0 : i32
        %dma_wait3A_378 = tpu.memref_slice %arg9[%run_scoped3A_369, %dma_wait3A_377] : memref<1x128xi32, #tpu.memory_space<vmem>> -> memref<1x128xi32, #tpu.memory_space<vmem>>
        %dma_wait3A_379 = tpu.memref_squeeze %dma_wait3A_378 : memref<1x128xi32, #tpu.memory_space<vmem>> -> memref<128xi32, #tpu.memory_space<vmem>>
        %dma_wait3A_380 = arith.constant 0 : i32
        %dma_wait3A_381 = arith.constant 0 : i32
        %dma_wait3A_382 = tpu.memref_slice %arg12[%dma_wait3A_380, %dma_wait3A_381] : memref<10240x8xf32, #tpu.memory_space<vmem_shared>> -> memref<10240x8xf32, #tpu.memory_space<vmem_shared>>
        tpu.wait_indirect_dma semaphore(%run_scoped3A_370 : memref<!tpu.dma_semaphore, #tpu.memory_space<semaphore_mem>>) src(%arg11 : memref<128x8xf32, #tpu.memory_space<vmem>>) dst(%dma_wait3A_382 : memref<10240x8xf32, #tpu.memory_space<vmem_shared>>)
        tpu.yield
      }) : () -> ()
    } else {
    }
    %barrier3A_349 = arith.constant 0 : index
    tpu.barrier barrier_id(%barrier3A_349)
    %eq3A_350 = arith.constant 0 : i32
    %eq3A_351 = arith.cmpi eq, %arg1, %eq3A_350 : i32
    %convert_element_type3A_352 = arith.extui %eq3A_351 : i1 to i32
    %cond3A_353 = arith.constant 0 : i32
    %cond3A_354 = arith.cmpi ne, %convert_element_type3A_352, %cond3A_353 : i32
    scf.if %cond3A_354 {
      "tpu.region"() ({
        %run_scoped3A_355 = tpu.sem_alloc : memref<!tpu.dma_semaphore, #tpu.memory_space<semaphore_mem>>
        %dma_start3A_356 = arith.constant 0 : i32
        %dma_start3A_357 = arith.constant 0 : i32
        %dma_start3A_358 = tpu.memref_slice %arg5[%arg0, %dma_start3A_356, %dma_start3A_357] : memref<2x10240x8xf32, #tpu.memory_space<hbm>> -> memref<1x10240x8xf32, #tpu.memory_space<hbm>>
        %dma_start3A_359 = tpu.memref_squeeze %dma_start3A_358 : memref<1x10240x8xf32, #tpu.memory_space<hbm>> -> memref<10240x8xf32, #tpu.memory_space<hbm>>
        tpu.enqueue_dma source(%arg12 : memref<10240x8xf32, #tpu.memory_space<vmem_shared>>) target(%dma_start3A_359 : memref<10240x8xf32, #tpu.memory_space<hbm>>) target_semaphore(%run_scoped3A_355 : memref<!tpu.dma_semaphore, #tpu.memory_space<semaphore_mem>>)
        %dma_wait3A_360 = arith.constant 0 : i32
        %dma_wait3A_361 = arith.constant 0 : i32
        %dma_wait3A_362 = tpu.memref_slice %arg5[%arg0, %dma_wait3A_360, %dma_wait3A_361] : memref<2x10240x8xf32, #tpu.memory_space<hbm>> -> memref<1x10240x8xf32, #tpu.memory_space<hbm>>
        %dma_wait3A_363 = tpu.memref_squeeze %dma_wait3A_362 : memref<1x10240x8xf32, #tpu.memory_space<hbm>> -> memref<10240x8xf32, #tpu.memory_space<hbm>>
        tpu.wait_dma2 semaphore(%run_scoped3A_355 : memref<!tpu.dma_semaphore, #tpu.memory_space<semaphore_mem>>) src(%arg12 : memref<10240x8xf32, #tpu.memory_space<vmem_shared>>) dst(%dma_wait3A_363 : memref<10240x8xf32, #tpu.memory_space<hbm>>)
        tpu.yield
      }) : () -> ()
    } else {
    }
    return
  }
}

module attributes {stable_mosaic.version = 14 : i64} {
  func.func @_xw_body(%arg0: memref<640x2048xf32, #tpu.memory_space<vmem>>, %arg1: memref<2048x128xf32, #tpu.memory_space<vmem>>, %arg2: memref<640x128xf32, #tpu.memory_space<vmem>>) attributes {dimension_semantics = [], scalar_prefetch = 0 : i64, scratch_operands = 0 : i64, tpu.core_type = #tpu.core_type<tc>} {
    %get3A = arith.constant 0 : index
    %get3A_0 = arith.constant 0 : index
    %get3A_1 = vector.load %arg0[%get3A, %get3A_0] : memref<640x2048xf32, #tpu.memory_space<vmem>>, vector<640x2048xf32>
    %get3A_2 = arith.constant 0 : index
    %get3A_3 = arith.constant 0 : index
    %get3A_4 = vector.load %arg1[%get3A_2, %get3A_3] : memref<2048x128xf32, #tpu.memory_space<vmem>>, vector<2048x128xf32>
    %dot_general3A = arith.constant dense<0.000000e+00> : vector<640x128xf32>
    %dot_general3A_5 = tpu.matmul %get3A_1, %get3A_4, %dot_general3A {dimension_numbers = #tpu.dot_dimension_numbers<[1], [0], [0], [1], [0, 0, 1, 1], [], []>, transpose_lhs_hint = false} : vector<640x2048xf32>, vector<2048x128xf32>, vector<640x128xf32> -> vector<640x128xf32>
    %swap3A = arith.constant 0 : index
    %swap3A_6 = arith.constant 0 : index
    %swap3A_7 = vector.load %arg2[%swap3A, %swap3A_6] : memref<640x128xf32, #tpu.memory_space<vmem>>, vector<640x128xf32>
    tpu.vector_store %arg2[%swap3A, %swap3A_6], %dot_general3A_5 {strides = array<i32>} : memref<640x128xf32, #tpu.memory_space<vmem>>, vector<640x128xf32>,
    return
  }
}

module attributes {stable_mosaic.version = 14 : i64} {
  func.func @_z_body(%arg0: memref<640x128xf32, #tpu.memory_space<vmem>>, %arg1: memref<2x640x128xf32, #tpu.memory_space<vmem>>, %arg2: memref<640x128xf32, #tpu.memory_space<vmem>>, %arg3: memref<640x128xf32, #tpu.memory_space<vmem>>) attributes {dimension_semantics = [], scalar_prefetch = 0 : i64, scratch_operands = 0 : i64, tpu.core_type = #tpu.core_type<tc>} {
    %get3A = arith.constant 0 : index
    %get3A_0 = arith.constant 0 : index
    %get3A_1 = arith.constant 0 : index
    %get3A_2 = vector.load %arg1[%get3A, %get3A_0, %get3A_1] : memref<2x640x128xf32, #tpu.memory_space<vmem>>, vector<1x640x128xf32>
    %get3A_3 = vector.shape_cast %get3A_2 : vector<1x640x128xf32> to vector<640x128xf32>
    %get3A_4 = arith.constant 1 : index
    %get3A_5 = arith.constant 0 : index
    %get3A_6 = arith.constant 0 : index
    %get3A_7 = vector.load %arg1[%get3A_4, %get3A_5, %get3A_6] : memref<2x640x128xf32, #tpu.memory_space<vmem>>, vector<1x640x128xf32>
    %get3A_8 = vector.shape_cast %get3A_7 : vector<1x640x128xf32> to vector<640x128xf32>
    %add3A = arith.addf %get3A_3, %get3A_8 : vector<640x128xf32>
    %add3A_9 = arith.constant 1.000000e+00 : f32
    %add3A_10 = vector.broadcast %add3A_9 : f32 to vector<640x128xf32>
    %add3A_11 = arith.addf %add3A, %add3A_10 : vector<640x128xf32>
    %rsqrt3A = math.rsqrt %add3A_11 : vector<640x128xf32>
    %get3A_12 = arith.constant 0 : index
    %get3A_13 = arith.constant 0 : index
    %get3A_14 = vector.load %arg0[%get3A_12, %get3A_13] : memref<640x128xf32, #tpu.memory_space<vmem>>, vector<640x128xf32>
    %mul3A = arith.mulf %rsqrt3A, %get3A_14 : vector<640x128xf32>
    %swap3A = arith.constant 0 : index
    %swap3A_15 = arith.constant 0 : index
    %swap3A_16 = vector.load %arg2[%swap3A, %swap3A_15] : memref<640x128xf32, #tpu.memory_space<vmem>>, vector<640x128xf32>
    tpu.vector_store %arg2[%swap3A, %swap3A_15], %mul3A {strides = array<i32>} : memref<640x128xf32, #tpu.memory_space<vmem>>, vector<640x128xf32>,
    %swap3A_17 = arith.constant 0 : index
    %swap3A_18 = arith.constant 0 : index
    %swap3A_19 = vector.load %arg3[%swap3A_17, %swap3A_18] : memref<640x128xf32, #tpu.memory_space<vmem>>, vector<640x128xf32>
    tpu.vector_store %arg3[%swap3A_17, %swap3A_18], %rsqrt3A {strides = array<i32>} : memref<640x128xf32, #tpu.memory_space<vmem>>, vector<640x128xf32>,
    return
  }
}

module attributes {stable_mosaic.version = 14 : i64} {
  func.func @_loss_body(%arg0: memref<2x640x128xf32, #tpu.memory_space<vmem>>, %arg1: memref<640x128xf32, #tpu.memory_space<vmem>>, %arg2: memref<640x128xf32, #tpu.memory_space<vmem>>, %arg3: memref<640x16xi32, #tpu.memory_space<vmem>>, %arg4: memref<1x128xf32, #tpu.memory_space<vmem>>, %arg5: memref<16x128xf32, #tpu.memory_space<vmem>>, %arg6: memref<1x1xf32, #tpu.memory_space<vmem>>) attributes {dimension_semantics = [], scalar_prefetch = 0 : i64, scratch_operands = 0 : i64, tpu.core_type = #tpu.core_type<tc>} {
    %get3A = arith.constant 0 : index
    %get3A_0 = arith.constant 0 : index
    %get3A_1 = vector.load %arg2[%get3A, %get3A_0] : memref<640x128xf32, #tpu.memory_space<vmem>>, vector<640x128xf32>
    %get3A_2 = arith.constant 0 : index
    %get3A_3 = arith.constant 0 : index
    %get3A_4 = arith.constant 0 : index
    %get3A_5 = vector.load %arg0[%get3A_2, %get3A_3, %get3A_4] : memref<2x640x128xf32, #tpu.memory_space<vmem>>, vector<1x640x128xf32>
    %get3A_6 = vector.shape_cast %get3A_5 : vector<1x640x128xf32> to vector<640x128xf32>
    %get3A_7 = arith.constant 1 : index
    %get3A_8 = arith.constant 0 : index
    %get3A_9 = arith.constant 0 : index
    %get3A_10 = vector.load %arg0[%get3A_7, %get3A_8, %get3A_9] : memref<2x640x128xf32, #tpu.memory_space<vmem>>, vector<1x640x128xf32>
    %get3A_11 = vector.shape_cast %get3A_10 : vector<1x640x128xf32> to vector<640x128xf32>
    %add3A = arith.addf %get3A_6, %get3A_11 : vector<640x128xf32>
    %get3A_12 = arith.constant 0 : index
    %get3A_13 = arith.constant 0 : index
    %get3A_14 = vector.load %arg1[%get3A_12, %get3A_13] : memref<640x128xf32, #tpu.memory_space<vmem>>, vector<640x128xf32>
    %add3A_15 = arith.addf %add3A, %get3A_14 : vector<640x128xf32>
    %mul3A = arith.mulf %get3A_1, %add3A_15 : vector<640x128xf32>
    %get3A_16 = arith.constant 0 : index
    %get3A_17 = arith.constant 0 : index
    %get3A_18 = vector.load %arg4[%get3A_16, %get3A_17] : memref<1x128xf32, #tpu.memory_space<vmem>>, vector<1x128xf32>
    %add3A_19 = vector.broadcast %get3A_18 : vector<1x128xf32> to vector<640x128xf32>
    %add3A_20 = arith.addf %mul3A, %add3A_19 : vector<640x128xf32>
    %iota3A = tpu.iota {dimensions = array<i32: 0>} : vector<640x128xi32>
    %lt3A = arith.constant 625 : i32
    %lt3A_21 = vector.broadcast %lt3A : i32 to vector<640x128xi32>
    %lt3A_22 = arith.cmpi slt, %iota3A, %lt3A_21 : vector<640x128xi32>
    %convert_element_type3A = arith.extui %lt3A_22 : vector<640x128xi1> to vector<640x128xi32>
    %convert_element_type3A_23 = arith.sitofp %convert_element_type3A : vector<640x128xi32> to vector<640x128xf32>
    %jit3A = arith.constant 0xFF800000 : f32
    %broadcast_in_dim3A = vector.broadcast %jit3A : f32 to vector<640x128xf32>
    %select_n3A = arith.select %lt3A_22, %add3A_20, %broadcast_in_dim3A : vector<640x128xi1>, vector<640x128xf32>
    %reduce_max3A = vector.shape_cast %select_n3A : vector<640x128xf32> to vector<1x640x128xf32>
    %reduce_max3A_24 = arith.constant dense<0xFF800000> : vector<1xf32>
    %reduce_max3A_25 = vector.multi_reduction <maximumf>, %reduce_max3A, %reduce_max3A_24 [1, 2] : vector<1x640x128xf32> to vector<1xf32>
    %reduce_max3A_26 = vector.shape_cast %reduce_max3A_25 : vector<1xf32> to vector<1x1x1xf32>
    %reduce_max3A_27 = vector.extract %reduce_max3A_26[0, 0, 0] : f32 from vector<1x1x1xf32>
    %sub3A = vector.broadcast %reduce_max3A_27 : f32 to vector<640x128xf32>
    %sub3A_28 = arith.subf %add3A_20, %sub3A : vector<640x128xf32>
    %exp3A = math.exp %sub3A_28 : vector<640x128xf32>
    %mul3A_29 = arith.mulf %exp3A, %convert_element_type3A_23 : vector<640x128xf32>
    %get3A_30 = arith.constant 0 : index
    %get3A_31 = arith.constant 0 : index
    %get3A_32 = vector.load %arg5[%get3A_30, %get3A_31] : memref<16x128xf32, #tpu.memory_space<vmem>>, vector<16x128xf32>
    %dot_general3A = arith.constant dense<0.000000e+00> : vector<640x16xf32>
    %dot_general3A_33 = tpu.matmul %mul3A_29, %get3A_32, %dot_general3A {dimension_numbers = #tpu.dot_dimension_numbers<[1], [1], [0], [0], [0, 0, 1, 0], [], []>, transpose_lhs_hint = false} : vector<640x128xf32>, vector<16x128xf32>, vector<640x16xf32> -> vector<640x16xf32>
    %iota3A_34 = tpu.iota {dimensions = array<i32: 0>} : vector<640x16xi32>
    %lt3A_35 = arith.constant 625 : i32
    %lt3A_36 = vector.broadcast %lt3A_35 : i32 to vector<640x16xi32>
    %lt3A_37 = arith.cmpi slt, %iota3A_34, %lt3A_36 : vector<640x16xi32>
    %convert_element_type3A_38 = arith.extui %lt3A_37 : vector<640x16xi1> to vector<640x16xi32>
    %convert_element_type3A_39 = arith.sitofp %convert_element_type3A_38 : vector<640x16xi32> to vector<640x16xf32>
    %sub3A_40 = arith.constant 1.000000e+00 : f32
    %sub3A_41 = vector.broadcast %sub3A_40 : f32 to vector<640x16xf32>
    %sub3A_42 = arith.subf %sub3A_41, %convert_element_type3A_39 : vector<640x16xf32>
    %add3A_43 = arith.addf %dot_general3A_33, %sub3A_42 : vector<640x16xf32>
    %log3A = math.log %add3A_43 : vector<640x16xf32>
    %reduce_sum3A = vector.shape_cast %log3A : vector<640x16xf32> to vector<1x640x16xf32>
    %reduce_sum3A_44 = arith.constant dense<0.000000e+00> : vector<1xf32>
    %reduce_sum3A_45 = vector.multi_reduction <add>, %reduce_sum3A, %reduce_sum3A_44 [1, 2] : vector<1x640x16xf32> to vector<1xf32>
    %reduce_sum3A_46 = vector.shape_cast %reduce_sum3A_45 : vector<1xf32> to vector<1x1x1xf32>
    %reduce_sum3A_47 = vector.extract %reduce_sum3A_46[0, 0, 0] : f32 from vector<1x1x1xf32>
    %get3A_48 = arith.constant 0 : index
    %get3A_49 = arith.constant 0 : index
    %get3A_50 = vector.load %arg3[%get3A_48, %get3A_49] : memref<640x16xi32, #tpu.memory_space<vmem>>, vector<640x16xi32>
    %convert_element_type3A_51 = arith.sitofp %get3A_50 : vector<640x16xi32> to vector<640x16xf32>
    %get3A_52 = arith.constant 0 : index
    %get3A_53 = arith.constant 0 : index
    %get3A_54 = vector.load %arg5[%get3A_52, %get3A_53] : memref<16x128xf32, #tpu.memory_space<vmem>>, vector<16x128xf32>
    %dot_general3A_55 = arith.constant dense<0.000000e+00> : vector<640x128xf32>
    %dot_general3A_56 = tpu.matmul %convert_element_type3A_51, %get3A_54, %dot_general3A_55 {dimension_numbers = #tpu.dot_dimension_numbers<[1], [0], [0], [1], [0, 0, 1, 1], [], []>, transpose_lhs_hint = false} : vector<640x16xf32>, vector<16x128xf32>, vector<640x128xf32> -> vector<640x128xf32>
    %iota3A_57 = tpu.iota {dimensions = array<i32: 1>} : vector<640x128xi32>
    %jit3A_58 = arith.constant 8 : i32
    %eq3A = arith.constant 0 : i32
    %eq3A_59 = arith.cmpi eq, %jit3A_58, %eq3A : i32
    %jit3A_60 = arith.constant 1 : i32
    %select_n3A_61 = arith.select %eq3A_59, %jit3A_60, %jit3A_58 : i32
    %rem3A = vector.broadcast %select_n3A_61 : i32 to vector<640x128xi32>
    %rem3A_62 = arith.remsi %iota3A_57, %rem3A : vector<640x128xi32>
    %ne3A = arith.constant 0 : i32
    %ne3A_63 = vector.broadcast %ne3A : i32 to vector<640x128xi32>
    %ne3A_64 = arith.cmpi ne, %rem3A_62, %ne3A_63 : vector<640x128xi32>
    %lt3A_65 = arith.constant 0 : i32
    %lt3A_66 = vector.broadcast %lt3A_65 : i32 to vector<640x128xi32>
    %lt3A_67 = arith.cmpi slt, %rem3A_62, %lt3A_66 : vector<640x128xi32>
    %lt3A_68 = arith.constant 0 : i32
    %lt3A_69 = arith.cmpi slt, %select_n3A_61, %lt3A_68 : i32
    %ne3A_70 = vector.broadcast %lt3A_69 : i1 to vector<640x128xi1>
    %ne3A_71 = vector.broadcast %ne3A_70 : vector<640x128xi1> to vector<640x128xi1>
    %ne3A_72 = arith.xori %lt3A_67, %ne3A_71 : vector<640x128xi1>
    %and3A = arith.andi %ne3A_72, %ne3A_64 : vector<640x128xi1>
    %add3A_73 = vector.broadcast %select_n3A_61 : i32 to vector<640x128xi32>
    %add3A_74 = arith.addi %rem3A_62, %add3A_73 : vector<640x128xi32>
    %select_n3A_75 = arith.select %and3A, %add3A_74, %rem3A_62 : vector<640x128xi1>, vector<640x128xi32>
    %convert_element_type3A_76 = arith.sitofp %select_n3A_75 : vector<640x128xi32> to vector<640x128xf32>
    %eq3A_77 = arith.cmpf oeq, %convert_element_type3A_76, %dot_general3A_56 : vector<640x128xf32>
    %jit3A_78 = arith.constant 0.000000e+00 : f32
    %broadcast_in_dim3A_79 = vector.broadcast %jit3A_78 : f32 to vector<640x128xf32>
    %select_n3A_80 = arith.select %eq3A_77, %add3A_20, %broadcast_in_dim3A_79 : vector<640x128xi1>, vector<640x128xf32>
    %mul3A_81 = arith.mulf %select_n3A_80, %convert_element_type3A_23 : vector<640x128xf32>
    %reduce_sum3A_82 = vector.shape_cast %mul3A_81 : vector<640x128xf32> to vector<1x640x128xf32>
    %reduce_sum3A_83 = arith.constant dense<0.000000e+00> : vector<1xf32>
    %reduce_sum3A_84 = vector.multi_reduction <add>, %reduce_sum3A_82, %reduce_sum3A_83 [1, 2] : vector<1x640x128xf32> to vector<1xf32>
    %reduce_sum3A_85 = vector.shape_cast %reduce_sum3A_84 : vector<1xf32> to vector<1x1x1xf32>
    %reduce_sum3A_86 = vector.extract %reduce_sum3A_85[0, 0, 0] : f32 from vector<1x1x1xf32>
    %mul3A_87 = arith.constant 1.000000e+04 : f32
    %mul3A_88 = arith.mulf %mul3A_87, %reduce_max3A_27 : f32
    %add3A_89 = arith.addf %mul3A_88, %reduce_sum3A_47 : f32
    %sub3A_90 = arith.subf %add3A_89, %reduce_sum3A_86 : f32
    %div3A = arith.constant 1.000000e+04 : f32
    %div3A_91 = arith.divf %sub3A_90, %div3A : f32
    %broadcast_in_dim3A_92 = vector.broadcast %div3A_91 : f32 to vector<1x1xf32>
    %swap3A = arith.constant 0 : index
    %swap3A_93 = arith.constant 0 : index
    %swap3A_94 = vector.load %arg6[%swap3A, %swap3A_93] : memref<1x1xf32, #tpu.memory_space<vmem>>, vector<1x1xf32>
    tpu.vector_store %arg6[%swap3A, %swap3A_93], %broadcast_in_dim3A_92 {strides = array<i32>} : memref<1x1xf32, #tpu.memory_space<vmem>>, vector<1x1xf32>,
    return
  }
}

</mosaic_0001>

<sc_bundles>
// kernel: kernel.10.cloned.1.call-start
scs
__scs_entry_jumppad:
0x0: {  	(pc) =	sbr.rel $0x88, $3  }
0x1: {  	(tag) =	ssettag $0x0;
	lr =	simm.s32 $0x1  }
0x2: {  	[smem:$0x3F9C] =	sst lr;
	_ =	strace $0xD0000000  }
0x3: {  	_ = 	snop  }
0x4: {  	_ = 	snop  }
0x5: {  	_ = 	snop  }
0x6: {  	_ = 	snop  }
0x7: {  	_ = 	snop  }
__scs_overlays_trampoline_lowered:
0x8: {  	[smem:$0x3FAB] =	sst s0  }
0x9: {  	[smem:$0x3FAC] =	sst s1  }
0xa: {  	[smem:$0x3FAD] =	sst s2  }
0xb: {  	[smem:$0x3FAE] =	sst s3  }
0xc: {  	[smem:$0x3FAF] =	sst s4  }
0xd: {  	[smem:$0x3FB0] =	sst s5  }
0xe: {  	[smem:$0x3FB1] =	sst s6  }
0xf: {  	[smem:$0x3FB2] =	sst s7  }
0x10: {  	[smem:$0x3FB3] =	sst s8  }
0x11: {  	[smem:$0x3FB4] =	sst s9;
	s0 =	simm.s32 @!p0 $0x0  }
0x12: {  	s1 =	sld [smem:$0x3F9A];
	s0 =	simm.s32 @p0 $0x1  }
0x13: {  	[smem:$0x3FB5] =	sst s0;
	s0 =	simm.s32 @!p1 $0x0  }
0x14: {  	s2 =	sld [smem:$0x3F99];
	s0 =	simm.s32 @p1 $0x1  }
0x15: {  	[smem:$0x3FB6] =	sst s0;
	s0 =	simm.s32 @!p2 $0x0  }
0x16: {  	s3 =	sld [smem:$0x3FDB];
	s0 =	simm.s32 @p2 $0x1  }
0x17: {  	s4 =	simm.s32 $0x1BF5;
	[smem:$0x3FB8] =	sst s0  }
0x18: {  	s0 =	sld [smem:$0x3F9B];
	_ =	swait.ge [sflag:s4], $0x0  }
0x19: {  	s7 =	sld [smem:$0x3F9C]  }
0x1a: {  	s8 =	sadd.s32 $0xFFFFE003, lr  }
0x1b: {  	s9 =	sadd.s32 $0xFFFFFEF7, lr;
	s5 =	simm.s32 $0xFFFFFFFF;
	p2 =	slt.u32 s8, $0xFFFFF086  }
0x1c: {  	p1 =	slt.u32 s9, $0xF7A;
	s5 =	simm.s32 @!p2 $0x0  }
0x1d: {  	s5 =	simm.s32 @p1 $0x1;
	p0 =	seq.s32 s7, s2  }
0x1e: {  	s7 =	smul.u32 @!p0 $0xF7A, s2;
	p2 =	seq.s32 @!p0 s5, $0x0  }
0x1f: {  	s9 =	smul.u32 $0xF7A, s1;
	s8 =	simm.s32 @!p0 $0x1BF5;
	p2 =	por !p2, p0  }
0x20: {  	[sflag:s8] =	ssyncset.s32 @!p0 $0xFFFFF086;
	s6 =	sadd.s32 @!p0 s3, s7;
	s7 =	simm.s32 @!p0 $0x108  }
0x21: {  	s3 =	sadd.s32 s3, s9;
	s6 =	sadd.s32 @!p0 $0x88, s6;
	s7 =	simm.s32 @p2 $0x1082  }
0x22: {  	[simem:s7], [sflag:s8] =	dma.local @!p0 [hbm:s6], $0xF7A  }
0x23: {  	s9 =	sor.u32 $0xD0000000, s2;
	s6 =	simm.s32 $0x108;
	_ =	swait.ge @!p0 [sflag:s8], $0x0  }
0x24: {  	s3 =	sadd.s32 $0x88, s3;
	s6 =	simm.s32 @!p1 $0x1082;
	[sflag:s4] =	ssyncset.s32 $0xFFFFF086  }
0x25: {  	[simem:s6], [sflag:s4] =	dma.local [hbm:s3], $0xF7A  }
0x26: {  	[smem:$0x3F9C] =	sst s1;
	(tag) =	ssettag s2;
	_ =	strace s9  }
0x27: {  	s1 =	sld [smem:$0x3FAC]  }
0x28: {  	s2 =	sld [smem:$0x3FAD]  }
0x29: {  	s4 =	sld [smem:$0x3FAF]  }
0x2a: {  	p0 =	seq.s32 s5, $0x0;
	s5 =	sld [smem:$0x3FB0]  }
0x2b: {  	s6 =	sld [smem:$0x3FB1]  }
0x2c: {  	s7 =	sld [smem:$0x3FB2]  }
0x2d: {  	s3 =	simm.s32 $0x108;
	s8 =	sld [smem:$0x3FB3]  }
0x2e: {  	s3 =	simm.s32 @!p0 $0x1082;
	s9 =	sld [smem:$0x3FB4]  }
0x2f: {  	lr =	sadd.s32 s0, s3;
	s0 =	sld [smem:$0x3FAB]  }
0x30: {  	s3 =	sld [smem:$0x3FAE]  }
0x31: {  	[smem:$0x3FB7] =	sst s10  }
0x32: {  	s10 =	sld [smem:$0x3FB5];
	_ =	sdelay $0x3  }
0x33: {  	p0 =	seq.s32 s10, $0x1;
	s10 =	sld [smem:$0x3FB7];
	_ =	sdelay $0x3  }
0x34: {  	[smem:$0x3FB7] =	sst s10  }
0x35: {  	s10 =	sld [smem:$0x3FB6];
	_ =	sdelay $0x3  }
0x36: {  	p1 =	seq.s32 s10, $0x1;
	s10 =	sld [smem:$0x3FB7];
	_ =	sdelay $0x3  }
0x37: {  	[smem:$0x3FB7] =	sst s10  }
0x38: {  	s10 =	sld [smem:$0x3FB8]  }
0x39: {  	_ = 	snop;
	(pc) =	sbr.ind lr, $3  }
0x3a: {  	_ = 	snop  }
0x3b: {  	_ = 	snop  }
0x3c: {  	p2 =	seq.s32 s10, $0x1;
	s10 =	sld [smem:$0x3FB7]  }
0x3d: {  	_ =	shalt  }
0x3e: {  	_ =	shalt  }
0x3f: {  	_ =	shalt  }
0x40: {  	_ =	shalt  }
0x41: {  	_ =	shalt  }
0x42: {  	_ =	shalt  }
0x43: {  	_ =	shalt  }
0x44: {  	_ =	shalt  }
0x45: {  	_ =	shalt  }
0x46: {  	_ =	shalt  }
0x47: {  	_ =	shalt  }
0x48: {  	_ =	shalt  }
0x49: {  	_ =	shalt  }
0x4a: {  	_ =	shalt  }
0x4b: {  	_ =	shalt  }
0x4c: {  	_ =	shalt  }
0x4d: {  	_ =	shalt  }
0x4e: {  	_ =	shalt  }
0x4f: {  	_ =	shalt  }
0x50: {  	_ =	shalt  }
0x51: {  	_ =	shalt  }
0x52: {  	_ =	shalt  }
0x53: {  	_ =	shalt  }
0x54: {  	_ =	shalt  }
0x55: {  	_ =	shalt  }
0x56: {  	_ =	shalt  }
0x57: {  	_ =	shalt  }
0x58: {  	_ =	shalt  }
0x59: {  	_ =	shalt  }
0x5a: {  	_ =	shalt  }
0x5b: {  	_ =	shalt  }
0x5c: {  	_ =	shalt  }
0x5d: {  	_ =	shalt  }
0x5e: {  	_ =	shalt  }
0x5f: {  	_ =	shalt  }
0x60: {  	_ =	shalt  }
0x61: {  	_ =	shalt  }
0x62: {  	_ =	shalt  }
0x63: {  	_ =	shalt  }
0x64: {  	_ =	shalt  }
0x65: {  	_ =	shalt  }
0x66: {  	_ =	shalt  }
0x67: {  	_ =	shalt  }
0x68: {  	_ =	shalt  }
0x69: {  	_ =	shalt  }
0x6a: {  	_ =	shalt  }
0x6b: {  	_ =	shalt  }
0x6c: {  	_ =	shalt  }
0x6d: {  	_ =	shalt  }
0x6e: {  	_ =	shalt  }
0x6f: {  	_ =	shalt  }
0x70: {  	_ =	shalt  }
0x71: {  	_ =	shalt  }
0x72: {  	_ =	shalt  }
0x73: {  	_ =	shalt  }
0x74: {  	_ =	shalt  }
0x75: {  	_ =	shalt  }
0x76: {  	_ =	shalt  }
0x77: {  	_ =	shalt  }
0x78: {  	_ =	shalt  }
0x79: {  	_ =	shalt  }
0x7a: {  	_ =	shalt  }
0x7b: {  	_ =	shalt  }
0x7c: {  	_ =	shalt  }
0x7d: {  	_ =	shalt  }
0x7e: {  	_ =	shalt  }
0x7f: {  	_ =	shalt  }
0x80: {  	_ =	shalt  }
0x81: {  	_ =	shalt  }
0x82: {  	_ =	shalt  }
0x83: {  	_ =	shalt  }
0x84: {  	_ =	shalt  }
0x85: {  	_ =	shalt  }
0x86: {  	_ =	shalt  }
0x87: {  	_ =	shalt  }
.Lfunc_end0:
.L_simem_size_0:
called_computation.1_lowered:
.L_overlay_start_0:
0x88: {  	s2 =	sld [smem:$0x3FD9]  }
0x89: {  	s3 =	sld [smem:$0x3FFE];
	_ =	sdelay $0x1  }
0x8a: {  	s1 =	srdreg.scid  }
0x8b: {  	s0 =	sand.u32 $0x1, s1  }
0x8c: {  	s16 =	sshll.u32 s0, $0xA;
	s2 =	sadd.s32 s3, s2  }
0x8d: {  	s2 =	sadd.s32 s2, s16  }
0x8e: {  	[smem:$0x3FC3] =	sst s2  }
0x8f: {  	_ = 	snop  }
0x90: {  	(tm) =	ssettm $0x1  }
0x91: {  	s17 =	sld [smem:$0x3FFB];
	_ =	sdelay $0x3  }
0x92: {  	_ =	strace s17  }
0x93: {  	s2 =	sld [smem:$0x3FFC];
	_ =	sdelay $0x3  }
0x94: {  	_ =	strace s2  }
0x95: {  	s2 =	sld [smem:$0x3FFD];
	_ =	sdelay $0x3  }
0x96: {  	_ =	strace s2  }
0x97: {  	_ =	strace $0x8FFFFFFF  }
0x98: {  	s18 =	sld [smem:$0x3FDB];
	_ =	sdelay $0x1  }
0x99: {  	s19 =	simm.s32 $_scs_section_size  }
0x9a: {  	s4 =	simm.s32 $_size__tile_overlayer_lowered;
	s5 =	simm.s32 $_tile_overlayer_lowered  }
0x9b: {  	s22 =	simm.s32 $0x1BFF;
	s21 =	sshll.u32 s5, $0x1;
	s2 =	sadd.s32 s19, s18  }
0x9c: {  	s6 =	simm.s32 $0x0;
	s20 =	sshll.u32 s4, $0x1;
	s4 =	sadd.s32 s21, s2  }
0x9d: {  	[timem:s6], [sflag:s22] =	dma.local [hbm:s4], s20  }
0x9e: {  	_ =	swait.ge [sflag:s22], s20  }
0x9f: {  	s3 =	ssub.s32 $0x0, s20;
	[sflag:s22] =	ssyncset.done $0x0  }
0xa0: {  	[sflag:s22] =	ssyncadd.s32 s3;
	_ =	sdelay $0x1  }
0xa1: {  	s23 =	simm.s32 $0x1B8B  }
0xa2: {  	_ =	swait.ge [sflag:s23], $0x1  }
0xa3: {  	[sflag:s23] =	ssyncset.done $0x0  }
0xa4: {  	s25 =	simm.s32 $0x1B8E;
	s24 =	sld [smem:$0x3FFE];
	[sflag:s23] =	ssyncadd.s32 $0xFFFFFFFF  }
0xa5: {  	s26 =	simm.s32 $execute0_lowered;
	[smem:$0x3FD2] =	sst s25  }
0xa6: {  	s4 =	sshll.u32 s26, $0x1;
	_ =	strace $0x80000049;
	[dreg:$0x1] =	wrdreg $0xFFFFFFFF  }
0xa7: {  	s28 =	simm.s32 $_size_execute0_lowered;
	s2 =	sadd.s32 s2, s4;
	[dreg:$0x0] =	wrdreg $0x0  }
0xa8: {  	s4 =	sshll.u32 s28, $0x1;
	[dreg:$0x2] =	wrdreg s2  }
0xa9: {  	[dreg:$0x3] =	wrdreg s4  }
0xaa: {  	[dreg:$0x4] =	wrdreg $0xC0  }
0xab: {  	_ =	task [dreg:s6], $0x5FFFF  }
0xac: {  	[dreg:$0x1] =	wrdreg $0xFFFFFFFF  }
0xad: {  	[dreg:$0x0] =	wrdreg $0x60  }
0xae: {  	[dreg:$0x2] =	wrdreg s24  }
0xaf: {  	[dreg:$0x3] =	wrdreg $0x83000  }
0xb0: {  	[dreg:$0x4] =	wrdreg $0x97000  }
0xb1: {  	[dreg:$0x5] =	wrdreg $0x9  }
0xb2: {  	_ =	task.clear_ibuf [dreg:s6], $0x6FFFF;
	_ =	strace $0x90000049  }
0xb3: {  	s29 =	simm.s32 $0x9;
	_ =	strace $0x8000004B  }
0xb4: {  	_ =	swait.ge [sflag:s29], $0x1  }
0xb5: {  	[sflag:s29] =	ssyncadd.s32 $0xFFFFFFFF  }
0xb6: {  	_ =	strace $0x9000004B  }
0xb7: {  	_ =	sfence  }
0xb8: {  	s30 =	sld [smem:$0x0];
	_ =	sdelay $0x2  }
0xb9: {  	s31 =	sshll.u32 s1, $0xD;
	s1 =	sshrl.u32 s1, $0x2  }
0xba: {  	s3 =	sand.u32 $0x4000, s31;
	s1 =	sadd.s32 s1, s30  }
0xbb: {  	s0 =	sor.u32 s3, s0;
	s1 =	sshll.u32 s1, $0x11  }
0xbc: {  	s0 =	sor.u32 s1, s0  }
0xbd: {  	s0 =	sadd.s32 $0x8F2B, s0  }
0xbe: {  	[sflag:s0] =	ssyncadd.remote.s32 $0x1  }
0xbf: {  	_ =	sfence.sel $0xFFFF  }
0xc0: {  	[dreg:$0x0] =	wrdreg $0xFFFFFFFF;
	(pc) =	sbr.abs _section_cstart, $3  }
0xc1: {  	[dreg:$0x1] =	wrdreg $0xFFFFFFFF  }
0xc2: {  	_ =	task.clear_ibuf [dreg:s6], $0x2FFFF;
	_ =	strace $0x9FFFFFFF  }
0xc3: {  	(tm) =	ssettm $0x7FFFFFFF  }
tec
execute0_lowered:
.L_overlay_start_1:
0x0: {  	(tag) =	ssettag $0x1  }
0x1: {  	s0 =	rddreg [dreg:$0x0]  }
0x2: {  	s1 =	rddreg [dreg:$0x1]  }
0x3: {  	s2 =	rddreg [dreg:$0x2];
	s3 =	simm.s32 $0x0  }
0x4: {  	s4 =	srdreg.scid;
	s14 =	stileid.u32;
	s10 =	simm.s32 $0x3  }
0x5: {  	s17 =	simm.s32 $0x4F00;
	s18 =	simm.s32 $0x5300;
	s19 =	simm.s32 $0x100  }
0x6: {  	s20 =	simm.s32 $0x5700;
	s21 =	simm.s32 $0x180;
	s22 =	simm.s32 $0x5B00  }
0x7: {  	s23 =	simm.s32 $0x200;
	s28 =	simm.s32 $0x1;
	s29 =	simm.s32 $0x2  }
0x8: {  	s31 =	simm.s32 $0x0;
	[smem:$0x7FF] =	sst s3;
	s7 =	sadd.s32 $0x2000, s0  }
0x9: {  	s4 =	sand.u32 $0x1, s4;
	s5 =	sadd.s32 $0x18400, s0;
	s25 =	sadd.s32 $0x15C00, s0  }
0xa: {  	s26 =	sshll.u32 s14, $0x4;
	p0 =	seq.s32 s14, $0x1;
	s30 =	sshrl.u32 s2, $0x3  }
0xb: {  	p2 =	sne.s32 s14, $0x0;
	_ =	strace $0x8000004A;
	[dreg:$0x4] =	wrdreg s5  }
0xc: {  	s24 =	sshll.u32 s4, $0x4;
	s6 =	smul.u32 $0x2800, s4;
	[dreg:$0x5] =	wrdreg s25  }
0xd: {  	s4 =	ssub.s32 $0x2, s4;
	s16 =	sor.u32 $0x9C00, s26;
	[dreg:$0x6] =	wrdreg s30  }
0xe: {  	s25 =	simm.s32 $0x280;
	s26 =	simm.s32 $0x6300;
	s15 =	sor.u32 s14, s24  }
.Ltmp0:
0xf: {  	s8 =	sshrl.u32 s4, $0x1;
	s24 =	simm.s32 $0x5F00;
	(pc) =	sbr.rel .LBB2_1-.Ltmp0, $4  }
0x10: {  	s11 =	smul.u32 $0x4E0, s15;
	s9 =	sadd.s32 s6, s0;
	s4 =	ssub.s32 s4, s8  }
0x11: {  	s0 =	sadd.s32 $0xBC40, s0;
	p1 =	sgt.u32 s15, $0x3;
	s8 =	sadd.s32 $0x1AC00, s9  }
0x12: {  	s9 =	smax.u32 s4, $0x1;
	s15 =	sadd.s32 @!p1 s16, s0;
	s6 =	sadd.s32 s7, s11  }
0x13: {  	s7 =	sadd.s32 s7, s16;
	s11 =	sadd.s32 s11, s0;
	s16 =	simm.s32 $0x80  }
.LBB2_12:
0x14: {  	_ =	swait.ge [sflag:s29], $0x400  }
0x15: {  	[sflag:s29] =	ssyncset.done $0x0  }
0x16: {  	[sflag:s29] =	ssyncadd.s32 $0xFFFFFC00  }
0x17: {  	_ =	swait.ge [sflag:s29], $0x400  }
0x18: {  	[sflag:s29] =	ssyncset.done $0x0  }
0x19: {  	[sflag:s29] =	ssyncadd.s32 $0xFFFFFC00  }
0x1a: {  	_ =	swait.ge [sflag:s29], $0x400  }
0x1b: {  	[sflag:s29] =	ssyncset.done $0x0  }
0x1c: {  	[sflag:s29] =	ssyncadd.s32 $0xFFFFFC00  }
0x1d: {  	_ =	swait.ge [sflag:s29], $0x400  }
0x1e: {  	[sflag:s29] =	ssyncset.done $0x0  }
0x1f: {  	[sflag:s29] =	ssyncadd.s32 $0xFFFFFC00  }
0x20: {  	_ =	swait.ge [sflag:s29], $0x400  }
0x21: {  	[sflag:s29] =	ssyncset.done $0x0  }
0x22: {  	[sflag:s29] =	ssyncadd.s32 $0xFFFFFC00  }
0x23: {  	_ =	swait.ge [sflag:s29], $0x400  }
0x24: {  	[sflag:s29] =	ssyncset.done $0x0  }
0x25: {  	[sflag:s29] =	ssyncadd.s32 $0xFFFFFC00  }
0x26: {  	_ =	swait.ge [sflag:s29], $0x400  }
0x27: {  	[sflag:s29] =	ssyncset.done $0x0  }
0x28: {  	[sflag:s29] =	ssyncadd.s32 $0xFFFFFC00  }
0x29: {  	_ =	swait.ge [sflag:s29], $0x400  }
0x2a: {  	[sflag:s29] =	ssyncset.done $0x0  }
0x2b: {  	[sflag:s29] =	ssyncadd.s32 $0xFFFFFC00  }
0x2c: {  	_ =	swait.ge [sflag:s29], $0x400  }
0x2d: {  	[sflag:s29] =	ssyncset.done $0x0  }
0x2e: {  	[sflag:s29] =	ssyncadd.s32 $0xFFFFFC00  }
0x2f: {  	_ =	swait.ge [sflag:s29], $0x400  }
0x30: {  	[sflag:s29] =	ssyncset.done $0x0  }
0x31: {  	[sflag:s29] =	ssyncadd.s32 $0xFFFFFC00  }
0x32: {  	_ =	swait.ge [sflag:s29], $0x400  }
0x33: {  	[sflag:s29] =	ssyncset.done $0x0  }
0x34: {  	[sflag:s29] =	ssyncadd.s32 $0xFFFFFC00  }
0x35: {  	_ =	swait.ge [sflag:s29], $0x400  }
0x36: {  	s0 =	simm.s32 @!p1 $0x80;
	[sflag:s29] =	ssyncset.done $0x0  }
0x37: {  	s4 =	simm.s32 @!p1 $0x4E00;
	s5 =	simm.s32 @!p1 $0x7F00;
	[sflag:s29] =	ssyncadd.s32 $0xFFFFFC00  }
0x38: {  	[tilespmem:s5], [sflag:$0x1] =	stream.indirect.gather @!p1 [spmem:s2], $0x8, s4, s0, $0xb8;
	[tilespmem:$0xAB00] =	vst v63  }
0x39: {  	s4 =	simm.s32 @!p1 $0x1  }
0x3a: {  	_ =	swait.ge @!p1 [sflag:s4], $0x400  }
0x3b: {  	[sflag:s4] =	ssyncset.done @!p1 $0x0  }
0x3c: {  	[sflag:s4] =	ssyncadd.s32 @!p1 $0xFFFFFC00;
	s4 =	simm.s32 @!p1 $0x4E80  }
0x3d: {  	[spmem:s1] =	stream.indirect.scatter.add.f32 @!p1 [tilespmem:s5], [sflag:$0x3], $0x8, s4, s0, $0xb8;
	[tilespmem:$0xAB00] =	vst v63  }
0x3e: {  	s0 =	simm.s32 @!p1 $0x3  }
0x3f: {  	_ =	swait.ge @!p1 [sflag:s0], $0x400  }
0x40: {  	s31 =	sadd.s32 $0x1, s31;
	[sflag:s0] =	ssyncset.done @!p1 $0x0  }
0x41: {  	p3 =	sne.s32 s31, s9;
	[sflag:s0] =	ssyncadd.s32 @!p1 $0xFFFFFC00  }
0x42: {  	s4 =	simm.s32 @!p2 $0x1C03;
	s0 =	sshrl.u32 @!p2 s1, $0x3;
	[bflag:$0x0] =	sbarrier.arrive $0xFFFF  }
0x43: {  	[hbm:s8], [sflag:s4] =	dma.local @!p2 [spmem:s0], $0x2800  }
.Ltmp1:
0x44: {  	_ = 	snop;
	(pc) =	sbr.rel @!p3 .LBB2_13-.Ltmp1, $4  }
0x45: {  	s0 =	simm.s32 @!p2 $0x3  }
0x46: {  	_ =	swait.ge @!p2 [sflag:s0], $0x2800  }
0x47: {  	[sflag:s0] =	ssyncset.done @!p2 $0x0  }
0x48: {  	[sflag:s0] =	ssyncadd.s32 @!p2 $0xFFFFD800  }
.LBB2_1:
0x49: {  	[tilespmem:s3], [sflag:$0x3] =	stream.linear.gather [hbm4b:s6+s3], $0x2700, $0x38;
	[tilespmem:$0xAB00] =	vst v63  }
0x4a: {  	_ =	swait.ge [sflag:s10], $0x2700  }
0x4b: {  	[sflag:s10] =	ssyncset.done $0x0  }
.Ltmp2:
0x4c: {  	s0 =	simm.s32 $0x2700;
	[sflag:s10] =	ssyncadd.s32 $0xFFFFD900;
	(pc) =	sbr.rel @p0 .LBB2_4-.Ltmp2, $4  }
0x4d: {  	[tilespmem:s0], [sflag:$0x3] =	stream.linear.gather [hbm4b:s11+s3], $0x2700, $0x38;
	[tilespmem:$0xAB00] =	vst v63  }
0x4e: {  	_ =	swait.ge [sflag:s10], $0x2700  }
0x4f: {  	[sflag:s10] =	ssyncset.done $0x0  }
0x50: {  	[sflag:s10] =	ssyncadd.s32 $0xFFFFD900  }
.Ltmp3:
0x51: {  	(pc) =	sbr.rel @p2 .LBB2_6-.Ltmp3, $1  }
0x52: {  	_ =	sdelay $0x3  }
.Ltmp4:
0x53: {  	(pc) =	sbr.rel .LBB2_5-.Ltmp4, $3  }
0x54: {  	_ =	sdelay $0x1  }
0x55: {  	s0 =	sshrl.u32 s1, $0x3;
	s4 =	rddreg [dreg:$0x5];
	s5 =	simm.s32 $0x1C03  }
0x56: {  	[spmem:s0], [sflag:s5] =	dma.local [hbm:s4], $0x2800  }
.LBB2_4:
0x57: {  	s0 =	rddreg [dreg:$0x4]  }
0x58: {  	s4 =	rddreg [dreg:$0x6];
	s5 =	simm.s32 $0x1C43  }
0x59: {  	[spmem:s4], [sflag:s5] =	dma.local [hbm:s0], $0x2800  }
.LBB2_5:
0x5a: {  	_ =	swait.ge [sflag:s10], $0x2800  }
0x5b: {  	[sflag:s10] =	ssyncset.done $0x0  }
0x5c: {  	[sflag:s10] =	ssyncadd.s32 $0xFFFFD800  }
.LBB2_6:
0x5d: {  	s0 =	simm.s32 @!p1 $0x0;
	s4 =	simm.s32 @!p1 $0x4E00  }
0x5e: {  	[tilespmem:s4], [sflag:$0x3] =	stream.linear.gather @!p1 [hbm4b:s7+s0], $0x80, $0x38;
	[tilespmem:$0xAB00] =	vst v63  }
0x5f: {  	s4 =	simm.s32 @!p1 $0x3  }
0x60: {  	_ =	swait.ge @!p1 [sflag:s4], $0x80  }
0x61: {  	[sflag:s4] =	ssyncset.done @!p1 $0x0  }
0x62: {  	s14 =	simm.s32 @!p1 $0x4E80;
	[sflag:s4] =	ssyncadd.s32 @!p1 $0xFFFFFF80  }
0x63: {  	[tilespmem:s14], [sflag:$0x3] =	stream.linear.gather @!p1 [hbm4b:s15+s0], $0x80, $0x38;
	[tilespmem:$0xAB00] =	vst v63  }
0x64: {  	_ =	swait.ge @!p1 [sflag:s4], $0x80  }
0x65: {  	[sflag:s4] =	ssyncset.done @!p1 $0x0  }
0x66: {  	[sflag:s4] =	ssyncadd.s32 @!p1 $0xFFFFFF80  }
0x67: {  	s4 =	simm.s32 $0x0;
	[bflag:$0x0] =	sbarrier.arrive $0xFFFF  }
0x68: {  	[tilespmem:s17], [sflag:$0x1] =	stream.indirect.gather [spmem:s2], $0x8, s4, s16, $0xb8;
	[tilespmem:$0xAB00] =	vst v63  }
0x69: {  	_ = 	snop  }
0x6a: {  	[tilespmem:s18], [sflag:$0x1] =	stream.indirect.gather [spmem:s2], $0x8, s16, s16, $0xb8;
	[tilespmem:$0xAB00] =	vst v63  }
0x6b: {  	_ = 	snop  }
0x6c: {  	[tilespmem:s20], [sflag:$0x1] =	stream.indirect.gather [spmem:s2], $0x8, s19, s16, $0xb8;
	[tilespmem:$0xAB00] =	vst v63  }
0x6d: {  	_ = 	snop  }
0x6e: {  	[tilespmem:s22], [sflag:$0x1] =	stream.indirect.gather [spmem:s2], $0x8, s21, s16, $0xb8;
	[tilespmem:$0xAB00] =	vst v63  }
.Ltmp5:
0x6f: {  	_ = 	snop;
	(pc) =	sbr.rel .LBB2_7-.Ltmp5, $4  }
0x70: {  	_ = 	snop  }
0x71: {  	[tilespmem:s24], [sflag:$0x1] =	stream.indirect.gather [spmem:s2], $0x8, s23, s16, $0xb8;
	[tilespmem:$0xAB00] =	vst v63  }
0x72: {  	s14 =	simm.s32 $0x0  }
0x73: {  	[tilespmem:s26], [sflag:$0x1] =	stream.indirect.gather [spmem:s2], $0x8, s25, s16, $0xb8;
	[tilespmem:$0xAB00] =	vst v63  }
.LBB2_10:
0x74: {  	s0 =	sxor.u32 $0x1, s30  }
0x75: {  	s0 =	smul.u32 $0x6000, s0;
	_ =	sdelay $0x1  }
0x76: {  	s5 =	sshra.s32 s4, $0x2;
	s0 =	sshrl.u32 s0, $0x2  }
0x77: {  	s12 =	sadd.s32 $0x300, s5;
	s13 =	sadd.s32 $0x4F00, s0  }
0x78: {  	[tilespmem:s13], [sflag:$0x1] =	stream.indirect.gather [spmem:s2], $0x8, s12, s16, $0xb8;
	[tilespmem:$0xAB00] =	vst v63  }
0x79: {  	s12 =	sadd.s32 $0x5300, s0;
	s13 =	sadd.s32 $0x380, s5  }
0x7a: {  	[tilespmem:s12], [sflag:$0x1] =	stream.indirect.gather [spmem:s2], $0x8, s13, s16, $0xb8;
	[tilespmem:$0xAB00] =	vst v63  }
0x7b: {  	s12 =	sadd.s32 $0x5700, s0;
	s13 =	sadd.s32 $0x400, s5  }
0x7c: {  	[tilespmem:s12], [sflag:$0x1] =	stream.indirect.gather [spmem:s2], $0x8, s13, s16, $0xb8;
	[tilespmem:$0xAB00] =	vst v63  }
0x7d: {  	s12 =	sadd.s32 $0x5B00, s0;
	s13 =	sadd.s32 $0x480, s5  }
0x7e: {  	[tilespmem:s12], [sflag:$0x1] =	stream.indirect.gather [spmem:s2], $0x8, s13, s16, $0xb8;
	[tilespmem:$0xAB00] =	vst v63  }
0x7f: {  	s12 =	sadd.s32 $0x5F00, s0;
	s13 =	sadd.s32 $0x500, s5  }
0x80: {  	[tilespmem:s12], [sflag:$0x1] =	stream.indirect.gather [spmem:s2], $0x8, s13, s16, $0xb8;
	[tilespmem:$0xAB00] =	vst v63  }
0x81: {  	s0 =	sor.u32 $0x6300, s0;
	s5 =	sadd.s32 $0x580, s5  }
0x82: {  	[tilespmem:s0], [sflag:$0x1] =	stream.indirect.gather [spmem:s2], $0x8, s5, s16, $0xb8;
	[tilespmem:$0xAB00] =	vst v63  }
0x83: {  	s0 =	smov.u32 s4  }
.LBB2_11:
0x84: {  	s5 =	smul.u32 $0x6000, s30;
	_ =	sdelay $0x1  }
0x85: {  	s0 =	sshra.s32 s0, $0x2;
	s5 =	sshrl.u32 s5, $0x2  }
0x86: {  	s13 =	sadd.s32 $0x2700, s0;
	s12 =	sadd.s32 $0x4F00, s5  }
0x87: {  	[spmem:s1] =	stream.indirect.scatter.add.f32 [tilespmem:s12], [sflag:$0x2], $0x8, s13, s16, $0xb8;
	[tilespmem:$0xAB00] =	vst v63  }
0x88: {  	s30 =	sadd.s32 $0x2780, s0;
	s13 =	sadd.s32 $0x5300, s5  }
0x89: {  	[spmem:s1] =	stream.indirect.scatter.add.f32 [tilespmem:s13], [sflag:$0x2], $0x8, s30, s16, $0xb8;
	[tilespmem:$0xAB00] =	vst v63  }
0x8a: {  	s4 =	sadd.s32 $0xC00, s4;
	s13 =	sadd.s32 $0x5700, s5;
	s30 =	sadd.s32 $0x2800, s0  }
0x8b: {  	[spmem:s1] =	stream.indirect.scatter.add.f32 [tilespmem:s13], [sflag:$0x2], $0x8, s30, s16, $0xb8;
	[tilespmem:$0xAB00] =	vst v63  }
0x8c: {  	p3 =	sne.s32 s4, $0x9C00;
	s13 =	sadd.s32 $0x5B00, s5;
	s30 =	sadd.s32 $0x2880, s0  }
0x8d: {  	[spmem:s1] =	stream.indirect.scatter.add.f32 [tilespmem:s13], [sflag:$0x2], $0x8, s30, s16, $0xb8;
	[tilespmem:$0xAB00] =	vst v63  }
.Ltmp6:
0x8e: {  	_ = 	snop;
	(pc) =	sbr.rel @!p3 .LBB2_12-.Ltmp6, $4  }
0x8f: {  	s13 =	sadd.s32 $0x5F00, s5;
	s30 =	sadd.s32 $0x2900, s0  }
0x90: {  	[spmem:s1] =	stream.indirect.scatter.add.f32 [tilespmem:s13], [sflag:$0x2], $0x8, s30, s16, $0xb8;
	[tilespmem:$0xAB00] =	vst v63  }
0x91: {  	s14 =	sadd.s32 $0x1, s14;
	s5 =	sor.u32 $0x6300, s5;
	s0 =	sadd.s32 $0x2980, s0  }
0x92: {  	[spmem:s1] =	stream.indirect.scatter.add.f32 [tilespmem:s5], [sflag:$0x2], $0x8, s0, s16, $0xb8;
	[tilespmem:$0xAB00] =	vst v63  }
.LBB2_7:
0x93: {  	_ =	swait.ge [sflag:s28], $0x400  }
0x94: {  	[sflag:s28] =	ssyncset.done $0x0  }
0x95: {  	[sflag:s28] =	ssyncadd.s32 $0xFFFFFC00  }
0x96: {  	_ =	swait.ge [sflag:s28], $0x400  }
0x97: {  	[sflag:s28] =	ssyncset.done $0x0  }
0x98: {  	[sflag:s28] =	ssyncadd.s32 $0xFFFFFC00  }
0x99: {  	_ =	swait.ge [sflag:s28], $0x400  }
0x9a: {  	[sflag:s28] =	ssyncset.done $0x0  }
0x9b: {  	[sflag:s28] =	ssyncadd.s32 $0xFFFFFC00  }
0x9c: {  	_ =	swait.ge [sflag:s28], $0x400  }
0x9d: {  	[sflag:s28] =	ssyncset.done $0x0  }
0x9e: {  	[sflag:s28] =	ssyncadd.s32 $0xFFFFFC00  }
0x9f: {  	p3 =	seq.s32 s14, $0x0;
	_ =	swait.ge [sflag:s28], $0x400  }
.Ltmp7:
0xa0: {  	[sflag:s28] =	ssyncset.done $0x0;
	(pc) =	sbr.rel @p3 .LBB2_10-.Ltmp7, $4  }
0xa1: {  	[sflag:s28] =	ssyncadd.s32 $0xFFFFFC00  }
0xa2: {  	_ =	swait.ge [sflag:s28], $0x400  }
0xa3: {  	[sflag:s28] =	ssyncset.done $0x0  }
0xa4: {  	s30 =	sand.u32 $0x1, s14;
	[sflag:s28] =	ssyncadd.s32 $0xFFFFFC00  }
0xa5: {  	p3 =	seq.s32 s14, $0xC  }
.Ltmp8:
0xa6: {  	_ = 	snop;
	(pc) =	sbr.rel @p3 .LBB2_11-.Ltmp8, $2  }
0xa7: {  	_ =	sdelay $0x2  }
0xa8: {  	s0 =	simm.s32 $0x9000  }
0xa9: {  	_ =	swait.ge [sflag:s29], $0x400  }
0xaa: {  	[sflag:s29] =	ssyncset.done $0x0  }
0xab: {  	[sflag:s29] =	ssyncadd.s32 $0xFFFFFC00  }
0xac: {  	_ =	swait.ge [sflag:s29], $0x400  }
0xad: {  	[sflag:s29] =	ssyncset.done $0x0  }
0xae: {  	[sflag:s29] =	ssyncadd.s32 $0xFFFFFC00  }
0xaf: {  	_ =	swait.ge [sflag:s29], $0x400  }
0xb0: {  	[sflag:s29] =	ssyncset.done $0x0  }
0xb1: {  	[sflag:s29] =	ssyncadd.s32 $0xFFFFFC00  }
0xb2: {  	_ =	swait.ge [sflag:s29], $0x400  }
0xb3: {  	[sflag:s29] =	ssyncset.done $0x0  }
0xb4: {  	[sflag:s29] =	ssyncadd.s32 $0xFFFFFC00  }
0xb5: {  	_ =	swait.ge [sflag:s29], $0x400  }
.Ltmp9:
0xb6: {  	[sflag:s29] =	ssyncset.done $0x0;
	(pc) =	sbr.rel .LBB2_10-.Ltmp9, $4  }
0xb7: {  	[sflag:s29] =	ssyncadd.s32 $0xFFFFFC00  }
0xb8: {  	_ =	swait.ge [sflag:s29], $0x400  }
0xb9: {  	[sflag:s29] =	ssyncset.done $0x0  }
0xba: {  	[sflag:s29] =	ssyncadd.s32 $0xFFFFFC00  }
.LBB2_13:
0xbb: {  	_ =	sfence.sel $0x180000  }
0xbc: {  	[bflag:$0x0] =	sbarrier.arrive $0xFFFF  }
0xbd: {  	_ =	strace $0x9000004A  }
0xbe: {  	[bflag:$0x2] =	sbarrier.arrive $0xFFFF  }
0xbf: {  	s0 =	rddreg [dreg:$0x3]  }
0xc0: {  	s0 =	sadd.s32 @!p2 $0x100000, s0  }
0xc1: {  	[sflag:s0] =	ssyncadd.tile.s32 @!p2 $0x1;
	_ =	shalt  }
.Lfunc_end2:
_tile_overlayer_lowered:
.L_overlay_start_2:
0xc2: {  	(tag) =	ssettag $0x2  }
0xc3: {  	s0 =	rddreg [dreg:$0x0];
	s2 =	stileid.u32  }
0xc4: {  	s1 =	rddreg [dreg:$0x1];
	p0 =	sne.s32 s2, $0x0  }
0xc5: {  	s3 =	rddreg [dreg:$0x2];
	[bflag:$0x3] =	sbarrier.arrive $0xFFFF;
	s2 =	simm.s32 @!p0 $0x1C03  }
0xc6: {  	[timem:s3], [sflag:s2] =	dma.local @!p0 [hbm:s0], s1  }
0xc7: {  	s0 =	simm.s32 @!p0 $0x3  }
0xc8: {  	_ =	swait.ge @!p0 [sflag:s0], s1  }
0xc9: {  	s1 =	ssub.s32 @!p0 $0x0, s1;
	[sflag:s0] =	ssyncset.done @!p0 $0x0  }
0xca: {  	[sflag:s0] =	ssyncadd.s32 @!p0 s1  }
0xcb: {  	[bflag:$0x3] =	sbarrier.arrive $0xFFFF  }
0xcc: {  	_ =	shalt  }

// kernel: kernel.7.cloned.1.call-start
scs
__scs_entry_jumppad:
0x0: {  	(pc) =	sbr.rel $0x88, $3  }
0x1: {  	(tag) =	ssettag $0x0;
	lr =	simm.s32 $0x1  }
0x2: {  	[smem:$0x3F9C] =	sst lr;
	_ =	strace $0xD0000000  }
0x3: {  	_ = 	snop  }
0x4: {  	_ = 	snop  }
0x5: {  	_ = 	snop  }
0x6: {  	_ = 	snop  }
0x7: {  	_ = 	snop  }
__scs_overlays_trampoline_lowered:
0x8: {  	[smem:$0x3FAB] =	sst s0  }
0x9: {  	[smem:$0x3FAC] =	sst s1  }
0xa: {  	[smem:$0x3FAD] =	sst s2  }
0xb: {  	[smem:$0x3FAE] =	sst s3  }
0xc: {  	[smem:$0x3FAF] =	sst s4  }
0xd: {  	[smem:$0x3FB0] =	sst s5  }
0xe: {  	[smem:$0x3FB1] =	sst s6  }
0xf: {  	[smem:$0x3FB2] =	sst s7  }
0x10: {  	[smem:$0x3FB3] =	sst s8  }
0x11: {  	[smem:$0x3FB4] =	sst s9;
	s0 =	simm.s32 @!p0 $0x0  }
0x12: {  	s1 =	sld [smem:$0x3F9A];
	s0 =	simm.s32 @p0 $0x1  }
0x13: {  	[smem:$0x3FB5] =	sst s0;
	s0 =	simm.s32 @!p1 $0x0  }
0x14: {  	s2 =	sld [smem:$0x3F99];
	s0 =	simm.s32 @p1 $0x1  }
0x15: {  	[smem:$0x3FB6] =	sst s0;
	s0 =	simm.s32 @!p2 $0x0  }
0x16: {  	s3 =	sld [smem:$0x3FDB];
	s0 =	simm.s32 @p2 $0x1  }
0x17: {  	s4 =	simm.s32 $0x1BF5;
	[smem:$0x3FB8] =	sst s0  }
0x18: {  	s0 =	sld [smem:$0x3F9B];
	_ =	swait.ge [sflag:s4], $0x0  }
0x19: {  	s7 =	sld [smem:$0x3F9C]  }
0x1a: {  	s8 =	sadd.s32 $0xFFFFE003, lr  }
0x1b: {  	s9 =	sadd.s32 $0xFFFFFEF7, lr;
	s5 =	simm.s32 $0xFFFFFFFF;
	p2 =	slt.u32 s8, $0xFFFFF086  }
0x1c: {  	p1 =	slt.u32 s9, $0xF7A;
	s5 =	simm.s32 @!p2 $0x0  }
0x1d: {  	s5 =	simm.s32 @p1 $0x1;
	p0 =	seq.s32 s7, s2  }
0x1e: {  	s7 =	smul.u32 @!p0 $0xF7A, s2;
	p2 =	seq.s32 @!p0 s5, $0x0  }
0x1f: {  	s9 =	smul.u32 $0xF7A, s1;
	s8 =	simm.s32 @!p0 $0x1BF5;
	p2 =	por !p2, p0  }
0x20: {  	[sflag:s8] =	ssyncset.s32 @!p0 $0xFFFFF086;
	s6 =	sadd.s32 @!p0 s3, s7;
	s7 =	simm.s32 @!p0 $0x108  }
0x21: {  	s3 =	sadd.s32 s3, s9;
	s6 =	sadd.s32 @!p0 $0x88, s6;
	s7 =	simm.s32 @p2 $0x1082  }
0x22: {  	[simem:s7], [sflag:s8] =	dma.local @!p0 [hbm:s6], $0xF7A  }
0x23: {  	s9 =	sor.u32 $0xD0000000, s2;
	s6 =	simm.s32 $0x108;
	_ =	swait.ge @!p0 [sflag:s8], $0x0  }
0x24: {  	s3 =	sadd.s32 $0x88, s3;
	s6 =	simm.s32 @!p1 $0x1082;
	[sflag:s4] =	ssyncset.s32 $0xFFFFF086  }
0x25: {  	[simem:s6], [sflag:s4] =	dma.local [hbm:s3], $0xF7A  }
0x26: {  	[smem:$0x3F9C] =	sst s1;
	(tag) =	ssettag s2;
	_ =	strace s9  }
0x27: {  	s1 =	sld [smem:$0x3FAC]  }
0x28: {  	s2 =	sld [smem:$0x3FAD]  }
0x29: {  	s4 =	sld [smem:$0x3FAF]  }
0x2a: {  	p0 =	seq.s32 s5, $0x0;
	s5 =	sld [smem:$0x3FB0]  }
0x2b: {  	s6 =	sld [smem:$0x3FB1]  }
0x2c: {  	s7 =	sld [smem:$0x3FB2]  }
0x2d: {  	s3 =	simm.s32 $0x108;
	s8 =	sld [smem:$0x3FB3]  }
0x2e: {  	s3 =	simm.s32 @!p0 $0x1082;
	s9 =	sld [smem:$0x3FB4]  }
0x2f: {  	lr =	sadd.s32 s0, s3;
	s0 =	sld [smem:$0x3FAB]  }
0x30: {  	s3 =	sld [smem:$0x3FAE]  }
0x31: {  	[smem:$0x3FB7] =	sst s10  }
0x32: {  	s10 =	sld [smem:$0x3FB5];
	_ =	sdelay $0x3  }
0x33: {  	p0 =	seq.s32 s10, $0x1;
	s10 =	sld [smem:$0x3FB7];
	_ =	sdelay $0x3  }
0x34: {  	[smem:$0x3FB7] =	sst s10  }
0x35: {  	s10 =	sld [smem:$0x3FB6];
	_ =	sdelay $0x3  }
0x36: {  	p1 =	seq.s32 s10, $0x1;
	s10 =	sld [smem:$0x3FB7];
	_ =	sdelay $0x3  }
0x37: {  	[smem:$0x3FB7] =	sst s10  }
0x38: {  	s10 =	sld [smem:$0x3FB8]  }
0x39: {  	_ = 	snop;
	(pc) =	sbr.ind lr, $3  }
0x3a: {  	_ = 	snop  }
0x3b: {  	_ = 	snop  }
0x3c: {  	p2 =	seq.s32 s10, $0x1;
	s10 =	sld [smem:$0x3FB7]  }
0x3d: {  	_ =	shalt  }
0x3e: {  	_ =	shalt  }
0x3f: {  	_ =	shalt  }
0x40: {  	_ =	shalt  }
0x41: {  	_ =	shalt  }
0x42: {  	_ =	shalt  }
0x43: {  	_ =	shalt  }
0x44: {  	_ =	shalt  }
0x45: {  	_ =	shalt  }
0x46: {  	_ =	shalt  }
0x47: {  	_ =	shalt  }
0x48: {  	_ =	shalt  }
0x49: {  	_ =	shalt  }
0x4a: {  	_ =	shalt  }
0x4b: {  	_ =	shalt  }
0x4c: {  	_ =	shalt  }
0x4d: {  	_ =	shalt  }
0x4e: {  	_ =	shalt  }
0x4f: {  	_ =	shalt  }
0x50: {  	_ =	shalt  }
0x51: {  	_ =	shalt  }
0x52: {  	_ =	shalt  }
0x53: {  	_ =	shalt  }
0x54: {  	_ =	shalt  }
0x55: {  	_ =	shalt  }
0x56: {  	_ =	shalt  }
0x57: {  	_ =	shalt  }
0x58: {  	_ =	shalt  }
0x59: {  	_ =	shalt  }
0x5a: {  	_ =	shalt  }
0x5b: {  	_ =	shalt  }
0x5c: {  	_ =	shalt  }
0x5d: {  	_ =	shalt  }
0x5e: {  	_ =	shalt  }
0x5f: {  	_ =	shalt  }
0x60: {  	_ =	shalt  }
0x61: {  	_ =	shalt  }
0x62: {  	_ =	shalt  }
0x63: {  	_ =	shalt  }
0x64: {  	_ =	shalt  }
0x65: {  	_ =	shalt  }
0x66: {  	_ =	shalt  }
0x67: {  	_ =	shalt  }
0x68: {  	_ =	shalt  }
0x69: {  	_ =	shalt  }
0x6a: {  	_ =	shalt  }
0x6b: {  	_ =	shalt  }
0x6c: {  	_ =	shalt  }
0x6d: {  	_ =	shalt  }
0x6e: {  	_ =	shalt  }
0x6f: {  	_ =	shalt  }
0x70: {  	_ =	shalt  }
0x71: {  	_ =	shalt  }
0x72: {  	_ =	shalt  }
0x73: {  	_ =	shalt  }
0x74: {  	_ =	shalt  }
0x75: {  	_ =	shalt  }
0x76: {  	_ =	shalt  }
0x77: {  	_ =	shalt  }
0x78: {  	_ =	shalt  }
0x79: {  	_ =	shalt  }
0x7a: {  	_ =	shalt  }
0x7b: {  	_ =	shalt  }
0x7c: {  	_ =	shalt  }
0x7d: {  	_ =	shalt  }
0x7e: {  	_ =	shalt  }
0x7f: {  	_ =	shalt  }
0x80: {  	_ =	shalt  }
0x81: {  	_ =	shalt  }
0x82: {  	_ =	shalt  }
0x83: {  	_ =	shalt  }
0x84: {  	_ =	shalt  }
0x85: {  	_ =	shalt  }
0x86: {  	_ =	shalt  }
0x87: {  	_ =	shalt  }
.Lfunc_end0:
.L_simem_size_0:
called_computation_lowered:
.L_overlay_start_0:
0x88: {  	s2 =	sld [smem:$0x3FD9]  }
0x89: {  	s3 =	sld [smem:$0x3FFE];
	_ =	sdelay $0x1  }
0x8a: {  	s1 =	srdreg.scid  }
0x8b: {  	s0 =	sand.u32 $0x1, s1  }
0x8c: {  	s16 =	sshll.u32 s0, $0xA;
	s2 =	sadd.s32 s3, s2  }
0x8d: {  	s2 =	sadd.s32 s2, s16  }
0x8e: {  	[smem:$0x3FC3] =	sst s2  }
0x8f: {  	_ = 	snop  }
0x90: {  	(tm) =	ssettm $0x1  }
0x91: {  	s17 =	sld [smem:$0x3FFB];
	_ =	sdelay $0x3  }
0x92: {  	_ =	strace s17  }
0x93: {  	s2 =	sld [smem:$0x3FFC];
	_ =	sdelay $0x3  }
0x94: {  	_ =	strace s2  }
0x95: {  	s2 =	sld [smem:$0x3FFD];
	_ =	sdelay $0x3  }
0x96: {  	_ =	strace s2  }
0x97: {  	_ =	strace $0x8FFFFFFF  }
0x98: {  	s18 =	sld [smem:$0x3FDB];
	_ =	sdelay $0x1  }
0x99: {  	s19 =	simm.s32 $_scs_section_size  }
0x9a: {  	s4 =	simm.s32 $_size__tile_overlayer_lowered;
	s5 =	simm.s32 $_tile_overlayer_lowered  }
0x9b: {  	s22 =	simm.s32 $0x1BFF;
	s21 =	sshll.u32 s5, $0x1;
	s2 =	sadd.s32 s19, s18  }
0x9c: {  	s6 =	simm.s32 $0x0;
	s20 =	sshll.u32 s4, $0x1;
	s4 =	sadd.s32 s21, s2  }
0x9d: {  	[timem:s6], [sflag:s22] =	dma.local [hbm:s4], s20  }
0x9e: {  	_ =	swait.ge [sflag:s22], s20  }
0x9f: {  	s3 =	ssub.s32 $0x0, s20;
	[sflag:s22] =	ssyncset.done $0x0  }
0xa0: {  	[sflag:s22] =	ssyncadd.s32 s3;
	_ =	sdelay $0x1  }
0xa1: {  	s23 =	simm.s32 $0x1B8B  }
0xa2: {  	_ =	swait.ge [sflag:s23], $0x1  }
0xa3: {  	[sflag:s23] =	ssyncset.done $0x0  }
0xa4: {  	s25 =	simm.s32 $0x1B8E;
	s24 =	sld [smem:$0x3FFE];
	[sflag:s23] =	ssyncadd.s32 $0xFFFFFFFF  }
0xa5: {  	s26 =	simm.s32 $execute0_lowered;
	[smem:$0x3FD2] =	sst s25  }
0xa6: {  	s4 =	sshll.u32 s26, $0x1;
	_ =	strace $0x80000046;
	[dreg:$0x1] =	wrdreg $0xFFFFFFFF  }
0xa7: {  	s28 =	simm.s32 $_size_execute0_lowered;
	s2 =	sadd.s32 s2, s4;
	[dreg:$0x0] =	wrdreg $0x0  }
0xa8: {  	s4 =	sshll.u32 s28, $0x1;
	[dreg:$0x2] =	wrdreg s2  }
0xa9: {  	[dreg:$0x3] =	wrdreg s4  }
0xaa: {  	[dreg:$0x4] =	wrdreg $0xC0  }
0xab: {  	_ =	task [dreg:s6], $0x5FFFF  }
0xac: {  	[dreg:$0x1] =	wrdreg $0xFFFFFFFF  }
0xad: {  	[dreg:$0x0] =	wrdreg $0x60  }
0xae: {  	[dreg:$0x2] =	wrdreg s24  }
0xaf: {  	[dreg:$0x3] =	wrdreg $0x2B800  }
0xb0: {  	[dreg:$0x4] =	wrdreg $0x9  }
0xb1: {  	_ =	task.clear_ibuf [dreg:s6], $0x5FFFF;
	_ =	strace $0x90000046  }
0xb2: {  	s29 =	simm.s32 $0x9;
	_ =	strace $0x80000048  }
0xb3: {  	_ =	swait.ge [sflag:s29], $0x1  }
0xb4: {  	[sflag:s29] =	ssyncadd.s32 $0xFFFFFFFF  }
0xb5: {  	_ =	strace $0x90000048  }
0xb6: {  	_ =	sfence  }
0xb7: {  	s30 =	sld [smem:$0x0];
	_ =	sdelay $0x2  }
0xb8: {  	s31 =	sshll.u32 s1, $0xD;
	s1 =	sshrl.u32 s1, $0x2  }
0xb9: {  	s3 =	sand.u32 $0x4000, s31;
	s1 =	sadd.s32 s1, s30  }
0xba: {  	s0 =	sor.u32 s3, s0;
	s1 =	sshll.u32 s1, $0x11  }
0xbb: {  	s0 =	sor.u32 s1, s0  }
0xbc: {  	s0 =	sadd.s32 $0x8F2B, s0  }
0xbd: {  	[sflag:s0] =	ssyncadd.remote.s32 $0x1  }
0xbe: {  	_ =	sfence.sel $0xFFFF  }
0xbf: {  	[dreg:$0x0] =	wrdreg $0xFFFFFFFF;
	(pc) =	sbr.abs _section_cstart, $3  }
0xc0: {  	[dreg:$0x1] =	wrdreg $0xFFFFFFFF  }
0xc1: {  	_ =	task.clear_ibuf [dreg:s6], $0x2FFFF;
	_ =	strace $0x9FFFFFFF  }
0xc2: {  	(tm) =	ssettm $0x7FFFFFFF  }
0xc3: {  	_ =	shalt  }
tec
execute0_lowered:
.L_overlay_start_1:
0x0: {  	(tag) =	ssettag $0x1  }
0x1: {  	s5 =	rddreg [dreg:$0x0]  }
0x2: {  	s1 =	rddreg [dreg:$0x1]  }
0x3: {  	s0 =	rddreg [dreg:$0x2];
	s2 =	simm.s32 $0x0;
	s6 =	srdreg.scid  }
0x4: {  	s9 =	stileid.u32;
	[smem:$0x7FF] =	sst s2  }
0x5: {  	s3 =	sadd.s32 $0x15A00, s5;
	s4 =	sadd.s32 $0x15C00, s5;
	s6 =	sand.u32 $0x1, s6  }
0x6: {  	s30 =	sadd.s32 $0xBC40, s5;
	s13 =	sshll.u32 s9, $0x4;
	p0 =	sne.s32 s9, $0x0  }
0x7: {  	_ =	strace $0x80000047;
	s7 =	ssub.s32 $0x2, s6;
	s8 =	sshll.u32 s6, $0x4  }
0x8: {  	s6 =	smul.u32 $0x2800, s6;
	s31 =	sadd.s32 s13, s30;
	s13 =	simm.s32 $0x1  }
0x9: {  	s10 =	sshrl.u32 s7, $0x1;
	s12 =	sor.u32 s9, s8;
	s9 =	simm.s32 $0x2  }
0xa: {  	s11 =	smul.u32 $0x4E0, s12;
	s14 =	sadd.s32 s6, s5;
	s10 =	ssub.s32 s7, s10  }
0xb: {  	s6 =	sadd.s32 $0x9C00, s31;
	p1 =	sgt.u32 s12, $0x3;
	s12 =	simm.s32 $0x80  }
0xc: {  	s7 =	sadd.s32 $0x18400, s14;
	s8 =	smax.u32 s10, $0x1;
	s10 =	simm.s32 $0x2780  }
0xd: {  	s14 =	simm.s32 $0x0;
	s5 =	sadd.s32 s11, s30;
	s11 =	sshrl.u32 @!p0 s1, $0x3  }
.LBB2_1:
0xe: {  	[tilespmem:s2], [sflag:$0x2] =	stream.linear.gather [hbm4b:s5+s2], $0x2700, $0x38;
	[tilespmem:$0x3F80] =	vst v63  }
0xf: {  	_ =	swait.ge [sflag:s9], $0x2700  }
0x10: {  	[sflag:s9] =	ssyncset.done $0x0  }
0x11: {  	[sflag:s9] =	ssyncadd.s32 $0xFFFFD900  }
0x12: {  	[tilespmem:s10], [sflag:$0x2] =	stream.linear.gather [hbm4b:s3+s2], $0x400, $0x38;
	[tilespmem:$0x3F80] =	vst v63  }
0x13: {  	_ =	swait.ge [sflag:s9], $0x400  }
0x14: {  	[sflag:s9] =	ssyncset.done $0x0  }
0x15: {  	s15 =	simm.s32 @!p0 $0x1C02;
	[sflag:s9] =	ssyncadd.s32 $0xFFFFFC00  }
0x16: {  	[spmem:s11], [sflag:s15] =	dma.local @!p0 [hbm:s4], $0x2800  }
0x17: {  	s15 =	simm.s32 @!p0 $0x2  }
0x18: {  	_ =	swait.ge @!p0 [sflag:s15], $0x2800  }
0x19: {  	[sflag:s15] =	ssyncset.done @!p0 $0x0  }
0x1a: {  	s16 =	simm.s32 @!p1 $0x2700;
	[sflag:s15] =	ssyncadd.s32 @!p0 $0xFFFFD800;
	s15 =	simm.s32 @!p1 $0x0  }
0x1b: {  	[tilespmem:s16], [sflag:$0x2] =	stream.linear.gather @!p1 [hbm4b:s6+s15], $0x80, $0x38;
	[tilespmem:$0x3F80] =	vst v63  }
0x1c: {  	s15 =	simm.s32 @!p1 $0x2  }
0x1d: {  	_ =	swait.ge @!p1 [sflag:s15], $0x80  }
0x1e: {  	[sflag:s15] =	ssyncset.done @!p1 $0x0  }
0x1f: {  	[sflag:s15] =	ssyncadd.s32 @!p1 $0xFFFFFF80  }
0x20: {  	s25 =	simm.s32 $0x0;
	[bflag:$0x0] =	sbarrier.arrive $0xFFFF  }
0x21: {  	[spmem:s1] =	stream.indirect.scatter.add.f32 [tilespmem:s10], [sflag:$0x1], $0x8, s25, s12, $0xb8;
	[tilespmem:$0x3F80] =	vst v63  }
0x22: {  	s26 =	simm.s32 $0x80  }
0x23: {  	[spmem:s1] =	stream.indirect.scatter.add.f32 [tilespmem:s10], [sflag:$0x1], $0x8, s26, s12, $0xb8;
	[tilespmem:$0x3F80] =	vst v63  }
0x24: {  	s28 =	simm.s32 $0x100  }
0x25: {  	[spmem:s1] =	stream.indirect.scatter.add.f32 [tilespmem:s10], [sflag:$0x1], $0x8, s28, s12, $0xb8;
	[tilespmem:$0x3F80] =	vst v63  }
0x26: {  	s29 =	simm.s32 $0x180  }
0x27: {  	[spmem:s1] =	stream.indirect.scatter.add.f32 [tilespmem:s10], [sflag:$0x1], $0x8, s29, s12, $0xb8;
	[tilespmem:$0x3F80] =	vst v63  }
0x28: {  	s30 =	simm.s32 $0x200  }
0x29: {  	[spmem:s1] =	stream.indirect.scatter.add.f32 [tilespmem:s10], [sflag:$0x1], $0x8, s30, s12, $0xb8;
	[tilespmem:$0x3F80] =	vst v63  }
0x2a: {  	s31 =	simm.s32 $0x280  }
0x2b: {  	[spmem:s1] =	stream.indirect.scatter.add.f32 [tilespmem:s10], [sflag:$0x1], $0x8, s31, s12, $0xb8;
	[tilespmem:$0x3F80] =	vst v63  }
0x2c: {  	_ =	swait.ge [sflag:s13], $0x400  }
0x2d: {  	[sflag:s13] =	ssyncset.done $0x0  }
0x2e: {  	[sflag:s13] =	ssyncadd.s32 $0xFFFFFC00  }
0x2f: {  	_ =	swait.ge [sflag:s13], $0x400  }
0x30: {  	[sflag:s13] =	ssyncset.done $0x0  }
0x31: {  	[sflag:s13] =	ssyncadd.s32 $0xFFFFFC00  }
0x32: {  	_ =	swait.ge [sflag:s13], $0x400  }
0x33: {  	[sflag:s13] =	ssyncset.done $0x0  }
0x34: {  	[sflag:s13] =	ssyncadd.s32 $0xFFFFFC00  }
0x35: {  	_ =	swait.ge [sflag:s13], $0x400  }
0x36: {  	[sflag:s13] =	ssyncset.done $0x0  }
0x37: {  	[sflag:s13] =	ssyncadd.s32 $0xFFFFFC00  }
0x38: {  	_ =	swait.ge [sflag:s13], $0x400  }
0x39: {  	[sflag:s13] =	ssyncset.done $0x0  }
0x3a: {  	[sflag:s13] =	ssyncadd.s32 $0xFFFFFC00  }
0x3b: {  	_ =	swait.ge [sflag:s13], $0x400  }
0x3c: {  	s16 =	simm.s32 $0x1800;
	s15 =	simm.s32 $0xC00;
	[sflag:s13] =	ssyncset.done $0x0  }
.LBB2_2:
0x3d: {  	s17 =	sshra.s32 s15, $0x2  }
0x3e: {  	[sflag:s13] =	ssyncadd.s32 $0xFFFFFC00;
	s15 =	smov.u32 s16;
	s18 =	sadd.s32 $0xC00, s16  }
0x3f: {  	[spmem:s1] =	stream.indirect.scatter.add.f32 [tilespmem:s10], [sflag:$0x1], $0x8, s17, s12, $0xb8;
	[tilespmem:$0x3F80] =	vst v63  }
0x40: {  	p2 =	sne.s32 s16, $0x9000;
	s16 =	sadd.s32 $0x80, s17  }
0x41: {  	[spmem:s1] =	stream.indirect.scatter.add.f32 [tilespmem:s10], [sflag:$0x1], $0x8, s16, s12, $0xb8;
	[tilespmem:$0x3F80] =	vst v63  }
0x42: {  	s16 =	sadd.s32 $0x100, s17  }
0x43: {  	[spmem:s1] =	stream.indirect.scatter.add.f32 [tilespmem:s10], [sflag:$0x1], $0x8, s16, s12, $0xb8;
	[tilespmem:$0x3F80] =	vst v63  }
0x44: {  	s16 =	sadd.s32 $0x180, s17  }
0x45: {  	[spmem:s1] =	stream.indirect.scatter.add.f32 [tilespmem:s10], [sflag:$0x1], $0x8, s16, s12, $0xb8;
	[tilespmem:$0x3F80] =	vst v63  }
0x46: {  	s16 =	sadd.s32 $0x200, s17  }
0x47: {  	[spmem:s1] =	stream.indirect.scatter.add.f32 [tilespmem:s10], [sflag:$0x1], $0x8, s16, s12, $0xb8;
	[tilespmem:$0x3F80] =	vst v63  }
0x48: {  	s16 =	sadd.s32 $0x280, s17  }
0x49: {  	[spmem:s1] =	stream.indirect.scatter.add.f32 [tilespmem:s10], [sflag:$0x1], $0x8, s16, s12, $0xb8;
	[tilespmem:$0x3F80] =	vst v63  }
0x4a: {  	_ =	swait.ge [sflag:s13], $0x400  }
0x4b: {  	[sflag:s13] =	ssyncset.done $0x0  }
0x4c: {  	[sflag:s13] =	ssyncadd.s32 $0xFFFFFC00  }
0x4d: {  	_ =	swait.ge [sflag:s13], $0x400  }
0x4e: {  	[sflag:s13] =	ssyncset.done $0x0  }
0x4f: {  	[sflag:s13] =	ssyncadd.s32 $0xFFFFFC00  }
0x50: {  	_ =	swait.ge [sflag:s13], $0x400  }
0x51: {  	[sflag:s13] =	ssyncset.done $0x0  }
0x52: {  	[sflag:s13] =	ssyncadd.s32 $0xFFFFFC00  }
0x53: {  	_ =	swait.ge [sflag:s13], $0x400  }
0x54: {  	[sflag:s13] =	ssyncset.done $0x0  }
0x55: {  	[sflag:s13] =	ssyncadd.s32 $0xFFFFFC00  }
.Ltmp0:
0x56: {  	_ =	swait.ge [sflag:s13], $0x400;
	(pc) =	sbr.rel @p2 .LBB2_2-.Ltmp0, $4  }
0x57: {  	[sflag:s13] =	ssyncset.done $0x0  }
0x58: {  	[sflag:s13] =	ssyncadd.s32 $0xFFFFFC00  }
0x59: {  	_ =	swait.ge [sflag:s13], $0x400  }
0x5a: {  	s16 =	smov.u32 s18;
	[sflag:s13] =	ssyncset.done $0x0  }
0x5b: {  	s15 =	sshra.s32 s15, $0x2;
	[sflag:s13] =	ssyncadd.s32 $0xFFFFFC00  }
0x5c: {  	[spmem:s1] =	stream.indirect.scatter.add.f32 [tilespmem:s10], [sflag:$0x1], $0x8, s15, s12, $0xb8;
	[tilespmem:$0x3F80] =	vst v63  }
0x5d: {  	s16 =	sadd.s32 $0x80, s15  }
0x5e: {  	[spmem:s1] =	stream.indirect.scatter.add.f32 [tilespmem:s10], [sflag:$0x1], $0x8, s16, s12, $0xb8;
	[tilespmem:$0x3F80] =	vst v63  }
0x5f: {  	s29 =	sadd.s32 $0x100, s15  }
0x60: {  	[spmem:s1] =	stream.indirect.scatter.add.f32 [tilespmem:s10], [sflag:$0x1], $0x8, s29, s12, $0xb8;
	[tilespmem:$0x3F80] =	vst v63  }
0x61: {  	s30 =	sadd.s32 $0x180, s15  }
0x62: {  	[spmem:s1] =	stream.indirect.scatter.add.f32 [tilespmem:s10], [sflag:$0x1], $0x8, s30, s12, $0xb8;
	[tilespmem:$0x3F80] =	vst v63  }
0x63: {  	s31 =	sadd.s32 $0x200, s15  }
0x64: {  	[spmem:s1] =	stream.indirect.scatter.add.f32 [tilespmem:s10], [sflag:$0x1], $0x8, s31, s12, $0xb8;
	[tilespmem:$0x3F80] =	vst v63  }
0x65: {  	s15 =	sadd.s32 $0x280, s15  }
0x66: {  	[spmem:s1] =	stream.indirect.scatter.add.f32 [tilespmem:s10], [sflag:$0x1], $0x8, s15, s12, $0xb8;
	[tilespmem:$0x3F80] =	vst v63  }
0x67: {  	_ =	swait.ge [sflag:s13], $0x400  }
0x68: {  	[sflag:s13] =	ssyncset.done $0x0  }
0x69: {  	[sflag:s13] =	ssyncadd.s32 $0xFFFFFC00  }
0x6a: {  	_ =	swait.ge [sflag:s13], $0x400  }
0x6b: {  	[sflag:s13] =	ssyncset.done $0x0  }
0x6c: {  	[sflag:s13] =	ssyncadd.s32 $0xFFFFFC00  }
0x6d: {  	_ =	swait.ge [sflag:s13], $0x400  }
0x6e: {  	[sflag:s13] =	ssyncset.done $0x0  }
0x6f: {  	[sflag:s13] =	ssyncadd.s32 $0xFFFFFC00  }
0x70: {  	_ =	swait.ge [sflag:s13], $0x400  }
0x71: {  	[sflag:s13] =	ssyncset.done $0x0  }
0x72: {  	[sflag:s13] =	ssyncadd.s32 $0xFFFFFC00  }
0x73: {  	_ =	swait.ge [sflag:s13], $0x400  }
0x74: {  	[sflag:s13] =	ssyncset.done $0x0  }
0x75: {  	[sflag:s13] =	ssyncadd.s32 $0xFFFFFC00  }
0x76: {  	_ =	swait.ge [sflag:s13], $0x400  }
0x77: {  	s17 =	simm.s32 @!p1 $0x2780;
	[sflag:s13] =	ssyncset.done $0x0  }
0x78: {  	s16 =	simm.s32 @!p1 $0x2700;
	s15 =	simm.s32 @!p1 $0x80;
	[sflag:s13] =	ssyncadd.s32 $0xFFFFFC00  }
0x79: {  	[spmem:s1] =	stream.indirect.scatter.add.f32 @!p1 [tilespmem:s17], [sflag:$0x2], $0x8, s16, s15, $0xb8;
	[tilespmem:$0x3F80] =	vst v63  }
0x7a: {  	s15 =	simm.s32 @!p1 $0x2  }
0x7b: {  	_ =	swait.ge @!p1 [sflag:s15], $0x400  }
0x7c: {  	[sflag:s15] =	ssyncset.done @!p1 $0x0  }
0x7d: {  	s14 =	sadd.s32 $0x1, s14;
	[sflag:s15] =	ssyncadd.s32 @!p1 $0xFFFFFC00  }
0x7e: {  	p2 =	sne.s32 s14, s8;
	s15 =	simm.s32 @!p0 $0x1C02;
	[bflag:$0x0] =	sbarrier.arrive $0xFFFF  }
0x7f: {  	[hbm:s7], [sflag:s15] =	dma.local @!p0 [spmem:s11], $0x2800  }
.Ltmp1:
0x80: {  	_ = 	snop;
	(pc) =	sbr.rel @p2 .LBB2_1-.Ltmp1, $4  }
0x81: {  	s15 =	simm.s32 @!p0 $0x2  }
0x82: {  	_ =	swait.ge @!p0 [sflag:s15], $0x2800  }
0x83: {  	[sflag:s15] =	ssyncset.done @!p0 $0x0  }
0x84: {  	[sflag:s15] =	ssyncadd.s32 @!p0 $0xFFFFD800  }
0x85: {  	_ =	sfence.sel $0x180000  }
0x86: {  	[bflag:$0x0] =	sbarrier.arrive $0xFFFF  }
0x87: {  	_ =	strace $0x90000047  }
0x88: {  	s0 =	sadd.s32 @!p0 $0x100000, s0;
	[bflag:$0x2] =	sbarrier.arrive $0xFFFF  }
0x89: {  	[sflag:s0] =	ssyncadd.tile.s32 @!p0 $0x1;
	_ =	shalt  }
.Lfunc_end2:
_tile_overlayer_lowered:
.L_overlay_start_2:
0x8a: {  	(tag) =	ssettag $0x2  }
0x8b: {  	s0 =	rddreg [dreg:$0x0];
	s2 =	stileid.u32  }
0x8c: {  	s1 =	rddreg [dreg:$0x1];
	p0 =	sne.s32 s2, $0x0  }
0x8d: {  	s3 =	rddreg [dreg:$0x2];
	[bflag:$0x3] =	sbarrier.arrive $0xFFFF;
	s2 =	simm.s32 @!p0 $0x1C02  }
0x8e: {  	[timem:s3], [sflag:s2] =	dma.local @!p0 [hbm:s0], s1  }
0x8f: {  	s0 =	simm.s32 @!p0 $0x2  }
0x90: {  	_ =	swait.ge @!p0 [sflag:s0], s1  }
0x91: {  	s1 =	ssub.s32 @!p0 $0x0, s1;
	[sflag:s0] =	ssyncset.done @!p0 $0x0  }
0x92: {  	[sflag:s0] =	ssyncadd.s32 @!p0 s1  }
0x93: {  	[bflag:$0x3] =	sbarrier.arrive $0xFFFF  }
0x94: {  	_ =	shalt  }

</sc_bundles>
